<compile_context>
chip_gen: v7x
topology: tpu7x:2x2x1
jax: 0.10.2.dev20260603
libtpu: 0.0.44.dev20260713+nightly
codegen_flags: <defaults>
</compile_context>

<pallas_src>
import jax
import jax.numpy as jnp
from jax import lax
from jax.experimental import pallas as pl
from jax.experimental.pallas import tpu as pltpu
from jax.experimental.pallas import tpu_sc as plsc

B, C, H, W = 32, 2, 128, 128
HW = H * W
K = 500
KP = 512
GCH = 128
EPS = 1e-7
_TAN_3PI_8 = 2.414213562373095
_TAN_PI_8 = 0.414213562373095


def _atanq16(a, b):
    aa = jnp.abs(a)
    ab = jnp.abs(b)
    c1 = aa > _TAN_3PI_8 * ab
    c2 = aa > _TAN_PI_8 * ab
    num = jnp.where(c1, -ab, jnp.where(c2, aa - ab, aa))
    den = jnp.where(c1, aa, jnp.where(c2, aa + ab, ab))
    q = num / den
    y0 = jnp.where(c1, jnp.full_like(aa, jnp.pi / 2),
                   jnp.where(c2, jnp.full_like(aa, jnp.pi / 4),
                             jnp.zeros_like(aa)))
    z = q * q
    p = ((8.05374449538e-2 * z - 1.38776856032e-1) * z + 1.99777106478e-1) * z - 3.33329491539e-1
    r = y0 + (p * z * q + q)
    return jnp.where((a < 0) ^ (b < 0), -r, r)


def _ciou16(px, py, pw, ph, tx, ty, tw, th):
    p_x1 = px - pw * 0.5
    p_x2 = px + pw * 0.5
    p_y1 = py - ph * 0.5
    p_y2 = py + ph * 0.5
    t_x1 = tx - tw * 0.5
    t_x2 = tx + tw * 0.5
    t_y1 = ty - th * 0.5
    t_y2 = ty + th * 0.5
    iw = jnp.maximum(jnp.minimum(p_x2, t_x2) - jnp.maximum(p_x1, t_x1), 0.0)
    ih = jnp.maximum(jnp.minimum(p_y2, t_y2) - jnp.maximum(p_y1, t_y1), 0.0)
    inter = iw * ih
    union = pw * ph + tw * th - inter + EPS
    cw = jnp.maximum(p_x2, t_x2) - jnp.minimum(p_x1, t_x1)
    ch = jnp.maximum(p_y2, t_y2) - jnp.minimum(p_y1, t_y1)
    c2 = cw * cw + ch * ch + EPS
    dx = px - tx
    dy = py - ty
    rho2 = dx * dx + dy * dy
    da = _atanq16(tw, th + EPS) - _atanq16(pw, ph + EPS)
    v = (4.0 / (jnp.pi ** 2)) * (da * da)
    d = (1.0 + v + EPS) * union - inter
    uc = union * c2
    numer = inter * c2 * d - rho2 * union * d - (v * v) * union * uc
    return numer / (uc * d)


def kernel(output_wh, output_reg, mask, ind, target_wh, target_reg):
    wh_flat = output_wh.reshape(B * C * HW)
    reg_flat = output_reg.reshape(B * C * HW)
    pad2 = ((0, 0), (0, KP - K))
    pad3 = ((0, 0), (0, KP - K), (0, 0))
    ind_p = jnp.pad(ind, pad2).reshape(16, 2, KP)
    mask_p = jnp.pad(mask, pad2).reshape(16, 2, KP)
    im = jnp.stack([ind_p, mask_p], axis=2).reshape(16, 2 * 2 * KP)
    tw_ = jnp.pad(target_wh, pad3) * 0.5
    tr_ = jnp.pad(target_reg, pad3)
    tg = jnp.stack([tw_[:, :, 0].reshape(16, 2, KP), tw_[:, :, 1].reshape(16, 2, KP),
                    tr_[:, :, 0].reshape(16, 2, KP), tr_[:, :, 1].reshape(16, 2, KP)],
                   axis=2).reshape(16, 2 * 4 * KP)
    pk = jnp.concatenate([im.astype(jnp.float32), tg], axis=1)

    mesh = plsc.VectorSubcoreMesh(core_axis_name="c", subcore_axis_name="s",
                                  num_cores=1)

    def body(wh_hbm, reg_hbm, pk_hbm, out_hbm,
             pk_v, rows0_v, rows1_v,
             pwh0_v, pwh1_v, preg0_v, preg1_v,
             part_v, tmp_v, shared, sem0, sem1):
        s = lax.axis_index("s")
        zero16f = jnp.zeros((16,), jnp.float32)

        pltpu.sync_copy(pk_hbm.at[s, pl.ds(0, 2048)], pk_v.at[pl.ds(0, 2048)])
        cps = {0: [pltpu.async_copy(pk_hbm.at[s, pl.ds(2048, 4096)],
                                    pk_v.at[pl.ds(2048, 4096)], sem0)], 1: []}

        for h in (0, 1):
            base = (2 * s + h) * (C * HW)

            def rows_body(j, carry, h=h, base=base):
                ich = pk_v[pl.ds(h * 1024 + j * 16, 16)].astype(jnp.int32)
                r0 = ich + base
                rows0_v[pl.ds(h * KP + j * 16, 16)] = r0
                rows1_v[pl.ds(h * KP + j * 16, 16)] = r0 + HW
                return carry

            lax.fori_loop(0, KP // 16, rows_body, 0, unroll=4)

            sem = sem0 if h == 0 else sem1
            for g in range(KP // GCH):
                sl = pl.ds(h * KP + g * GCH, GCH)
                cps[h].append(pltpu.async_copy(wh_hbm.at[rows0_v.at[sl]], pwh0_v.at[sl], sem))
                cps[h].append(pltpu.async_copy(wh_hbm.at[rows1_v.at[sl]], pwh1_v.at[sl], sem))
                cps[h].append(pltpu.async_copy(reg_hbm.at[rows0_v.at[sl]], preg0_v.at[sl], sem))
                cps[h].append(pltpu.async_copy(reg_hbm.at[rows1_v.at[sl]], preg1_v.at[sl], sem))

        acc = (zero16f, zero16f)
        for h in (0, 1):
            for cp in cps[h]:
                cp.wait()

            def comp(j, carry, h=h):
                al, ac = carry
                o = j * 16
                ich = pk_v[pl.ds(h * 1024 + o, 16)].astype(jnp.int32)
                mf = pk_v[pl.ds(h * 1024 + KP + o, 16)]
                xi = (ich & (W - 1)).astype(jnp.float32)
                yi = lax.shift_right_logical(ich, 7).astype(jnp.float32)
                pw = pwh0_v[pl.ds(h * KP + o, 16)]
                ph = pwh1_v[pl.ds(h * KP + o, 16)]
                px = xi + preg0_v[pl.ds(h * KP + o, 16)]
                py = yi + preg1_v[pl.ds(h * KP + o, 16)]
                tbase = 2048 + h * 4 * KP
                tw = pk_v[pl.ds(tbase + o, 16)]
                th = pk_v[pl.ds(tbase + KP + o, 16)]
                tx = xi + pk_v[pl.ds(tbase + 2 * KP + o, 16)]
                ty = yi + pk_v[pl.ds(tbase + 3 * KP + o, 16)]
                ciou = _ciou16(px, py, pw, ph, tx, ty, tw, th)
                al = al + jnp.where(mf > 0, 1.0 - ciou, 0.0)
                ac = ac + mf
                return (al, ac)

            acc = lax.fori_loop(0, KP // 16, comp, acc, unroll=2)
        acc_l, acc_c = acc

        part_v[pl.ds(0, 16)] = acc_l
        part_v[pl.ds(16, 16)] = acc_c
        pltpu.sync_copy(part_v, shared.at[pl.ds(s * 32, 32)])
        plsc.subcore_barrier()

        @pl.when(s == 0)
        def _():
            pltpu.sync_copy(shared, tmp_v)

            al, ac = zero16f, zero16f
            for t in range(16):
                al = al + tmp_v[pl.ds(t * 32, 16)]
                ac = ac + tmp_v[pl.ds(t * 32 + 16, 16)]

            def lanesum(v):
                for k in (8, 4, 2, 1):
                    perm = (lax.iota(jnp.int32, 16) + k) & 15
                    v = v + v.at[perm].get(mode="promise_in_bounds")
                return v

            part_v[pl.ds(0, 16)] = lanesum(al) / (lanesum(ac) + 1e-4)
            pltpu.sync_copy(part_v.at[pl.ds(0, 1)], out_hbm)

    out = pl.kernel(
        body,
        out_type=jax.ShapeDtypeStruct((1,), jnp.float32),
        mesh=mesh,
        scratch_types=[
            pltpu.VMEM((6 * 1024,), jnp.float32),
            pltpu.VMEM((2 * KP,), jnp.int32),
            pltpu.VMEM((2 * KP,), jnp.int32),
            pltpu.VMEM((2 * KP,), jnp.float32),
            pltpu.VMEM((2 * KP,), jnp.float32),
            pltpu.VMEM((2 * KP,), jnp.float32),
            pltpu.VMEM((2 * KP,), jnp.float32),
            pltpu.VMEM((32,), jnp.float32),
            pltpu.VMEM((512,), jnp.float32),
            pltpu.VMEM_SHARED((512,), jnp.float32),
            pltpu.SemaphoreType.DMA,
            pltpu.SemaphoreType.DMA,
        ],
    )(wh_flat, reg_flat, pk)
    return out.reshape(())

# --- scband reference (transcript-rebuilt; emitter-appended) ---
"""Pipeline reference for scband-ciouloss-80779744903190 (READ-ONLY COPY).

The authoritative reference and input builder live on the scoring server;
editing this copy changes nothing except your own understanding.
"""

import jax, jax.numpy as jnp
import numpy as np


def _ciou(pred, target):
    eps = 1e-7
    px, py, pw, ph = pred[:, 0], pred[:, 1], pred[:, 2], pred[:, 3]
    tx, ty, tw, th = target[:, 0], target[:, 1], target[:, 2], target[:, 3]
    p_x1 = px - pw / 2.0
    p_x2 = px + pw / 2.0
    p_y1 = py - ph / 2.0
    p_y2 = py + ph / 2.0
    t_x1 = tx - tw / 2.0
    t_x2 = tx + tw / 2.0
    t_y1 = ty - th / 2.0
    t_y2 = ty + th / 2.0
    iw = jnp.clip(jnp.minimum(p_x2, t_x2) - jnp.maximum(p_x1, t_x1), 0.0)
    ih = jnp.clip(jnp.minimum(p_y2, t_y2) - jnp.maximum(p_y1, t_y1), 0.0)
    inter = iw * ih
    union = pw * ph + tw * th - inter + eps
    iou = inter / union
    cw = jnp.maximum(p_x2, t_x2) - jnp.minimum(p_x1, t_x1)
    ch = jnp.maximum(p_y2, t_y2) - jnp.minimum(p_y1, t_y1)
    c2 = cw * cw + ch * ch + eps
    rho2 = (px - tx) ** 2 + (py - ty) ** 2
    v = (4.0 / (jnp.pi ** 2)) * (jnp.arctan(tw / (th + eps)) - jnp.arctan(pw / (ph + eps))) ** 2
    alpha = jax.lax.stop_gradient(v / (1.0 - iou + v + eps))
    return iou - rho2 / c2 - alpha * v


def _transpose_and_gather_feat(feat, ind):
    B, C, H, W = feat.shape
    feat = jnp.transpose(feat, (0, 2, 3, 1)).reshape(B, H * W, C)
    idx = jnp.broadcast_to(ind[:, :, None], (B, ind.shape[1], C))
    return jnp.take_along_axis(feat, idx, axis=1)


def setup_inputs(seed: int = 0):
    key = jax.random.key(seed)
    k1, k2, k3, k4, k5, k6 = jax.random.split(key, 6)
    B, H, W, K = 32, 128, 128, 500
    return {
        "output_wh": jax.random.normal(k1, (B, 2, H, W), dtype=jnp.float32),
        "output_reg": jax.random.normal(k2, (B, 2, H, W), dtype=jnp.float32),
        "mask": jax.random.randint(k3, (B, K), 0, 2, dtype=jnp.int32),
        "ind": jax.random.randint(k4, (B, K), 0, H * W, dtype=jnp.int32),
        "target_wh": jax.random.uniform(k5, (B, K, 2), dtype=jnp.float32),
        "target_reg": jax.random.uniform(k6, (B, K, 2), dtype=jnp.float32),
    }


def reference(output_wh, output_reg, mask, ind, target_wh, target_reg):
    B, C, H, W = output_wh.shape
    pred_wh = _transpose_and_gather_feat(output_wh, ind)
    pred_reg = _transpose_and_gather_feat(output_reg, ind)
    x_indices = ind % H
    y_indices = (ind - x_indices).astype(jnp.float32) / H
    indices = jnp.concatenate([x_indices[:, :, None].astype(jnp.float32), y_indices[:, :, None]], axis=2)
    pred = indices + pred_reg
    target = indices + target_reg
    pred = jnp.concatenate([pred, pred_wh], axis=2).reshape(-1, 4)
    target = jnp.concatenate([target, target_wh / 2.0], axis=2).reshape(-1, 4)
    maskf = mask.reshape(-1)
    ciou = _ciou(pred, target)
    loss = jnp.where(maskf > 0, 1.0 - ciou, 0.0).sum()
    loss = loss / (maskf.sum().astype(jnp.float32) + 0.0001)
    return loss

if __name__ == "__main__":
    import jax
    _d = setup_inputs()
    print(jax.jit(kernel)(*tuple(_d.values())))

</pallas_src>

<mosaic_0001>
#map = affine_map<(d0, d1) -> (0)>
#map1 = affine_map<(d0, d1) -> (0, 0)>
module attributes {stable_mosaic.version = 14 : i64} {
  func.func @body(%arg0: i32, %arg1: i32, %arg2: memref<1048576xf32, #tpu.memory_space<hbm>>, %arg3: memref<1048576xf32, #tpu.memory_space<hbm>>, %arg4: memref<16x6144xf32, #tpu.memory_space<hbm>>, %arg5: memref<1xf32, #tpu.memory_space<hbm>>, %arg6: memref<6144xf32, #tpu.memory_space<vmem>>, %arg7: memref<1024xi32, #tpu.memory_space<vmem>>, %arg8: memref<1024xi32, #tpu.memory_space<vmem>>, %arg9: memref<1024xf32, #tpu.memory_space<vmem>>, %arg10: memref<1024xf32, #tpu.memory_space<vmem>>, %arg11: memref<1024xf32, #tpu.memory_space<vmem>>, %arg12: memref<1024xf32, #tpu.memory_space<vmem>>, %arg13: memref<32xf32, #tpu.memory_space<vmem>>, %arg14: memref<512xf32, #tpu.memory_space<vmem>>, %arg15: memref<512xf32, #tpu.memory_space<vmem_shared>>, %arg16: memref<!tpu.dma_semaphore, #tpu.memory_space<semaphore_mem>>, %arg17: memref<!tpu.dma_semaphore, #tpu.memory_space<semaphore_mem>>) attributes {dimension_semantics = [#tpu.dimension_semantics<core_parallel>, #tpu.dimension_semantics<subcore_parallel>], iteration_bounds = array<i64: 1, 16>, scalar_prefetch = 0 : i64, scratch_operands = 12 : i64, tpu.core_type = #tpu.core_type<sc_vector_subcore>, window_params = [{transform_indices = #map}, {transform_indices = #map}, {transform_indices = #map1}, {transform_indices = #map}]} {
    %broadcast_in_dim3A = arith.constant 0.000000e+00 : f32
    %broadcast_in_dim3A_0 = vector.broadcast %broadcast_in_dim3A : f32 to vector<16xf32>
    "tpu.region"() ({
      %run_scoped3A = tpu.sem_alloc : memref<!tpu.dma_semaphore, #tpu.memory_space<semaphore_mem>>
      %dma_start3A_447 = arith.constant 0 : i32
      %dma_start3A_448 = tpu.memref_slice %arg6[%dma_start3A_447] : memref<6144xf32, #tpu.memory_space<vmem>> -> memref<2048xf32, #tpu.memory_space<vmem>>
      %dma_start3A_449 = arith.constant 0 : i32
      %dma_start3A_450 = tpu.memref_slice %arg4[%arg1, %dma_start3A_449] : memref<16x6144xf32, #tpu.memory_space<hbm>> -> memref<1x2048xf32, #tpu.memory_space<hbm>>
      %dma_start3A_451 = tpu.memref_squeeze %dma_start3A_450 : memref<1x2048xf32, #tpu.memory_space<hbm>> -> memref<2048xf32, #tpu.memory_space<hbm>>
      %dma_start3A_452 = arith.constant 0 : i32
      %dma_start3A_453 = tpu.memref_slice %arg6[%dma_start3A_452] : memref<6144xf32, #tpu.memory_space<vmem>> -> memref<2048xf32, #tpu.memory_space<vmem>>
      %dma_start3A_454 = arith.constant 0 : i32
      %dma_start3A_455 = tpu.memref_slice %arg4[%arg1, %dma_start3A_454] : memref<16x6144xf32, #tpu.memory_space<hbm>> -> memref<1x2048xf32, #tpu.memory_space<hbm>>
      %dma_start3A_456 = tpu.memref_squeeze %dma_start3A_455 : memref<1x2048xf32, #tpu.memory_space<hbm>> -> memref<2048xf32, #tpu.memory_space<hbm>>
      tpu.enqueue_dma source(%dma_start3A_456 : memref<2048xf32, #tpu.memory_space<hbm>>) target(%dma_start3A_453 : memref<2048xf32, #tpu.memory_space<vmem>>) target_semaphore(%run_scoped3A : memref<!tpu.dma_semaphore, #tpu.memory_space<semaphore_mem>>)
      %dma_wait3A_457 = arith.constant 0 : i32
      %dma_wait3A_458 = tpu.memref_slice %arg6[%dma_wait3A_457] : memref<6144xf32, #tpu.memory_space<vmem>> -> memref<2048xf32, #tpu.memory_space<vmem>>
      %dma_wait3A_459 = arith.constant 0 : i32
      %dma_wait3A_460 = tpu.memref_slice %arg4[%arg1, %dma_wait3A_459] : memref<16x6144xf32, #tpu.memory_space<hbm>> -> memref<1x2048xf32, #tpu.memory_space<hbm>>
      %dma_wait3A_461 = tpu.memref_squeeze %dma_wait3A_460 : memref<1x2048xf32, #tpu.memory_space<hbm>> -> memref<2048xf32, #tpu.memory_space<hbm>>
      %dma_wait3A_462 = arith.constant 0 : i32
      %dma_wait3A_463 = tpu.memref_slice %arg6[%dma_wait3A_462] : memref<6144xf32, #tpu.memory_space<vmem>> -> memref<2048xf32, #tpu.memory_space<vmem>>
      %dma_wait3A_464 = arith.constant 0 : i32
      %dma_wait3A_465 = tpu.memref_slice %arg4[%arg1, %dma_wait3A_464] : memref<16x6144xf32, #tpu.memory_space<hbm>> -> memref<1x2048xf32, #tpu.memory_space<hbm>>
      %dma_wait3A_466 = tpu.memref_squeeze %dma_wait3A_465 : memref<1x2048xf32, #tpu.memory_space<hbm>> -> memref<2048xf32, #tpu.memory_space<hbm>>
      tpu.wait_dma2 semaphore(%run_scoped3A : memref<!tpu.dma_semaphore, #tpu.memory_space<semaphore_mem>>) src(%dma_wait3A_466 : memref<2048xf32, #tpu.memory_space<hbm>>) dst(%dma_wait3A_463 : memref<2048xf32, #tpu.memory_space<vmem>>)
      tpu.yield
    }) : () -> ()
    %dma_start3A = arith.constant 2048 : i32
    %dma_start3A_1 = tpu.memref_slice %arg6[%dma_start3A] : memref<6144xf32, #tpu.memory_space<vmem>> -> memref<4096xf32, #tpu.memory_space<vmem>>
    %dma_start3A_2 = arith.constant 2048 : i32
    %dma_start3A_3 = tpu.memref_slice %arg4[%arg1, %dma_start3A_2] : memref<16x6144xf32, #tpu.memory_space<hbm>> -> memref<1x4096xf32, #tpu.memory_space<hbm>>
    %dma_start3A_4 = tpu.memref_squeeze %dma_start3A_3 : memref<1x4096xf32, #tpu.memory_space<hbm>> -> memref<4096xf32, #tpu.memory_space<hbm>>
    %dma_start3A_5 = arith.constant 2048 : i32
    %dma_start3A_6 = tpu.memref_slice %arg6[%dma_start3A_5] : memref<6144xf32, #tpu.memory_space<vmem>> -> memref<4096xf32, #tpu.memory_space<vmem>>
    %dma_start3A_7 = arith.constant 2048 : i32
    %dma_start3A_8 = tpu.memref_slice %arg4[%arg1, %dma_start3A_7] : memref<16x6144xf32, #tpu.memory_space<hbm>> -> memref<1x4096xf32, #tpu.memory_space<hbm>>
    %dma_start3A_9 = tpu.memref_squeeze %dma_start3A_8 : memref<1x4096xf32, #tpu.memory_space<hbm>> -> memref<4096xf32, #tpu.memory_space<hbm>>
    tpu.enqueue_dma source(%dma_start3A_9 : memref<4096xf32, #tpu.memory_space<hbm>>) target(%dma_start3A_6 : memref<4096xf32, #tpu.memory_space<vmem>>) target_semaphore(%arg16 : memref<!tpu.dma_semaphore, #tpu.memory_space<semaphore_mem>>)
    %mul3A = arith.constant 2 : i32
    %mul3A_10 = arith.muli %mul3A, %arg1 : i32
    %add3A = arith.constant 0 : i32
    %add3A_11 = arith.addi %mul3A_10, %add3A : i32
    %mul3A_12 = arith.constant 32768 : i32
    %mul3A_13 = arith.muli %add3A_11, %mul3A_12 : i32
    %scan3A = arith.constant 0 : i32
    %scan3A_14 = arith.constant 0 : i32
    %scan3A_15 = arith.constant 32 : i32
    %scan3A_16 = arith.addi %scan3A_14, %scan3A_15 : i32
    %scan3A_17 = arith.constant 4 : i32
    scf.for %scan3A_447 = %scan3A_14 to %scan3A_16 step %scan3A_17  : i32 {
      %mul3A_448 = arith.constant 16 : i32
      %mul3A_449 = arith.muli %scan3A_447, %mul3A_448 : i32
      %add3A_450 = arith.constant 0 : i32
      %add3A_451 = arith.addi %add3A_450, %mul3A_449 : i32
      %get3A = arith.index_cast %add3A_451 : i32 to index
      %get3A_452 = tpu.vector_load %arg6[%get3A] {strides = array<i32>} : memref<6144xf32, #tpu.memory_space<vmem>>, vector<16xf32>,
      %get3A_453 = vector.shape_cast %get3A_452 : vector<16xf32> to vector<16xf32>
      %convert_element_type3A_454 = arith.fptosi %get3A_453 : vector<16xf32> to vector<16xi32>
      %add3A_455 = vector.broadcast %mul3A_13 : i32 to vector<16xi32>
      %add3A_456 = arith.addi %convert_element_type3A_454, %add3A_455 : vector<16xi32>
      %mul3A_457 = arith.constant 16 : i32
      %mul3A_458 = arith.muli %scan3A_447, %mul3A_457 : i32
      %add3A_459 = arith.constant 0 : i32
      %add3A_460 = arith.addi %add3A_459, %mul3A_458 : i32
      %swap3A_461 = arith.index_cast %add3A_460 : i32 to index
      %swap3A_462 = tpu.vector_load %arg7[%swap3A_461] {strides = array<i32>} : memref<1024xi32, #tpu.memory_space<vmem>>, vector<16xi32>,
      %swap3A_463 = vector.shape_cast %swap3A_462 : vector<16xi32> to vector<16xi32>
      %swap3A_464 = vector.shape_cast %add3A_456 : vector<16xi32> to vector<16xi32>
      tpu.vector_store %arg7[%swap3A_461], %swap3A_464 {strides = array<i32>} : memref<1024xi32, #tpu.memory_space<vmem>>, vector<16xi32>,
      %add3A_465 = arith.constant 16384 : i32
      %add3A_466 = vector.broadcast %add3A_465 : i32 to vector<16xi32>
      %add3A_467 = arith.addi %add3A_456, %add3A_466 : vector<16xi32>
      %mul3A_468 = arith.constant 16 : i32
      %mul3A_469 = arith.muli %scan3A_447, %mul3A_468 : i32
      %add3A_470 = arith.constant 0 : i32
      %add3A_471 = arith.addi %add3A_470, %mul3A_469 : i32
      %swap3A_472 = arith.index_cast %add3A_471 : i32 to index
      %swap3A_473 = tpu.vector_load %arg8[%swap3A_472] {strides = array<i32>} : memref<1024xi32, #tpu.memory_space<vmem>>, vector<16xi32>,
      %swap3A_474 = vector.shape_cast %swap3A_473 : vector<16xi32> to vector<16xi32>
      %swap3A_475 = vector.shape_cast %add3A_467 : vector<16xi32> to vector<16xi32>
      tpu.vector_store %arg8[%swap3A_472], %swap3A_475 {strides = array<i32>} : memref<1024xi32, #tpu.memory_space<vmem>>, vector<16xi32>,
      %scan3A_476 = arith.constant 1 : i32
      %scan3A_477 = arith.addi %scan3A_447, %scan3A_476 : i32
      %mul3A_478 = arith.constant 16 : i32
      %mul3A_479 = arith.muli %scan3A_477, %mul3A_478 : i32
      %add3A_480 = arith.constant 0 : i32
      %add3A_481 = arith.addi %add3A_480, %mul3A_479 : i32
      %get3A_482 = arith.index_cast %add3A_481 : i32 to index
      %get3A_483 = tpu.vector_load %arg6[%get3A_482] {strides = array<i32>} : memref<6144xf32, #tpu.memory_space<vmem>>, vector<16xf32>,
      %get3A_484 = vector.shape_cast %get3A_483 : vector<16xf32> to vector<16xf32>
      %convert_element_type3A_485 = arith.fptosi %get3A_484 : vector<16xf32> to vector<16xi32>
      %add3A_486 = vector.broadcast %mul3A_13 : i32 to vector<16xi32>
      %add3A_487 = arith.addi %convert_element_type3A_485, %add3A_486 : vector<16xi32>
      %mul3A_488 = arith.constant 16 : i32
      %mul3A_489 = arith.muli %scan3A_477, %mul3A_488 : i32
      %add3A_490 = arith.constant 0 : i32
      %add3A_491 = arith.addi %add3A_490, %mul3A_489 : i32
      %swap3A_492 = arith.index_cast %add3A_491 : i32 to index
      %swap3A_493 = tpu.vector_load %arg7[%swap3A_492] {strides = array<i32>} : memref<1024xi32, #tpu.memory_space<vmem>>, vector<16xi32>,
      %swap3A_494 = vector.shape_cast %swap3A_493 : vector<16xi32> to vector<16xi32>
      %swap3A_495 = vector.shape_cast %add3A_487 : vector<16xi32> to vector<16xi32>
      tpu.vector_store %arg7[%swap3A_492], %swap3A_495 {strides = array<i32>} : memref<1024xi32, #tpu.memory_space<vmem>>, vector<16xi32>,
      %add3A_496 = arith.constant 16384 : i32
      %add3A_497 = vector.broadcast %add3A_496 : i32 to vector<16xi32>
      %add3A_498 = arith.addi %add3A_487, %add3A_497 : vector<16xi32>
      %mul3A_499 = arith.constant 16 : i32
      %mul3A_500 = arith.muli %scan3A_477, %mul3A_499 : i32
      %add3A_501 = arith.constant 0 : i32
      %add3A_502 = arith.addi %add3A_501, %mul3A_500 : i32
      %swap3A_503 = arith.index_cast %add3A_502 : i32 to index
      %swap3A_504 = tpu.vector_load %arg8[%swap3A_503] {strides = array<i32>} : memref<1024xi32, #tpu.memory_space<vmem>>, vector<16xi32>,
      %swap3A_505 = vector.shape_cast %swap3A_504 : vector<16xi32> to vector<16xi32>
      %swap3A_506 = vector.shape_cast %add3A_498 : vector<16xi32> to vector<16xi32>
      tpu.vector_store %arg8[%swap3A_503], %swap3A_506 {strides = array<i32>} : memref<1024xi32, #tpu.memory_space<vmem>>, vector<16xi32>,
      %scan3A_507 = arith.constant 2 : i32
      %scan3A_508 = arith.addi %scan3A_447, %scan3A_507 : i32
      %mul3A_509 = arith.constant 16 : i32
      %mul3A_510 = arith.muli %scan3A_508, %mul3A_509 : i32
      %add3A_511 = arith.constant 0 : i32
      %add3A_512 = arith.addi %add3A_511, %mul3A_510 : i32
      %get3A_513 = arith.index_cast %add3A_512 : i32 to index
      %get3A_514 = tpu.vector_load %arg6[%get3A_513] {strides = array<i32>} : memref<6144xf32, #tpu.memory_space<vmem>>, vector<16xf32>,
      %get3A_515 = vector.shape_cast %get3A_514 : vector<16xf32> to vector<16xf32>
      %convert_element_type3A_516 = arith.fptosi %get3A_515 : vector<16xf32> to vector<16xi32>
      %add3A_517 = vector.broadcast %mul3A_13 : i32 to vector<16xi32>
      %add3A_518 = arith.addi %convert_element_type3A_516, %add3A_517 : vector<16xi32>
      %mul3A_519 = arith.constant 16 : i32
      %mul3A_520 = arith.muli %scan3A_508, %mul3A_519 : i32
      %add3A_521 = arith.constant 0 : i32
      %add3A_522 = arith.addi %add3A_521, %mul3A_520 : i32
      %swap3A_523 = arith.index_cast %add3A_522 : i32 to index
      %swap3A_524 = tpu.vector_load %arg7[%swap3A_523] {strides = array<i32>} : memref<1024xi32, #tpu.memory_space<vmem>>, vector<16xi32>,
      %swap3A_525 = vector.shape_cast %swap3A_524 : vector<16xi32> to vector<16xi32>
      %swap3A_526 = vector.shape_cast %add3A_518 : vector<16xi32> to vector<16xi32>
      tpu.vector_store %arg7[%swap3A_523], %swap3A_526 {strides = array<i32>} : memref<1024xi32, #tpu.memory_space<vmem>>, vector<16xi32>,
      %add3A_527 = arith.constant 16384 : i32
      %add3A_528 = vector.broadcast %add3A_527 : i32 to vector<16xi32>
      %add3A_529 = arith.addi %add3A_518, %add3A_528 : vector<16xi32>
      %mul3A_530 = arith.constant 16 : i32
      %mul3A_531 = arith.muli %scan3A_508, %mul3A_530 : i32
      %add3A_532 = arith.constant 0 : i32
      %add3A_533 = arith.addi %add3A_532, %mul3A_531 : i32
      %swap3A_534 = arith.index_cast %add3A_533 : i32 to index
      %swap3A_535 = tpu.vector_load %arg8[%swap3A_534] {strides = array<i32>} : memref<1024xi32, #tpu.memory_space<vmem>>, vector<16xi32>,
      %swap3A_536 = vector.shape_cast %swap3A_535 : vector<16xi32> to vector<16xi32>
      %swap3A_537 = vector.shape_cast %add3A_529 : vector<16xi32> to vector<16xi32>
      tpu.vector_store %arg8[%swap3A_534], %swap3A_537 {strides = array<i32>} : memref<1024xi32, #tpu.memory_space<vmem>>, vector<16xi32>,
      %scan3A_538 = arith.constant 3 : i32
      %scan3A_539 = arith.addi %scan3A_447, %scan3A_538 : i32
      %mul3A_540 = arith.constant 16 : i32
      %mul3A_541 = arith.muli %scan3A_539, %mul3A_540 : i32
      %add3A_542 = arith.constant 0 : i32
      %add3A_543 = arith.addi %add3A_542, %mul3A_541 : i32
      %get3A_544 = arith.index_cast %add3A_543 : i32 to index
      %get3A_545 = tpu.vector_load %arg6[%get3A_544] {strides = array<i32>} : memref<6144xf32, #tpu.memory_space<vmem>>, vector<16xf32>,
      %get3A_546 = vector.shape_cast %get3A_545 : vector<16xf32> to vector<16xf32>
      %convert_element_type3A_547 = arith.fptosi %get3A_546 : vector<16xf32> to vector<16xi32>
      %add3A_548 = vector.broadcast %mul3A_13 : i32 to vector<16xi32>
      %add3A_549 = arith.addi %convert_element_type3A_547, %add3A_548 : vector<16xi32>
      %mul3A_550 = arith.constant 16 : i32
      %mul3A_551 = arith.muli %scan3A_539, %mul3A_550 : i32
      %add3A_552 = arith.constant 0 : i32
      %add3A_553 = arith.addi %add3A_552, %mul3A_551 : i32
      %swap3A_554 = arith.index_cast %add3A_553 : i32 to index
      %swap3A_555 = tpu.vector_load %arg7[%swap3A_554] {strides = array<i32>} : memref<1024xi32, #tpu.memory_space<vmem>>, vector<16xi32>,
      %swap3A_556 = vector.shape_cast %swap3A_555 : vector<16xi32> to vector<16xi32>
      %swap3A_557 = vector.shape_cast %add3A_549 : vector<16xi32> to vector<16xi32>
      tpu.vector_store %arg7[%swap3A_554], %swap3A_557 {strides = array<i32>} : memref<1024xi32, #tpu.memory_space<vmem>>, vector<16xi32>,
      %add3A_558 = arith.constant 16384 : i32
      %add3A_559 = vector.broadcast %add3A_558 : i32 to vector<16xi32>
      %add3A_560 = arith.addi %add3A_549, %add3A_559 : vector<16xi32>
      %mul3A_561 = arith.constant 16 : i32
      %mul3A_562 = arith.muli %scan3A_539, %mul3A_561 : i32
      %add3A_563 = arith.constant 0 : i32
      %add3A_564 = arith.addi %add3A_563, %mul3A_562 : i32
      %swap3A_565 = arith.index_cast %add3A_564 : i32 to index
      %swap3A_566 = tpu.vector_load %arg8[%swap3A_565] {strides = array<i32>} : memref<1024xi32, #tpu.memory_space<vmem>>, vector<16xi32>,
      %swap3A_567 = vector.shape_cast %swap3A_566 : vector<16xi32> to vector<16xi32>
      %swap3A_568 = vector.shape_cast %add3A_560 : vector<16xi32> to vector<16xi32>
      tpu.vector_store %arg8[%swap3A_565], %swap3A_568 {strides = array<i32>} : memref<1024xi32, #tpu.memory_space<vmem>>, vector<16xi32>,
    }
    %scan3A_18 = arith.constant 32 : i32
    %dma_start3A_19 = arith.constant 0 : i32
    %dma_start3A_20 = tpu.memref_slice %arg9[%dma_start3A_19] : memref<1024xf32, #tpu.memory_space<vmem>> -> memref<128xf32, #tpu.memory_space<vmem>>
    %dma_start3A_21 = arith.constant 0 : i32
    %dma_start3A_22 = tpu.memref_slice %arg7[%dma_start3A_21] : memref<1024xi32, #tpu.memory_space<vmem>> -> memref<128xi32, #tpu.memory_space<vmem>>
    %dma_start3A_23 = arith.constant 0 : i32
    %dma_start3A_24 = tpu.memref_slice %arg2[%dma_start3A_23] : memref<1048576xf32, #tpu.memory_space<hbm>> -> memref<1048576xf32, #tpu.memory_space<hbm>>
    tpu.enqueue_indirect_dma source(%dma_start3A_24 : memref<1048576xf32, #tpu.memory_space<hbm>>) target(%dma_start3A_20 : memref<128xf32, #tpu.memory_space<vmem>>) offsets(%dma_start3A_22 : memref<128xi32, #tpu.memory_space<vmem>>) semaphore(%arg16 : memref<!tpu.dma_semaphore, #tpu.memory_space<semaphore_mem>>)
    %dma_start3A_25 = arith.constant 0 : i32
    %dma_start3A_26 = tpu.memref_slice %arg10[%dma_start3A_25] : memref<1024xf32, #tpu.memory_space<vmem>> -> memref<128xf32, #tpu.memory_space<vmem>>
    %dma_start3A_27 = arith.constant 0 : i32
    %dma_start3A_28 = tpu.memref_slice %arg8[%dma_start3A_27] : memref<1024xi32, #tpu.memory_space<vmem>> -> memref<128xi32, #tpu.memory_space<vmem>>
    %dma_start3A_29 = arith.constant 0 : i32
    %dma_start3A_30 = tpu.memref_slice %arg2[%dma_start3A_29] : memref<1048576xf32, #tpu.memory_space<hbm>> -> memref<1048576xf32, #tpu.memory_space<hbm>>
    tpu.enqueue_indirect_dma source(%dma_start3A_30 : memref<1048576xf32, #tpu.memory_space<hbm>>) target(%dma_start3A_26 : memref<128xf32, #tpu.memory_space<vmem>>) offsets(%dma_start3A_28 : memref<128xi32, #tpu.memory_space<vmem>>) semaphore(%arg16 : memref<!tpu.dma_semaphore, #tpu.memory_space<semaphore_mem>>)
    %dma_start3A_31 = arith.constant 0 : i32
    %dma_start3A_32 = tpu.memref_slice %arg11[%dma_start3A_31] : memref<1024xf32, #tpu.memory_space<vmem>> -> memref<128xf32, #tpu.memory_space<vmem>>
    %dma_start3A_33 = arith.constant 0 : i32
    %dma_start3A_34 = tpu.memref_slice %arg7[%dma_start3A_33] : memref<1024xi32, #tpu.memory_space<vmem>> -> memref<128xi32, #tpu.memory_space<vmem>>
    %dma_start3A_35 = arith.constant 0 : i32
    %dma_start3A_36 = tpu.memref_slice %arg3[%dma_start3A_35] : memref<1048576xf32, #tpu.memory_space<hbm>> -> memref<1048576xf32, #tpu.memory_space<hbm>>
    tpu.enqueue_indirect_dma source(%dma_start3A_36 : memref<1048576xf32, #tpu.memory_space<hbm>>) target(%dma_start3A_32 : memref<128xf32, #tpu.memory_space<vmem>>) offsets(%dma_start3A_34 : memref<128xi32, #tpu.memory_space<vmem>>) semaphore(%arg16 : memref<!tpu.dma_semaphore, #tpu.memory_space<semaphore_mem>>)
    %dma_start3A_37 = arith.constant 0 : i32
    %dma_start3A_38 = tpu.memref_slice %arg12[%dma_start3A_37] : memref<1024xf32, #tpu.memory_space<vmem>> -> memref<128xf32, #tpu.memory_space<vmem>>
    %dma_start3A_39 = arith.constant 0 : i32
    %dma_start3A_40 = tpu.memref_slice %arg8[%dma_start3A_39] : memref<1024xi32, #tpu.memory_space<vmem>> -> memref<128xi32, #tpu.memory_space<vmem>>
    %dma_start3A_41 = arith.constant 0 : i32
    %dma_start3A_42 = tpu.memref_slice %arg3[%dma_start3A_41] : memref<1048576xf32, #tpu.memory_space<hbm>> -> memref<1048576xf32, #tpu.memory_space<hbm>>
    tpu.enqueue_indirect_dma source(%dma_start3A_42 : memref<1048576xf32, #tpu.memory_space<hbm>>) target(%dma_start3A_38 : memref<128xf32, #tpu.memory_space<vmem>>) offsets(%dma_start3A_40 : memref<128xi32, #tpu.memory_space<vmem>>) semaphore(%arg16 : memref<!tpu.dma_semaphore, #tpu.memory_space<semaphore_mem>>)
    %dma_start3A_43 = arith.constant 128 : i32
    %dma_start3A_44 = tpu.memref_slice %arg9[%dma_start3A_43] : memref<1024xf32, #tpu.memory_space<vmem>> -> memref<128xf32, #tpu.memory_space<vmem>>
    %dma_start3A_45 = arith.constant 128 : i32
    %dma_start3A_46 = tpu.memref_slice %arg7[%dma_start3A_45] : memref<1024xi32, #tpu.memory_space<vmem>> -> memref<128xi32, #tpu.memory_space<vmem>>
    %dma_start3A_47 = arith.constant 0 : i32
    %dma_start3A_48 = tpu.memref_slice %arg2[%dma_start3A_47] : memref<1048576xf32, #tpu.memory_space<hbm>> -> memref<1048576xf32, #tpu.memory_space<hbm>>
    tpu.enqueue_indirect_dma source(%dma_start3A_48 : memref<1048576xf32, #tpu.memory_space<hbm>>) target(%dma_start3A_44 : memref<128xf32, #tpu.memory_space<vmem>>) offsets(%dma_start3A_46 : memref<128xi32, #tpu.memory_space<vmem>>) semaphore(%arg16 : memref<!tpu.dma_semaphore, #tpu.memory_space<semaphore_mem>>)
    %dma_start3A_49 = arith.constant 128 : i32
    %dma_start3A_50 = tpu.memref_slice %arg10[%dma_start3A_49] : memref<1024xf32, #tpu.memory_space<vmem>> -> memref<128xf32, #tpu.memory_space<vmem>>
    %dma_start3A_51 = arith.constant 128 : i32
    %dma_start3A_52 = tpu.memref_slice %arg8[%dma_start3A_51] : memref<1024xi32, #tpu.memory_space<vmem>> -> memref<128xi32, #tpu.memory_space<vmem>>
    %dma_start3A_53 = arith.constant 0 : i32
    %dma_start3A_54 = tpu.memref_slice %arg2[%dma_start3A_53] : memref<1048576xf32, #tpu.memory_space<hbm>> -> memref<1048576xf32, #tpu.memory_space<hbm>>
    tpu.enqueue_indirect_dma source(%dma_start3A_54 : memref<1048576xf32, #tpu.memory_space<hbm>>) target(%dma_start3A_50 : memref<128xf32, #tpu.memory_space<vmem>>) offsets(%dma_start3A_52 : memref<128xi32, #tpu.memory_space<vmem>>) semaphore(%arg16 : memref<!tpu.dma_semaphore, #tpu.memory_space<semaphore_mem>>)
    %dma_start3A_55 = arith.constant 128 : i32
    %dma_start3A_56 = tpu.memref_slice %arg11[%dma_start3A_55] : memref<1024xf32, #tpu.memory_space<vmem>> -> memref<128xf32, #tpu.memory_space<vmem>>
    %dma_start3A_57 = arith.constant 128 : i32
    %dma_start3A_58 = tpu.memref_slice %arg7[%dma_start3A_57] : memref<1024xi32, #tpu.memory_space<vmem>> -> memref<128xi32, #tpu.memory_space<vmem>>
    %dma_start3A_59 = arith.constant 0 : i32
    %dma_start3A_60 = tpu.memref_slice %arg3[%dma_start3A_59] : memref<1048576xf32, #tpu.memory_space<hbm>> -> memref<1048576xf32, #tpu.memory_space<hbm>>
    tpu.enqueue_indirect_dma source(%dma_start3A_60 : memref<1048576xf32, #tpu.memory_space<hbm>>) target(%dma_start3A_56 : memref<128xf32, #tpu.memory_space<vmem>>) offsets(%dma_start3A_58 : memref<128xi32, #tpu.memory_space<vmem>>) semaphore(%arg16 : memref<!tpu.dma_semaphore, #tpu.memory_space<semaphore_mem>>)
    %dma_start3A_61 = arith.constant 128 : i32
    %dma_start3A_62 = tpu.memref_slice %arg12[%dma_start3A_61] : memref<1024xf32, #tpu.memory_space<vmem>> -> memref<128xf32, #tpu.memory_space<vmem>>
    %dma_start3A_63 = arith.constant 128 : i32
    %dma_start3A_64 = tpu.memref_slice %arg8[%dma_start3A_63] : memref<1024xi32, #tpu.memory_space<vmem>> -> memref<128xi32, #tpu.memory_space<vmem>>
    %dma_start3A_65 = arith.constant 0 : i32
    %dma_start3A_66 = tpu.memref_slice %arg3[%dma_start3A_65] : memref<1048576xf32, #tpu.memory_space<hbm>> -> memref<1048576xf32, #tpu.memory_space<hbm>>
    tpu.enqueue_indirect_dma source(%dma_start3A_66 : memref<1048576xf32, #tpu.memory_space<hbm>>) target(%dma_start3A_62 : memref<128xf32, #tpu.memory_space<vmem>>) offsets(%dma_start3A_64 : memref<128xi32, #tpu.memory_space<vmem>>) semaphore(%arg16 : memref<!tpu.dma_semaphore, #tpu.memory_space<semaphore_mem>>)
    %dma_start3A_67 = arith.constant 256 : i32
    %dma_start3A_68 = tpu.memref_slice %arg9[%dma_start3A_67] : memref<1024xf32, #tpu.memory_space<vmem>> -> memref<128xf32, #tpu.memory_space<vmem>>
    %dma_start3A_69 = arith.constant 256 : i32
    %dma_start3A_70 = tpu.memref_slice %arg7[%dma_start3A_69] : memref<1024xi32, #tpu.memory_space<vmem>> -> memref<128xi32, #tpu.memory_space<vmem>>
    %dma_start3A_71 = arith.constant 0 : i32
    %dma_start3A_72 = tpu.memref_slice %arg2[%dma_start3A_71] : memref<1048576xf32, #tpu.memory_space<hbm>> -> memref<1048576xf32, #tpu.memory_space<hbm>>
    tpu.enqueue_indirect_dma source(%dma_start3A_72 : memref<1048576xf32, #tpu.memory_space<hbm>>) target(%dma_start3A_68 : memref<128xf32, #tpu.memory_space<vmem>>) offsets(%dma_start3A_70 : memref<128xi32, #tpu.memory_space<vmem>>) semaphore(%arg16 : memref<!tpu.dma_semaphore, #tpu.memory_space<semaphore_mem>>)
    %dma_start3A_73 = arith.constant 256 : i32
    %dma_start3A_74 = tpu.memref_slice %arg10[%dma_start3A_73] : memref<1024xf32, #tpu.memory_space<vmem>> -> memref<128xf32, #tpu.memory_space<vmem>>
    %dma_start3A_75 = arith.constant 256 : i32
    %dma_start3A_76 = tpu.memref_slice %arg8[%dma_start3A_75] : memref<1024xi32, #tpu.memory_space<vmem>> -> memref<128xi32, #tpu.memory_space<vmem>>
    %dma_start3A_77 = arith.constant 0 : i32
    %dma_start3A_78 = tpu.memref_slice %arg2[%dma_start3A_77] : memref<1048576xf32, #tpu.memory_space<hbm>> -> memref<1048576xf32, #tpu.memory_space<hbm>>
    tpu.enqueue_indirect_dma source(%dma_start3A_78 : memref<1048576xf32, #tpu.memory_space<hbm>>) target(%dma_start3A_74 : memref<128xf32, #tpu.memory_space<vmem>>) offsets(%dma_start3A_76 : memref<128xi32, #tpu.memory_space<vmem>>) semaphore(%arg16 : memref<!tpu.dma_semaphore, #tpu.memory_space<semaphore_mem>>)
    %dma_start3A_79 = arith.constant 256 : i32
    %dma_start3A_80 = tpu.memref_slice %arg11[%dma_start3A_79] : memref<1024xf32, #tpu.memory_space<vmem>> -> memref<128xf32, #tpu.memory_space<vmem>>
    %dma_start3A_81 = arith.constant 256 : i32
    %dma_start3A_82 = tpu.memref_slice %arg7[%dma_start3A_81] : memref<1024xi32, #tpu.memory_space<vmem>> -> memref<128xi32, #tpu.memory_space<vmem>>
    %dma_start3A_83 = arith.constant 0 : i32
    %dma_start3A_84 = tpu.memref_slice %arg3[%dma_start3A_83] : memref<1048576xf32, #tpu.memory_space<hbm>> -> memref<1048576xf32, #tpu.memory_space<hbm>>
    tpu.enqueue_indirect_dma source(%dma_start3A_84 : memref<1048576xf32, #tpu.memory_space<hbm>>) target(%dma_start3A_80 : memref<128xf32, #tpu.memory_space<vmem>>) offsets(%dma_start3A_82 : memref<128xi32, #tpu.memory_space<vmem>>) semaphore(%arg16 : memref<!tpu.dma_semaphore, #tpu.memory_space<semaphore_mem>>)
    %dma_start3A_85 = arith.constant 256 : i32
    %dma_start3A_86 = tpu.memref_slice %arg12[%dma_start3A_85] : memref<1024xf32, #tpu.memory_space<vmem>> -> memref<128xf32, #tpu.memory_space<vmem>>
    %dma_start3A_87 = arith.constant 256 : i32
    %dma_start3A_88 = tpu.memref_slice %arg8[%dma_start3A_87] : memref<1024xi32, #tpu.memory_space<vmem>> -> memref<128xi32, #tpu.memory_space<vmem>>
    %dma_start3A_89 = arith.constant 0 : i32
    %dma_start3A_90 = tpu.memref_slice %arg3[%dma_start3A_89] : memref<1048576xf32, #tpu.memory_space<hbm>> -> memref<1048576xf32, #tpu.memory_space<hbm>>
    tpu.enqueue_indirect_dma source(%dma_start3A_90 : memref<1048576xf32, #tpu.memory_space<hbm>>) target(%dma_start3A_86 : memref<128xf32, #tpu.memory_space<vmem>>) offsets(%dma_start3A_88 : memref<128xi32, #tpu.memory_space<vmem>>) semaphore(%arg16 : memref<!tpu.dma_semaphore, #tpu.memory_space<semaphore_mem>>)
    %dma_start3A_91 = arith.constant 384 : i32
    %dma_start3A_92 = tpu.memref_slice %arg9[%dma_start3A_91] : memref<1024xf32, #tpu.memory_space<vmem>> -> memref<128xf32, #tpu.memory_space<vmem>>
    %dma_start3A_93 = arith.constant 384 : i32
    %dma_start3A_94 = tpu.memref_slice %arg7[%dma_start3A_93] : memref<1024xi32, #tpu.memory_space<vmem>> -> memref<128xi32, #tpu.memory_space<vmem>>
    %dma_start3A_95 = arith.constant 0 : i32
    %dma_start3A_96 = tpu.memref_slice %arg2[%dma_start3A_95] : memref<1048576xf32, #tpu.memory_space<hbm>> -> memref<1048576xf32, #tpu.memory_space<hbm>>
    tpu.enqueue_indirect_dma source(%dma_start3A_96 : memref<1048576xf32, #tpu.memory_space<hbm>>) target(%dma_start3A_92 : memref<128xf32, #tpu.memory_space<vmem>>) offsets(%dma_start3A_94 : memref<128xi32, #tpu.memory_space<vmem>>) semaphore(%arg16 : memref<!tpu.dma_semaphore, #tpu.memory_space<semaphore_mem>>)
    %dma_start3A_97 = arith.constant 384 : i32
    %dma_start3A_98 = tpu.memref_slice %arg10[%dma_start3A_97] : memref<1024xf32, #tpu.memory_space<vmem>> -> memref<128xf32, #tpu.memory_space<vmem>>
    %dma_start3A_99 = arith.constant 384 : i32
    %dma_start3A_100 = tpu.memref_slice %arg8[%dma_start3A_99] : memref<1024xi32, #tpu.memory_space<vmem>> -> memref<128xi32, #tpu.memory_space<vmem>>
    %dma_start3A_101 = arith.constant 0 : i32
    %dma_start3A_102 = tpu.memref_slice %arg2[%dma_start3A_101] : memref<1048576xf32, #tpu.memory_space<hbm>> -> memref<1048576xf32, #tpu.memory_space<hbm>>
    tpu.enqueue_indirect_dma source(%dma_start3A_102 : memref<1048576xf32, #tpu.memory_space<hbm>>) target(%dma_start3A_98 : memref<128xf32, #tpu.memory_space<vmem>>) offsets(%dma_start3A_100 : memref<128xi32, #tpu.memory_space<vmem>>) semaphore(%arg16 : memref<!tpu.dma_semaphore, #tpu.memory_space<semaphore_mem>>)
    %dma_start3A_103 = arith.constant 384 : i32
    %dma_start3A_104 = tpu.memref_slice %arg11[%dma_start3A_103] : memref<1024xf32, #tpu.memory_space<vmem>> -> memref<128xf32, #tpu.memory_space<vmem>>
    %dma_start3A_105 = arith.constant 384 : i32
    %dma_start3A_106 = tpu.memref_slice %arg7[%dma_start3A_105] : memref<1024xi32, #tpu.memory_space<vmem>> -> memref<128xi32, #tpu.memory_space<vmem>>
    %dma_start3A_107 = arith.constant 0 : i32
    %dma_start3A_108 = tpu.memref_slice %arg3[%dma_start3A_107] : memref<1048576xf32, #tpu.memory_space<hbm>> -> memref<1048576xf32, #tpu.memory_space<hbm>>
    tpu.enqueue_indirect_dma source(%dma_start3A_108 : memref<1048576xf32, #tpu.memory_space<hbm>>) target(%dma_start3A_104 : memref<128xf32, #tpu.memory_space<vmem>>) offsets(%dma_start3A_106 : memref<128xi32, #tpu.memory_space<vmem>>) semaphore(%arg16 : memref<!tpu.dma_semaphore, #tpu.memory_space<semaphore_mem>>)
    %dma_start3A_109 = arith.constant 384 : i32
    %dma_start3A_110 = tpu.memref_slice %arg12[%dma_start3A_109] : memref<1024xf32, #tpu.memory_space<vmem>> -> memref<128xf32, #tpu.memory_space<vmem>>
    %dma_start3A_111 = arith.constant 384 : i32
    %dma_start3A_112 = tpu.memref_slice %arg8[%dma_start3A_111] : memref<1024xi32, #tpu.memory_space<vmem>> -> memref<128xi32, #tpu.memory_space<vmem>>
    %dma_start3A_113 = arith.constant 0 : i32
    %dma_start3A_114 = tpu.memref_slice %arg3[%dma_start3A_113] : memref<1048576xf32, #tpu.memory_space<hbm>> -> memref<1048576xf32, #tpu.memory_space<hbm>>
    tpu.enqueue_indirect_dma source(%dma_start3A_114 : memref<1048576xf32, #tpu.memory_space<hbm>>) target(%dma_start3A_110 : memref<128xf32, #tpu.memory_space<vmem>>) offsets(%dma_start3A_112 : memref<128xi32, #tpu.memory_space<vmem>>) semaphore(%arg16 : memref<!tpu.dma_semaphore, #tpu.memory_space<semaphore_mem>>)
    %mul3A_115 = arith.constant 2 : i32
    %mul3A_116 = arith.muli %mul3A_115, %arg1 : i32
    %add3A_117 = arith.constant 1 : i32
    %add3A_118 = arith.addi %mul3A_116, %add3A_117 : i32
    %mul3A_119 = arith.constant 32768 : i32
    %mul3A_120 = arith.muli %add3A_118, %mul3A_119 : i32
    %scan3A_121 = arith.constant 0 : i32
    %scan3A_122 = arith.constant 0 : i32
    %scan3A_123 = arith.constant 32 : i32
    %scan3A_124 = arith.addi %scan3A_122, %scan3A_123 : i32
    %scan3A_125 = arith.constant 4 : i32
    scf.for %scan3A_447 = %scan3A_122 to %scan3A_124 step %scan3A_125  : i32 {
      %mul3A_448 = arith.constant 16 : i32
      %mul3A_449 = arith.muli %scan3A_447, %mul3A_448 : i32
      %add3A_450 = arith.constant 1024 : i32
      %add3A_451 = arith.addi %add3A_450, %mul3A_449 : i32
      %get3A = arith.index_cast %add3A_451 : i32 to index
      %get3A_452 = tpu.vector_load %arg6[%get3A] {strides = array<i32>} : memref<6144xf32, #tpu.memory_space<vmem>>, vector<16xf32>,
      %get3A_453 = vector.shape_cast %get3A_452 : vector<16xf32> to vector<16xf32>
      %convert_element_type3A_454 = arith.fptosi %get3A_453 : vector<16xf32> to vector<16xi32>
      %add3A_455 = vector.broadcast %mul3A_120 : i32 to vector<16xi32>
      %add3A_456 = arith.addi %convert_element_type3A_454, %add3A_455 : vector<16xi32>
      %mul3A_457 = arith.constant 16 : i32
      %mul3A_458 = arith.muli %scan3A_447, %mul3A_457 : i32
      %add3A_459 = arith.constant 512 : i32
      %add3A_460 = arith.addi %add3A_459, %mul3A_458 : i32
      %swap3A_461 = arith.index_cast %add3A_460 : i32 to index
      %swap3A_462 = tpu.vector_load %arg7[%swap3A_461] {strides = array<i32>} : memref<1024xi32, #tpu.memory_space<vmem>>, vector<16xi32>,
      %swap3A_463 = vector.shape_cast %swap3A_462 : vector<16xi32> to vector<16xi32>
      %swap3A_464 = vector.shape_cast %add3A_456 : vector<16xi32> to vector<16xi32>
      tpu.vector_store %arg7[%swap3A_461], %swap3A_464 {strides = array<i32>} : memref<1024xi32, #tpu.memory_space<vmem>>, vector<16xi32>,
      %add3A_465 = arith.constant 16384 : i32
      %add3A_466 = vector.broadcast %add3A_465 : i32 to vector<16xi32>
      %add3A_467 = arith.addi %add3A_456, %add3A_466 : vector<16xi32>
      %mul3A_468 = arith.constant 16 : i32
      %mul3A_469 = arith.muli %scan3A_447, %mul3A_468 : i32
      %add3A_470 = arith.constant 512 : i32
      %add3A_471 = arith.addi %add3A_470, %mul3A_469 : i32
      %swap3A_472 = arith.index_cast %add3A_471 : i32 to index
      %swap3A_473 = tpu.vector_load %arg8[%swap3A_472] {strides = array<i32>} : memref<1024xi32, #tpu.memory_space<vmem>>, vector<16xi32>,
      %swap3A_474 = vector.shape_cast %swap3A_473 : vector<16xi32> to vector<16xi32>
      %swap3A_475 = vector.shape_cast %add3A_467 : vector<16xi32> to vector<16xi32>
      tpu.vector_store %arg8[%swap3A_472], %swap3A_475 {strides = array<i32>} : memref<1024xi32, #tpu.memory_space<vmem>>, vector<16xi32>,
      %scan3A_476 = arith.constant 1 : i32
      %scan3A_477 = arith.addi %scan3A_447, %scan3A_476 : i32
      %mul3A_478 = arith.constant 16 : i32
      %mul3A_479 = arith.muli %scan3A_477, %mul3A_478 : i32
      %add3A_480 = arith.constant 1024 : i32
      %add3A_481 = arith.addi %add3A_480, %mul3A_479 : i32
      %get3A_482 = arith.index_cast %add3A_481 : i32 to index
      %get3A_483 = tpu.vector_load %arg6[%get3A_482] {strides = array<i32>} : memref<6144xf32, #tpu.memory_space<vmem>>, vector<16xf32>,
      %get3A_484 = vector.shape_cast %get3A_483 : vector<16xf32> to vector<16xf32>
      %convert_element_type3A_485 = arith.fptosi %get3A_484 : vector<16xf32> to vector<16xi32>
      %add3A_486 = vector.broadcast %mul3A_120 : i32 to vector<16xi32>
      %add3A_487 = arith.addi %convert_element_type3A_485, %add3A_486 : vector<16xi32>
      %mul3A_488 = arith.constant 16 : i32
      %mul3A_489 = arith.muli %scan3A_477, %mul3A_488 : i32
      %add3A_490 = arith.constant 512 : i32
      %add3A_491 = arith.addi %add3A_490, %mul3A_489 : i32
      %swap3A_492 = arith.index_cast %add3A_491 : i32 to index
      %swap3A_493 = tpu.vector_load %arg7[%swap3A_492] {strides = array<i32>} : memref<1024xi32, #tpu.memory_space<vmem>>, vector<16xi32>,
      %swap3A_494 = vector.shape_cast %swap3A_493 : vector<16xi32> to vector<16xi32>
      %swap3A_495 = vector.shape_cast %add3A_487 : vector<16xi32> to vector<16xi32>
      tpu.vector_store %arg7[%swap3A_492], %swap3A_495 {strides = array<i32>} : memref<1024xi32, #tpu.memory_space<vmem>>, vector<16xi32>,
      %add3A_496 = arith.constant 16384 : i32
      %add3A_497 = vector.broadcast %add3A_496 : i32 to vector<16xi32>
      %add3A_498 = arith.addi %add3A_487, %add3A_497 : vector<16xi32>
      %mul3A_499 = arith.constant 16 : i32
      %mul3A_500 = arith.muli %scan3A_477, %mul3A_499 : i32
      %add3A_501 = arith.constant 512 : i32
      %add3A_502 = arith.addi %add3A_501, %mul3A_500 : i32
      %swap3A_503 = arith.index_cast %add3A_502 : i32 to index
      %swap3A_504 = tpu.vector_load %arg8[%swap3A_503] {strides = array<i32>} : memref<1024xi32, #tpu.memory_space<vmem>>, vector<16xi32>,
      %swap3A_505 = vector.shape_cast %swap3A_504 : vector<16xi32> to vector<16xi32>
      %swap3A_506 = vector.shape_cast %add3A_498 : vector<16xi32> to vector<16xi32>
      tpu.vector_store %arg8[%swap3A_503], %swap3A_506 {strides = array<i32>} : memref<1024xi32, #tpu.memory_space<vmem>>, vector<16xi32>,
      %scan3A_507 = arith.constant 2 : i32
      %scan3A_508 = arith.addi %scan3A_447, %scan3A_507 : i32
      %mul3A_509 = arith.constant 16 : i32
      %mul3A_510 = arith.muli %scan3A_508, %mul3A_509 : i32
      %add3A_511 = arith.constant 1024 : i32
      %add3A_512 = arith.addi %add3A_511, %mul3A_510 : i32
      %get3A_513 = arith.index_cast %add3A_512 : i32 to index
      %get3A_514 = tpu.vector_load %arg6[%get3A_513] {strides = array<i32>} : memref<6144xf32, #tpu.memory_space<vmem>>, vector<16xf32>,
      %get3A_515 = vector.shape_cast %get3A_514 : vector<16xf32> to vector<16xf32>
      %convert_element_type3A_516 = arith.fptosi %get3A_515 : vector<16xf32> to vector<16xi32>
      %add3A_517 = vector.broadcast %mul3A_120 : i32 to vector<16xi32>
      %add3A_518 = arith.addi %convert_element_type3A_516, %add3A_517 : vector<16xi32>
      %mul3A_519 = arith.constant 16 : i32
      %mul3A_520 = arith.muli %scan3A_508, %mul3A_519 : i32
      %add3A_521 = arith.constant 512 : i32
      %add3A_522 = arith.addi %add3A_521, %mul3A_520 : i32
      %swap3A_523 = arith.index_cast %add3A_522 : i32 to index
      %swap3A_524 = tpu.vector_load %arg7[%swap3A_523] {strides = array<i32>} : memref<1024xi32, #tpu.memory_space<vmem>>, vector<16xi32>,
      %swap3A_525 = vector.shape_cast %swap3A_524 : vector<16xi32> to vector<16xi32>
      %swap3A_526 = vector.shape_cast %add3A_518 : vector<16xi32> to vector<16xi32>
      tpu.vector_store %arg7[%swap3A_523], %swap3A_526 {strides = array<i32>} : memref<1024xi32, #tpu.memory_space<vmem>>, vector<16xi32>,
      %add3A_527 = arith.constant 16384 : i32
      %add3A_528 = vector.broadcast %add3A_527 : i32 to vector<16xi32>
      %add3A_529 = arith.addi %add3A_518, %add3A_528 : vector<16xi32>
      %mul3A_530 = arith.constant 16 : i32
      %mul3A_531 = arith.muli %scan3A_508, %mul3A_530 : i32
      %add3A_532 = arith.constant 512 : i32
      %add3A_533 = arith.addi %add3A_532, %mul3A_531 : i32
      %swap3A_534 = arith.index_cast %add3A_533 : i32 to index
      %swap3A_535 = tpu.vector_load %arg8[%swap3A_534] {strides = array<i32>} : memref<1024xi32, #tpu.memory_space<vmem>>, vector<16xi32>,
      %swap3A_536 = vector.shape_cast %swap3A_535 : vector<16xi32> to vector<16xi32>
      %swap3A_537 = vector.shape_cast %add3A_529 : vector<16xi32> to vector<16xi32>
      tpu.vector_store %arg8[%swap3A_534], %swap3A_537 {strides = array<i32>} : memref<1024xi32, #tpu.memory_space<vmem>>, vector<16xi32>,
      %scan3A_538 = arith.constant 3 : i32
      %scan3A_539 = arith.addi %scan3A_447, %scan3A_538 : i32
      %mul3A_540 = arith.constant 16 : i32
      %mul3A_541 = arith.muli %scan3A_539, %mul3A_540 : i32
      %add3A_542 = arith.constant 1024 : i32
      %add3A_543 = arith.addi %add3A_542, %mul3A_541 : i32
      %get3A_544 = arith.index_cast %add3A_543 : i32 to index
      %get3A_545 = tpu.vector_load %arg6[%get3A_544] {strides = array<i32>} : memref<6144xf32, #tpu.memory_space<vmem>>, vector<16xf32>,
      %get3A_546 = vector.shape_cast %get3A_545 : vector<16xf32> to vector<16xf32>
      %convert_element_type3A_547 = arith.fptosi %get3A_546 : vector<16xf32> to vector<16xi32>
      %add3A_548 = vector.broadcast %mul3A_120 : i32 to vector<16xi32>
      %add3A_549 = arith.addi %convert_element_type3A_547, %add3A_548 : vector<16xi32>
      %mul3A_550 = arith.constant 16 : i32
      %mul3A_551 = arith.muli %scan3A_539, %mul3A_550 : i32
      %add3A_552 = arith.constant 512 : i32
      %add3A_553 = arith.addi %add3A_552, %mul3A_551 : i32
      %swap3A_554 = arith.index_cast %add3A_553 : i32 to index
      %swap3A_555 = tpu.vector_load %arg7[%swap3A_554] {strides = array<i32>} : memref<1024xi32, #tpu.memory_space<vmem>>, vector<16xi32>,
      %swap3A_556 = vector.shape_cast %swap3A_555 : vector<16xi32> to vector<16xi32>
      %swap3A_557 = vector.shape_cast %add3A_549 : vector<16xi32> to vector<16xi32>
      tpu.vector_store %arg7[%swap3A_554], %swap3A_557 {strides = array<i32>} : memref<1024xi32, #tpu.memory_space<vmem>>, vector<16xi32>,
      %add3A_558 = arith.constant 16384 : i32
      %add3A_559 = vector.broadcast %add3A_558 : i32 to vector<16xi32>
      %add3A_560 = arith.addi %add3A_549, %add3A_559 : vector<16xi32>
      %mul3A_561 = arith.constant 16 : i32
      %mul3A_562 = arith.muli %scan3A_539, %mul3A_561 : i32
      %add3A_563 = arith.constant 512 : i32
      %add3A_564 = arith.addi %add3A_563, %mul3A_562 : i32
      %swap3A_565 = arith.index_cast %add3A_564 : i32 to index
      %swap3A_566 = tpu.vector_load %arg8[%swap3A_565] {strides = array<i32>} : memref<1024xi32, #tpu.memory_space<vmem>>, vector<16xi32>,
      %swap3A_567 = vector.shape_cast %swap3A_566 : vector<16xi32> to vector<16xi32>
      %swap3A_568 = vector.shape_cast %add3A_560 : vector<16xi32> to vector<16xi32>
      tpu.vector_store %arg8[%swap3A_565], %swap3A_568 {strides = array<i32>} : memref<1024xi32, #tpu.memory_space<vmem>>, vector<16xi32>,
    }
    %scan3A_126 = arith.constant 32 : i32
    %dma_start3A_127 = arith.constant 512 : i32
    %dma_start3A_128 = tpu.memref_slice %arg9[%dma_start3A_127] : memref<1024xf32, #tpu.memory_space<vmem>> -> memref<128xf32, #tpu.memory_space<vmem>>
    %dma_start3A_129 = arith.constant 512 : i32
    %dma_start3A_130 = tpu.memref_slice %arg7[%dma_start3A_129] : memref<1024xi32, #tpu.memory_space<vmem>> -> memref<128xi32, #tpu.memory_space<vmem>>
    %dma_start3A_131 = arith.constant 0 : i32
    %dma_start3A_132 = tpu.memref_slice %arg2[%dma_start3A_131] : memref<1048576xf32, #tpu.memory_space<hbm>> -> memref<1048576xf32, #tpu.memory_space<hbm>>
    tpu.enqueue_indirect_dma source(%dma_start3A_132 : memref<1048576xf32, #tpu.memory_space<hbm>>) target(%dma_start3A_128 : memref<128xf32, #tpu.memory_space<vmem>>) offsets(%dma_start3A_130 : memref<128xi32, #tpu.memory_space<vmem>>) semaphore(%arg17 : memref<!tpu.dma_semaphore, #tpu.memory_space<semaphore_mem>>)
    %dma_start3A_133 = arith.constant 512 : i32
    %dma_start3A_134 = tpu.memref_slice %arg10[%dma_start3A_133] : memref<1024xf32, #tpu.memory_space<vmem>> -> memref<128xf32, #tpu.memory_space<vmem>>
    %dma_start3A_135 = arith.constant 512 : i32
    %dma_start3A_136 = tpu.memref_slice %arg8[%dma_start3A_135] : memref<1024xi32, #tpu.memory_space<vmem>> -> memref<128xi32, #tpu.memory_space<vmem>>
    %dma_start3A_137 = arith.constant 0 : i32
    %dma_start3A_138 = tpu.memref_slice %arg2[%dma_start3A_137] : memref<1048576xf32, #tpu.memory_space<hbm>> -> memref<1048576xf32, #tpu.memory_space<hbm>>
    tpu.enqueue_indirect_dma source(%dma_start3A_138 : memref<1048576xf32, #tpu.memory_space<hbm>>) target(%dma_start3A_134 : memref<128xf32, #tpu.memory_space<vmem>>) offsets(%dma_start3A_136 : memref<128xi32, #tpu.memory_space<vmem>>) semaphore(%arg17 : memref<!tpu.dma_semaphore, #tpu.memory_space<semaphore_mem>>)
    %dma_start3A_139 = arith.constant 512 : i32
    %dma_start3A_140 = tpu.memref_slice %arg11[%dma_start3A_139] : memref<1024xf32, #tpu.memory_space<vmem>> -> memref<128xf32, #tpu.memory_space<vmem>>
    %dma_start3A_141 = arith.constant 512 : i32
    %dma_start3A_142 = tpu.memref_slice %arg7[%dma_start3A_141] : memref<1024xi32, #tpu.memory_space<vmem>> -> memref<128xi32, #tpu.memory_space<vmem>>
    %dma_start3A_143 = arith.constant 0 : i32
    %dma_start3A_144 = tpu.memref_slice %arg3[%dma_start3A_143] : memref<1048576xf32, #tpu.memory_space<hbm>> -> memref<1048576xf32, #tpu.memory_space<hbm>>
    tpu.enqueue_indirect_dma source(%dma_start3A_144 : memref<1048576xf32, #tpu.memory_space<hbm>>) target(%dma_start3A_140 : memref<128xf32, #tpu.memory_space<vmem>>) offsets(%dma_start3A_142 : memref<128xi32, #tpu.memory_space<vmem>>) semaphore(%arg17 : memref<!tpu.dma_semaphore, #tpu.memory_space<semaphore_mem>>)
    %dma_start3A_145 = arith.constant 512 : i32
    %dma_start3A_146 = tpu.memref_slice %arg12[%dma_start3A_145] : memref<1024xf32, #tpu.memory_space<vmem>> -> memref<128xf32, #tpu.memory_space<vmem>>
    %dma_start3A_147 = arith.constant 512 : i32
    %dma_start3A_148 = tpu.memref_slice %arg8[%dma_start3A_147] : memref<1024xi32, #tpu.memory_space<vmem>> -> memref<128xi32, #tpu.memory_space<vmem>>
    %dma_start3A_149 = arith.constant 0 : i32
    %dma_start3A_150 = tpu.memref_slice %arg3[%dma_start3A_149] : memref<1048576xf32, #tpu.memory_space<hbm>> -> memref<1048576xf32, #tpu.memory_space<hbm>>
    tpu.enqueue_indirect_dma source(%dma_start3A_150 : memref<1048576xf32, #tpu.memory_space<hbm>>) target(%dma_start3A_146 : memref<128xf32, #tpu.memory_space<vmem>>) offsets(%dma_start3A_148 : memref<128xi32, #tpu.memory_space<vmem>>) semaphore(%arg17 : memref<!tpu.dma_semaphore, #tpu.memory_space<semaphore_mem>>)
    %dma_start3A_151 = arith.constant 640 : i32
    %dma_start3A_152 = tpu.memref_slice %arg9[%dma_start3A_151] : memref<1024xf32, #tpu.memory_space<vmem>> -> memref<128xf32, #tpu.memory_space<vmem>>
    %dma_start3A_153 = arith.constant 640 : i32
    %dma_start3A_154 = tpu.memref_slice %arg7[%dma_start3A_153] : memref<1024xi32, #tpu.memory_space<vmem>> -> memref<128xi32, #tpu.memory_space<vmem>>
    %dma_start3A_155 = arith.constant 0 : i32
    %dma_start3A_156 = tpu.memref_slice %arg2[%dma_start3A_155] : memref<1048576xf32, #tpu.memory_space<hbm>> -> memref<1048576xf32, #tpu.memory_space<hbm>>
    tpu.enqueue_indirect_dma source(%dma_start3A_156 : memref<1048576xf32, #tpu.memory_space<hbm>>) target(%dma_start3A_152 : memref<128xf32, #tpu.memory_space<vmem>>) offsets(%dma_start3A_154 : memref<128xi32, #tpu.memory_space<vmem>>) semaphore(%arg17 : memref<!tpu.dma_semaphore, #tpu.memory_space<semaphore_mem>>)
    %dma_start3A_157 = arith.constant 640 : i32
    %dma_start3A_158 = tpu.memref_slice %arg10[%dma_start3A_157] : memref<1024xf32, #tpu.memory_space<vmem>> -> memref<128xf32, #tpu.memory_space<vmem>>
    %dma_start3A_159 = arith.constant 640 : i32
    %dma_start3A_160 = tpu.memref_slice %arg8[%dma_start3A_159] : memref<1024xi32, #tpu.memory_space<vmem>> -> memref<128xi32, #tpu.memory_space<vmem>>
    %dma_start3A_161 = arith.constant 0 : i32
    %dma_start3A_162 = tpu.memref_slice %arg2[%dma_start3A_161] : memref<1048576xf32, #tpu.memory_space<hbm>> -> memref<1048576xf32, #tpu.memory_space<hbm>>
    tpu.enqueue_indirect_dma source(%dma_start3A_162 : memref<1048576xf32, #tpu.memory_space<hbm>>) target(%dma_start3A_158 : memref<128xf32, #tpu.memory_space<vmem>>) offsets(%dma_start3A_160 : memref<128xi32, #tpu.memory_space<vmem>>) semaphore(%arg17 : memref<!tpu.dma_semaphore, #tpu.memory_space<semaphore_mem>>)
    %dma_start3A_163 = arith.constant 640 : i32
    %dma_start3A_164 = tpu.memref_slice %arg11[%dma_start3A_163] : memref<1024xf32, #tpu.memory_space<vmem>> -> memref<128xf32, #tpu.memory_space<vmem>>
    %dma_start3A_165 = arith.constant 640 : i32
    %dma_start3A_166 = tpu.memref_slice %arg7[%dma_start3A_165] : memref<1024xi32, #tpu.memory_space<vmem>> -> memref<128xi32, #tpu.memory_space<vmem>>
    %dma_start3A_167 = arith.constant 0 : i32
    %dma_start3A_168 = tpu.memref_slice %arg3[%dma_start3A_167] : memref<1048576xf32, #tpu.memory_space<hbm>> -> memref<1048576xf32, #tpu.memory_space<hbm>>
    tpu.enqueue_indirect_dma source(%dma_start3A_168 : memref<1048576xf32, #tpu.memory_space<hbm>>) target(%dma_start3A_164 : memref<128xf32, #tpu.memory_space<vmem>>) offsets(%dma_start3A_166 : memref<128xi32, #tpu.memory_space<vmem>>) semaphore(%arg17 : memref<!tpu.dma_semaphore, #tpu.memory_space<semaphore_mem>>)
    %dma_start3A_169 = arith.constant 640 : i32
    %dma_start3A_170 = tpu.memref_slice %arg12[%dma_start3A_169] : memref<1024xf32, #tpu.memory_space<vmem>> -> memref<128xf32, #tpu.memory_space<vmem>>
    %dma_start3A_171 = arith.constant 640 : i32
    %dma_start3A_172 = tpu.memref_slice %arg8[%dma_start3A_171] : memref<1024xi32, #tpu.memory_space<vmem>> -> memref<128xi32, #tpu.memory_space<vmem>>
    %dma_start3A_173 = arith.constant 0 : i32
    %dma_start3A_174 = tpu.memref_slice %arg3[%dma_start3A_173] : memref<1048576xf32, #tpu.memory_space<hbm>> -> memref<1048576xf32, #tpu.memory_space<hbm>>
    tpu.enqueue_indirect_dma source(%dma_start3A_174 : memref<1048576xf32, #tpu.memory_space<hbm>>) target(%dma_start3A_170 : memref<128xf32, #tpu.memory_space<vmem>>) offsets(%dma_start3A_172 : memref<128xi32, #tpu.memory_space<vmem>>) semaphore(%arg17 : memref<!tpu.dma_semaphore, #tpu.memory_space<semaphore_mem>>)
    %dma_start3A_175 = arith.constant 768 : i32
    %dma_start3A_176 = tpu.memref_slice %arg9[%dma_start3A_175] : memref<1024xf32, #tpu.memory_space<vmem>> -> memref<128xf32, #tpu.memory_space<vmem>>
    %dma_start3A_177 = arith.constant 768 : i32
    %dma_start3A_178 = tpu.memref_slice %arg7[%dma_start3A_177] : memref<1024xi32, #tpu.memory_space<vmem>> -> memref<128xi32, #tpu.memory_space<vmem>>
    %dma_start3A_179 = arith.constant 0 : i32
    %dma_start3A_180 = tpu.memref_slice %arg2[%dma_start3A_179] : memref<1048576xf32, #tpu.memory_space<hbm>> -> memref<1048576xf32, #tpu.memory_space<hbm>>
    tpu.enqueue_indirect_dma source(%dma_start3A_180 : memref<1048576xf32, #tpu.memory_space<hbm>>) target(%dma_start3A_176 : memref<128xf32, #tpu.memory_space<vmem>>) offsets(%dma_start3A_178 : memref<128xi32, #tpu.memory_space<vmem>>) semaphore(%arg17 : memref<!tpu.dma_semaphore, #tpu.memory_space<semaphore_mem>>)
    %dma_start3A_181 = arith.constant 768 : i32
    %dma_start3A_182 = tpu.memref_slice %arg10[%dma_start3A_181] : memref<1024xf32, #tpu.memory_space<vmem>> -> memref<128xf32, #tpu.memory_space<vmem>>
    %dma_start3A_183 = arith.constant 768 : i32
    %dma_start3A_184 = tpu.memref_slice %arg8[%dma_start3A_183] : memref<1024xi32, #tpu.memory_space<vmem>> -> memref<128xi32, #tpu.memory_space<vmem>>
    %dma_start3A_185 = arith.constant 0 : i32
    %dma_start3A_186 = tpu.memref_slice %arg2[%dma_start3A_185] : memref<1048576xf32, #tpu.memory_space<hbm>> -> memref<1048576xf32, #tpu.memory_space<hbm>>
    tpu.enqueue_indirect_dma source(%dma_start3A_186 : memref<1048576xf32, #tpu.memory_space<hbm>>) target(%dma_start3A_182 : memref<128xf32, #tpu.memory_space<vmem>>) offsets(%dma_start3A_184 : memref<128xi32, #tpu.memory_space<vmem>>) semaphore(%arg17 : memref<!tpu.dma_semaphore, #tpu.memory_space<semaphore_mem>>)
    %dma_start3A_187 = arith.constant 768 : i32
    %dma_start3A_188 = tpu.memref_slice %arg11[%dma_start3A_187] : memref<1024xf32, #tpu.memory_space<vmem>> -> memref<128xf32, #tpu.memory_space<vmem>>
    %dma_start3A_189 = arith.constant 768 : i32
    %dma_start3A_190 = tpu.memref_slice %arg7[%dma_start3A_189] : memref<1024xi32, #tpu.memory_space<vmem>> -> memref<128xi32, #tpu.memory_space<vmem>>
    %dma_start3A_191 = arith.constant 0 : i32
    %dma_start3A_192 = tpu.memref_slice %arg3[%dma_start3A_191] : memref<1048576xf32, #tpu.memory_space<hbm>> -> memref<1048576xf32, #tpu.memory_space<hbm>>
    tpu.enqueue_indirect_dma source(%dma_start3A_192 : memref<1048576xf32, #tpu.memory_space<hbm>>) target(%dma_start3A_188 : memref<128xf32, #tpu.memory_space<vmem>>) offsets(%dma_start3A_190 : memref<128xi32, #tpu.memory_space<vmem>>) semaphore(%arg17 : memref<!tpu.dma_semaphore, #tpu.memory_space<semaphore_mem>>)
    %dma_start3A_193 = arith.constant 768 : i32
    %dma_start3A_194 = tpu.memref_slice %arg12[%dma_start3A_193] : memref<1024xf32, #tpu.memory_space<vmem>> -> memref<128xf32, #tpu.memory_space<vmem>>
    %dma_start3A_195 = arith.constant 768 : i32
    %dma_start3A_196 = tpu.memref_slice %arg8[%dma_start3A_195] : memref<1024xi32, #tpu.memory_space<vmem>> -> memref<128xi32, #tpu.memory_space<vmem>>
    %dma_start3A_197 = arith.constant 0 : i32
    %dma_start3A_198 = tpu.memref_slice %arg3[%dma_start3A_197] : memref<1048576xf32, #tpu.memory_space<hbm>> -> memref<1048576xf32, #tpu.memory_space<hbm>>
    tpu.enqueue_indirect_dma source(%dma_start3A_198 : memref<1048576xf32, #tpu.memory_space<hbm>>) target(%dma_start3A_194 : memref<128xf32, #tpu.memory_space<vmem>>) offsets(%dma_start3A_196 : memref<128xi32, #tpu.memory_space<vmem>>) semaphore(%arg17 : memref<!tpu.dma_semaphore, #tpu.memory_space<semaphore_mem>>)
    %dma_start3A_199 = arith.constant 896 : i32
    %dma_start3A_200 = tpu.memref_slice %arg9[%dma_start3A_199] : memref<1024xf32, #tpu.memory_space<vmem>> -> memref<128xf32, #tpu.memory_space<vmem>>
    %dma_start3A_201 = arith.constant 896 : i32
    %dma_start3A_202 = tpu.memref_slice %arg7[%dma_start3A_201] : memref<1024xi32, #tpu.memory_space<vmem>> -> memref<128xi32, #tpu.memory_space<vmem>>
    %dma_start3A_203 = arith.constant 0 : i32
    %dma_start3A_204 = tpu.memref_slice %arg2[%dma_start3A_203] : memref<1048576xf32, #tpu.memory_space<hbm>> -> memref<1048576xf32, #tpu.memory_space<hbm>>
    tpu.enqueue_indirect_dma source(%dma_start3A_204 : memref<1048576xf32, #tpu.memory_space<hbm>>) target(%dma_start3A_200 : memref<128xf32, #tpu.memory_space<vmem>>) offsets(%dma_start3A_202 : memref<128xi32, #tpu.memory_space<vmem>>) semaphore(%arg17 : memref<!tpu.dma_semaphore, #tpu.memory_space<semaphore_mem>>)
    %dma_start3A_205 = arith.constant 896 : i32
    %dma_start3A_206 = tpu.memref_slice %arg10[%dma_start3A_205] : memref<1024xf32, #tpu.memory_space<vmem>> -> memref<128xf32, #tpu.memory_space<vmem>>
    %dma_start3A_207 = arith.constant 896 : i32
    %dma_start3A_208 = tpu.memref_slice %arg8[%dma_start3A_207] : memref<1024xi32, #tpu.memory_space<vmem>> -> memref<128xi32, #tpu.memory_space<vmem>>
    %dma_start3A_209 = arith.constant 0 : i32
    %dma_start3A_210 = tpu.memref_slice %arg2[%dma_start3A_209] : memref<1048576xf32, #tpu.memory_space<hbm>> -> memref<1048576xf32, #tpu.memory_space<hbm>>
    tpu.enqueue_indirect_dma source(%dma_start3A_210 : memref<1048576xf32, #tpu.memory_space<hbm>>) target(%dma_start3A_206 : memref<128xf32, #tpu.memory_space<vmem>>) offsets(%dma_start3A_208 : memref<128xi32, #tpu.memory_space<vmem>>) semaphore(%arg17 : memref<!tpu.dma_semaphore, #tpu.memory_space<semaphore_mem>>)
    %dma_start3A_211 = arith.constant 896 : i32
    %dma_start3A_212 = tpu.memref_slice %arg11[%dma_start3A_211] : memref<1024xf32, #tpu.memory_space<vmem>> -> memref<128xf32, #tpu.memory_space<vmem>>
    %dma_start3A_213 = arith.constant 896 : i32
    %dma_start3A_214 = tpu.memref_slice %arg7[%dma_start3A_213] : memref<1024xi32, #tpu.memory_space<vmem>> -> memref<128xi32, #tpu.memory_space<vmem>>
    %dma_start3A_215 = arith.constant 0 : i32
    %dma_start3A_216 = tpu.memref_slice %arg3[%dma_start3A_215] : memref<1048576xf32, #tpu.memory_space<hbm>> -> memref<1048576xf32, #tpu.memory_space<hbm>>
    tpu.enqueue_indirect_dma source(%dma_start3A_216 : memref<1048576xf32, #tpu.memory_space<hbm>>) target(%dma_start3A_212 : memref<128xf32, #tpu.memory_space<vmem>>) offsets(%dma_start3A_214 : memref<128xi32, #tpu.memory_space<vmem>>) semaphore(%arg17 : memref<!tpu.dma_semaphore, #tpu.memory_space<semaphore_mem>>)
    %dma_start3A_217 = arith.constant 896 : i32
    %dma_start3A_218 = tpu.memref_slice %arg12[%dma_start3A_217] : memref<1024xf32, #tpu.memory_space<vmem>> -> memref<128xf32, #tpu.memory_space<vmem>>
    %dma_start3A_219 = arith.constant 896 : i32
    %dma_start3A_220 = tpu.memref_slice %arg8[%dma_start3A_219] : memref<1024xi32, #tpu.memory_space<vmem>> -> memref<128xi32, #tpu.memory_space<vmem>>
    %dma_start3A_221 = arith.constant 0 : i32
    %dma_start3A_222 = tpu.memref_slice %arg3[%dma_start3A_221] : memref<1048576xf32, #tpu.memory_space<hbm>> -> memref<1048576xf32, #tpu.memory_space<hbm>>
    tpu.enqueue_indirect_dma source(%dma_start3A_222 : memref<1048576xf32, #tpu.memory_space<hbm>>) target(%dma_start3A_218 : memref<128xf32, #tpu.memory_space<vmem>>) offsets(%dma_start3A_220 : memref<128xi32, #tpu.memory_space<vmem>>) semaphore(%arg17 : memref<!tpu.dma_semaphore, #tpu.memory_space<semaphore_mem>>)
    %dma_wait3A = arith.constant 2048 : i32
    %dma_wait3A_223 = tpu.memref_slice %arg6[%dma_wait3A] : memref<6144xf32, #tpu.memory_space<vmem>> -> memref<4096xf32, #tpu.memory_space<vmem>>
    %dma_wait3A_224 = arith.constant 2048 : i32
    %dma_wait3A_225 = tpu.memref_slice %arg4[%arg1, %dma_wait3A_224] : memref<16x6144xf32, #tpu.memory_space<hbm>> -> memref<1x4096xf32, #tpu.memory_space<hbm>>
    %dma_wait3A_226 = tpu.memref_squeeze %dma_wait3A_225 : memref<1x4096xf32, #tpu.memory_space<hbm>> -> memref<4096xf32, #tpu.memory_space<hbm>>
    %dma_wait3A_227 = arith.constant 2048 : i32
    %dma_wait3A_228 = tpu.memref_slice %arg6[%dma_wait3A_227] : memref<6144xf32, #tpu.memory_space<vmem>> -> memref<4096xf32, #tpu.memory_space<vmem>>
    %dma_wait3A_229 = arith.constant 2048 : i32
    %dma_wait3A_230 = tpu.memref_slice %arg4[%arg1, %dma_wait3A_229] : memref<16x6144xf32, #tpu.memory_space<hbm>> -> memref<1x4096xf32, #tpu.memory_space<hbm>>
    %dma_wait3A_231 = tpu.memref_squeeze %dma_wait3A_230 : memref<1x4096xf32, #tpu.memory_space<hbm>> -> memref<4096xf32, #tpu.memory_space<hbm>>
    tpu.wait_dma2 semaphore(%arg16 : memref<!tpu.dma_semaphore, #tpu.memory_space<semaphore_mem>>) src(%dma_wait3A_231 : memref<4096xf32, #tpu.memory_space<hbm>>) dst(%dma_wait3A_228 : memref<4096xf32, #tpu.memory_space<vmem>>)
    %dma_wait3A_232 = arith.constant 0 : i32
    %dma_wait3A_233 = tpu.memref_slice %arg9[%dma_wait3A_232] : memref<1024xf32, #tpu.memory_space<vmem>> -> memref<128xf32, #tpu.memory_space<vmem>>
    %dma_wait3A_234 = arith.constant 0 : i32
    %dma_wait3A_235 = tpu.memref_slice %arg7[%dma_wait3A_234] : memref<1024xi32, #tpu.memory_space<vmem>> -> memref<128xi32, #tpu.memory_space<vmem>>
    %dma_wait3A_236 = arith.constant 0 : i32
    %dma_wait3A_237 = tpu.memref_slice %arg2[%dma_wait3A_236] : memref<1048576xf32, #tpu.memory_space<hbm>> -> memref<1048576xf32, #tpu.memory_space<hbm>>
    tpu.wait_indirect_dma semaphore(%arg16 : memref<!tpu.dma_semaphore, #tpu.memory_space<semaphore_mem>>) src(%dma_wait3A_237 : memref<1048576xf32, #tpu.memory_space<hbm>>) dst(%dma_wait3A_233 : memref<128xf32, #tpu.memory_space<vmem>>)
    %dma_wait3A_238 = arith.constant 0 : i32
    %dma_wait3A_239 = tpu.memref_slice %arg10[%dma_wait3A_238] : memref<1024xf32, #tpu.memory_space<vmem>> -> memref<128xf32, #tpu.memory_space<vmem>>
    %dma_wait3A_240 = arith.constant 0 : i32
    %dma_wait3A_241 = tpu.memref_slice %arg8[%dma_wait3A_240] : memref<1024xi32, #tpu.memory_space<vmem>> -> memref<128xi32, #tpu.memory_space<vmem>>
    %dma_wait3A_242 = arith.constant 0 : i32
    %dma_wait3A_243 = tpu.memref_slice %arg2[%dma_wait3A_242] : memref<1048576xf32, #tpu.memory_space<hbm>> -> memref<1048576xf32, #tpu.memory_space<hbm>>
    tpu.wait_indirect_dma semaphore(%arg16 : memref<!tpu.dma_semaphore, #tpu.memory_space<semaphore_mem>>) src(%dma_wait3A_243 : memref<1048576xf32, #tpu.memory_space<hbm>>) dst(%dma_wait3A_239 : memref<128xf32, #tpu.memory_space<vmem>>)
    %dma_wait3A_244 = arith.constant 0 : i32
    %dma_wait3A_245 = tpu.memref_slice %arg11[%dma_wait3A_244] : memref<1024xf32, #tpu.memory_space<vmem>> -> memref<128xf32, #tpu.memory_space<vmem>>
    %dma_wait3A_246 = arith.constant 0 : i32
    %dma_wait3A_247 = tpu.memref_slice %arg7[%dma_wait3A_246] : memref<1024xi32, #tpu.memory_space<vmem>> -> memref<128xi32, #tpu.memory_space<vmem>>
    %dma_wait3A_248 = arith.constant 0 : i32
    %dma_wait3A_249 = tpu.memref_slice %arg3[%dma_wait3A_248] : memref<1048576xf32, #tpu.memory_space<hbm>> -> memref<1048576xf32, #tpu.memory_space<hbm>>
    tpu.wait_indirect_dma semaphore(%arg16 : memref<!tpu.dma_semaphore, #tpu.memory_space<semaphore_mem>>) src(%dma_wait3A_249 : memref<1048576xf32, #tpu.memory_space<hbm>>) dst(%dma_wait3A_245 : memref<128xf32, #tpu.memory_space<vmem>>)
    %dma_wait3A_250 = arith.constant 0 : i32
    %dma_wait3A_251 = tpu.memref_slice %arg12[%dma_wait3A_250] : memref<1024xf32, #tpu.memory_space<vmem>> -> memref<128xf32, #tpu.memory_space<vmem>>
    %dma_wait3A_252 = arith.constant 0 : i32
    %dma_wait3A_253 = tpu.memref_slice %arg8[%dma_wait3A_252] : memref<1024xi32, #tpu.memory_space<vmem>> -> memref<128xi32, #tpu.memory_space<vmem>>
    %dma_wait3A_254 = arith.constant 0 : i32
    %dma_wait3A_255 = tpu.memref_slice %arg3[%dma_wait3A_254] : memref<1048576xf32, #tpu.memory_space<hbm>> -> memref<1048576xf32, #tpu.memory_space<hbm>>
    tpu.wait_indirect_dma semaphore(%arg16 : memref<!tpu.dma_semaphore, #tpu.memory_space<semaphore_mem>>) src(%dma_wait3A_255 : memref<1048576xf32, #tpu.memory_space<hbm>>) dst(%dma_wait3A_251 : memref<128xf32, #tpu.memory_space<vmem>>)
    %dma_wait3A_256 = arith.constant 128 : i32
    %dma_wait3A_257 = tpu.memref_slice %arg9[%dma_wait3A_256] : memref<1024xf32, #tpu.memory_space<vmem>> -> memref<128xf32, #tpu.memory_space<vmem>>
    %dma_wait3A_258 = arith.constant 128 : i32
    %dma_wait3A_259 = tpu.memref_slice %arg7[%dma_wait3A_258] : memref<1024xi32, #tpu.memory_space<vmem>> -> memref<128xi32, #tpu.memory_space<vmem>>
    %dma_wait3A_260 = arith.constant 0 : i32
    %dma_wait3A_261 = tpu.memref_slice %arg2[%dma_wait3A_260] : memref<1048576xf32, #tpu.memory_space<hbm>> -> memref<1048576xf32, #tpu.memory_space<hbm>>
    tpu.wait_indirect_dma semaphore(%arg16 : memref<!tpu.dma_semaphore, #tpu.memory_space<semaphore_mem>>) src(%dma_wait3A_261 : memref<1048576xf32, #tpu.memory_space<hbm>>) dst(%dma_wait3A_257 : memref<128xf32, #tpu.memory_space<vmem>>)
    %dma_wait3A_262 = arith.constant 128 : i32
    %dma_wait3A_263 = tpu.memref_slice %arg10[%dma_wait3A_262] : memref<1024xf32, #tpu.memory_space<vmem>> -> memref<128xf32, #tpu.memory_space<vmem>>
    %dma_wait3A_264 = arith.constant 128 : i32
    %dma_wait3A_265 = tpu.memref_slice %arg8[%dma_wait3A_264] : memref<1024xi32, #tpu.memory_space<vmem>> -> memref<128xi32, #tpu.memory_space<vmem>>
    %dma_wait3A_266 = arith.constant 0 : i32
    %dma_wait3A_267 = tpu.memref_slice %arg2[%dma_wait3A_266] : memref<1048576xf32, #tpu.memory_space<hbm>> -> memref<1048576xf32, #tpu.memory_space<hbm>>
    tpu.wait_indirect_dma semaphore(%arg16 : memref<!tpu.dma_semaphore, #tpu.memory_space<semaphore_mem>>) src(%dma_wait3A_267 : memref<1048576xf32, #tpu.memory_space<hbm>>) dst(%dma_wait3A_263 : memref<128xf32, #tpu.memory_space<vmem>>)
    %dma_wait3A_268 = arith.constant 128 : i32
    %dma_wait3A_269 = tpu.memref_slice %arg11[%dma_wait3A_268] : memref<1024xf32, #tpu.memory_space<vmem>> -> memref<128xf32, #tpu.memory_space<vmem>>
    %dma_wait3A_270 = arith.constant 128 : i32
    %dma_wait3A_271 = tpu.memref_slice %arg7[%dma_wait3A_270] : memref<1024xi32, #tpu.memory_space<vmem>> -> memref<128xi32, #tpu.memory_space<vmem>>
    %dma_wait3A_272 = arith.constant 0 : i32
    %dma_wait3A_273 = tpu.memref_slice %arg3[%dma_wait3A_272] : memref<1048576xf32, #tpu.memory_space<hbm>> -> memref<1048576xf32, #tpu.memory_space<hbm>>
    tpu.wait_indirect_dma semaphore(%arg16 : memref<!tpu.dma_semaphore, #tpu.memory_space<semaphore_mem>>) src(%dma_wait3A_273 : memref<1048576xf32, #tpu.memory_space<hbm>>) dst(%dma_wait3A_269 : memref<128xf32, #tpu.memory_space<vmem>>)
    %dma_wait3A_274 = arith.constant 128 : i32
    %dma_wait3A_275 = tpu.memref_slice %arg12[%dma_wait3A_274] : memref<1024xf32, #tpu.memory_space<vmem>> -> memref<128xf32, #tpu.memory_space<vmem>>
    %dma_wait3A_276 = arith.constant 128 : i32
    %dma_wait3A_277 = tpu.memref_slice %arg8[%dma_wait3A_276] : memref<1024xi32, #tpu.memory_space<vmem>> -> memref<128xi32, #tpu.memory_space<vmem>>
    %dma_wait3A_278 = arith.constant 0 : i32
    %dma_wait3A_279 = tpu.memref_slice %arg3[%dma_wait3A_278] : memref<1048576xf32, #tpu.memory_space<hbm>> -> memref<1048576xf32, #tpu.memory_space<hbm>>
    tpu.wait_indirect_dma semaphore(%arg16 : memref<!tpu.dma_semaphore, #tpu.memory_space<semaphore_mem>>) src(%dma_wait3A_279 : memref<1048576xf32, #tpu.memory_space<hbm>>) dst(%dma_wait3A_275 : memref<128xf32, #tpu.memory_space<vmem>>)
    %dma_wait3A_280 = arith.constant 256 : i32
    %dma_wait3A_281 = tpu.memref_slice %arg9[%dma_wait3A_280] : memref<1024xf32, #tpu.memory_space<vmem>> -> memref<128xf32, #tpu.memory_space<vmem>>
    %dma_wait3A_282 = arith.constant 256 : i32
    %dma_wait3A_283 = tpu.memref_slice %arg7[%dma_wait3A_282] : memref<1024xi32, #tpu.memory_space<vmem>> -> memref<128xi32, #tpu.memory_space<vmem>>
    %dma_wait3A_284 = arith.constant 0 : i32
    %dma_wait3A_285 = tpu.memref_slice %arg2[%dma_wait3A_284] : memref<1048576xf32, #tpu.memory_space<hbm>> -> memref<1048576xf32, #tpu.memory_space<hbm>>
    tpu.wait_indirect_dma semaphore(%arg16 : memref<!tpu.dma_semaphore, #tpu.memory_space<semaphore_mem>>) src(%dma_wait3A_285 : memref<1048576xf32, #tpu.memory_space<hbm>>) dst(%dma_wait3A_281 : memref<128xf32, #tpu.memory_space<vmem>>)
    %dma_wait3A_286 = arith.constant 256 : i32
    %dma_wait3A_287 = tpu.memref_slice %arg10[%dma_wait3A_286] : memref<1024xf32, #tpu.memory_space<vmem>> -> memref<128xf32, #tpu.memory_space<vmem>>
    %dma_wait3A_288 = arith.constant 256 : i32
    %dma_wait3A_289 = tpu.memref_slice %arg8[%dma_wait3A_288] : memref<1024xi32, #tpu.memory_space<vmem>> -> memref<128xi32, #tpu.memory_space<vmem>>
    %dma_wait3A_290 = arith.constant 0 : i32
    %dma_wait3A_291 = tpu.memref_slice %arg2[%dma_wait3A_290] : memref<1048576xf32, #tpu.memory_space<hbm>> -> memref<1048576xf32, #tpu.memory_space<hbm>>
    tpu.wait_indirect_dma semaphore(%arg16 : memref<!tpu.dma_semaphore, #tpu.memory_space<semaphore_mem>>) src(%dma_wait3A_291 : memref<1048576xf32, #tpu.memory_space<hbm>>) dst(%dma_wait3A_287 : memref<128xf32, #tpu.memory_space<vmem>>)
    %dma_wait3A_292 = arith.constant 256 : i32
    %dma_wait3A_293 = tpu.memref_slice %arg11[%dma_wait3A_292] : memref<1024xf32, #tpu.memory_space<vmem>> -> memref<128xf32, #tpu.memory_space<vmem>>
    %dma_wait3A_294 = arith.constant 256 : i32
    %dma_wait3A_295 = tpu.memref_slice %arg7[%dma_wait3A_294] : memref<1024xi32, #tpu.memory_space<vmem>> -> memref<128xi32, #tpu.memory_space<vmem>>
    %dma_wait3A_296 = arith.constant 0 : i32
    %dma_wait3A_297 = tpu.memref_slice %arg3[%dma_wait3A_296] : memref<1048576xf32, #tpu.memory_space<hbm>> -> memref<1048576xf32, #tpu.memory_space<hbm>>
    tpu.wait_indirect_dma semaphore(%arg16 : memref<!tpu.dma_semaphore, #tpu.memory_space<semaphore_mem>>) src(%dma_wait3A_297 : memref<1048576xf32, #tpu.memory_space<hbm>>) dst(%dma_wait3A_293 : memref<128xf32, #tpu.memory_space<vmem>>)
    %dma_wait3A_298 = arith.constant 256 : i32
    %dma_wait3A_299 = tpu.memref_slice %arg12[%dma_wait3A_298] : memref<1024xf32, #tpu.memory_space<vmem>> -> memref<128xf32, #tpu.memory_space<vmem>>
    %dma_wait3A_300 = arith.constant 256 : i32
    %dma_wait3A_301 = tpu.memref_slice %arg8[%dma_wait3A_300] : memref<1024xi32, #tpu.memory_space<vmem>> -> memref<128xi32, #tpu.memory_space<vmem>>
    %dma_wait3A_302 = arith.constant 0 : i32
    %dma_wait3A_303 = tpu.memref_slice %arg3[%dma_wait3A_302] : memref<1048576xf32, #tpu.memory_space<hbm>> -> memref<1048576xf32, #tpu.memory_space<hbm>>
    tpu.wait_indirect_dma semaphore(%arg16 : memref<!tpu.dma_semaphore, #tpu.memory_space<semaphore_mem>>) src(%dma_wait3A_303 : memref<1048576xf32, #tpu.memory_space<hbm>>) dst(%dma_wait3A_299 : memref<128xf32, #tpu.memory_space<vmem>>)
    %dma_wait3A_304 = arith.constant 384 : i32
    %dma_wait3A_305 = tpu.memref_slice %arg9[%dma_wait3A_304] : memref<1024xf32, #tpu.memory_space<vmem>> -> memref<128xf32, #tpu.memory_space<vmem>>
    %dma_wait3A_306 = arith.constant 384 : i32
    %dma_wait3A_307 = tpu.memref_slice %arg7[%dma_wait3A_306] : memref<1024xi32, #tpu.memory_space<vmem>> -> memref<128xi32, #tpu.memory_space<vmem>>
    %dma_wait3A_308 = arith.constant 0 : i32
    %dma_wait3A_309 = tpu.memref_slice %arg2[%dma_wait3A_308] : memref<1048576xf32, #tpu.memory_space<hbm>> -> memref<1048576xf32, #tpu.memory_space<hbm>>
    tpu.wait_indirect_dma semaphore(%arg16 : memref<!tpu.dma_semaphore, #tpu.memory_space<semaphore_mem>>) src(%dma_wait3A_309 : memref<1048576xf32, #tpu.memory_space<hbm>>) dst(%dma_wait3A_305 : memref<128xf32, #tpu.memory_space<vmem>>)
    %dma_wait3A_310 = arith.constant 384 : i32
    %dma_wait3A_311 = tpu.memref_slice %arg10[%dma_wait3A_310] : memref<1024xf32, #tpu.memory_space<vmem>> -> memref<128xf32, #tpu.memory_space<vmem>>
    %dma_wait3A_312 = arith.constant 384 : i32
    %dma_wait3A_313 = tpu.memref_slice %arg8[%dma_wait3A_312] : memref<1024xi32, #tpu.memory_space<vmem>> -> memref<128xi32, #tpu.memory_space<vmem>>
    %dma_wait3A_314 = arith.constant 0 : i32
    %dma_wait3A_315 = tpu.memref_slice %arg2[%dma_wait3A_314] : memref<1048576xf32, #tpu.memory_space<hbm>> -> memref<1048576xf32, #tpu.memory_space<hbm>>
    tpu.wait_indirect_dma semaphore(%arg16 : memref<!tpu.dma_semaphore, #tpu.memory_space<semaphore_mem>>) src(%dma_wait3A_315 : memref<1048576xf32, #tpu.memory_space<hbm>>) dst(%dma_wait3A_311 : memref<128xf32, #tpu.memory_space<vmem>>)
    %dma_wait3A_316 = arith.constant 384 : i32
    %dma_wait3A_317 = tpu.memref_slice %arg11[%dma_wait3A_316] : memref<1024xf32, #tpu.memory_space<vmem>> -> memref<128xf32, #tpu.memory_space<vmem>>
    %dma_wait3A_318 = arith.constant 384 : i32
    %dma_wait3A_319 = tpu.memref_slice %arg7[%dma_wait3A_318] : memref<1024xi32, #tpu.memory_space<vmem>> -> memref<128xi32, #tpu.memory_space<vmem>>
    %dma_wait3A_320 = arith.constant 0 : i32
    %dma_wait3A_321 = tpu.memref_slice %arg3[%dma_wait3A_320] : memref<1048576xf32, #tpu.memory_space<hbm>> -> memref<1048576xf32, #tpu.memory_space<hbm>>
    tpu.wait_indirect_dma semaphore(%arg16 : memref<!tpu.dma_semaphore, #tpu.memory_space<semaphore_mem>>) src(%dma_wait3A_321 : memref<1048576xf32, #tpu.memory_space<hbm>>) dst(%dma_wait3A_317 : memref<128xf32, #tpu.memory_space<vmem>>)
    %dma_wait3A_322 = arith.constant 384 : i32
    %dma_wait3A_323 = tpu.memref_slice %arg12[%dma_wait3A_322] : memref<1024xf32, #tpu.memory_space<vmem>> -> memref<128xf32, #tpu.memory_space<vmem>>
    %dma_wait3A_324 = arith.constant 384 : i32
    %dma_wait3A_325 = tpu.memref_slice %arg8[%dma_wait3A_324] : memref<1024xi32, #tpu.memory_space<vmem>> -> memref<128xi32, #tpu.memory_space<vmem>>
    %dma_wait3A_326 = arith.constant 0 : i32
    %dma_wait3A_327 = tpu.memref_slice %arg3[%dma_wait3A_326] : memref<1048576xf32, #tpu.memory_space<hbm>> -> memref<1048576xf32, #tpu.memory_space<hbm>>
    tpu.wait_indirect_dma semaphore(%arg16 : memref<!tpu.dma_semaphore, #tpu.memory_space<semaphore_mem>>) src(%dma_wait3A_327 : memref<1048576xf32, #tpu.memory_space<hbm>>) dst(%dma_wait3A_323 : memref<128xf32, #tpu.memory_space<vmem>>)
    %scan3A_328 = arith.constant 0 : i32
    %scan3A_329 = arith.constant 32 : i32
    %scan3A_330 = arith.addi %scan3A_328, %scan3A_329 : i32
    %scan3A_331 = arith.constant 2 : i32
    %scan3A_332:2 = scf.for %scan3A_447 = %scan3A_328 to %scan3A_330 step %scan3A_331 iter_args(%scan3A_448 = %broadcast_in_dim3A_0, %scan3A_449 = %broadcast_in_dim3A_0) -> (vector<16xf32>, vector<16xf32>)  : i32 {
      %mul3A_450 = arith.constant 16 : i32
      %mul3A_451 = arith.muli %scan3A_447, %mul3A_450 : i32
      %add3A_452 = arith.constant 0 : i32
      %add3A_453 = arith.addi %add3A_452, %mul3A_451 : i32
      %get3A = arith.index_cast %add3A_453 : i32 to index
      %get3A_454 = tpu.vector_load %arg6[%get3A] {strides = array<i32>} : memref<6144xf32, #tpu.memory_space<vmem>>, vector<16xf32>,
      %get3A_455 = vector.shape_cast %get3A_454 : vector<16xf32> to vector<16xf32>
      %convert_element_type3A_456 = arith.fptosi %get3A_455 : vector<16xf32> to vector<16xi32>
      %add3A_457 = arith.constant 512 : i32
      %add3A_458 = arith.addi %add3A_457, %mul3A_451 : i32
      %get3A_459 = arith.index_cast %add3A_458 : i32 to index
      %get3A_460 = tpu.vector_load %arg6[%get3A_459] {strides = array<i32>} : memref<6144xf32, #tpu.memory_space<vmem>>, vector<16xf32>,
      %get3A_461 = vector.shape_cast %get3A_460 : vector<16xf32> to vector<16xf32>
      %and3A = arith.constant 127 : i32
      %and3A_462 = vector.broadcast %and3A : i32 to vector<16xi32>
      %and3A_463 = arith.andi %convert_element_type3A_456, %and3A_462 : vector<16xi32>
      %convert_element_type3A_464 = arith.sitofp %and3A_463 : vector<16xi32> to vector<16xf32>
      %shift_right_logical3A = arith.constant 7 : i32
      %shift_right_logical3A_465 = vector.broadcast %shift_right_logical3A : i32 to vector<16xi32>
      %shift_right_logical3A_466 = arith.shrui %convert_element_type3A_456, %shift_right_logical3A_465 : vector<16xi32>
      %convert_element_type3A_467 = arith.sitofp %shift_right_logical3A_466 : vector<16xi32> to vector<16xf32>
      %add3A_468 = arith.constant 0 : i32
      %add3A_469 = arith.addi %add3A_468, %mul3A_451 : i32
      %get3A_470 = arith.index_cast %add3A_469 : i32 to index
      %get3A_471 = tpu.vector_load %arg9[%get3A_470] {strides = array<i32>} : memref<1024xf32, #tpu.memory_space<vmem>>, vector<16xf32>,
      %get3A_472 = vector.shape_cast %get3A_471 : vector<16xf32> to vector<16xf32>
      %add3A_473 = arith.constant 0 : i32
      %add3A_474 = arith.addi %add3A_473, %mul3A_451 : i32
      %get3A_475 = arith.index_cast %add3A_474 : i32 to index
      %get3A_476 = tpu.vector_load %arg10[%get3A_475] {strides = array<i32>} : memref<1024xf32, #tpu.memory_space<vmem>>, vector<16xf32>,
      %get3A_477 = vector.shape_cast %get3A_476 : vector<16xf32> to vector<16xf32>
      %add3A_478 = arith.constant 0 : i32
      %add3A_479 = arith.addi %add3A_478, %mul3A_451 : i32
      %get3A_480 = arith.index_cast %add3A_479 : i32 to index
      %get3A_481 = tpu.vector_load %arg11[%get3A_480] {strides = array<i32>} : memref<1024xf32, #tpu.memory_space<vmem>>, vector<16xf32>,
      %get3A_482 = vector.shape_cast %get3A_481 : vector<16xf32> to vector<16xf32>
      %add3A_483 = arith.addf %convert_element_type3A_464, %get3A_482 : vector<16xf32>
      %add3A_484 = arith.constant 0 : i32
      %add3A_485 = arith.addi %add3A_484, %mul3A_451 : i32
      %get3A_486 = arith.index_cast %add3A_485 : i32 to index
      %get3A_487 = tpu.vector_load %arg12[%get3A_486] {strides = array<i32>} : memref<1024xf32, #tpu.memory_space<vmem>>, vector<16xf32>,
      %get3A_488 = vector.shape_cast %get3A_487 : vector<16xf32> to vector<16xf32>
      %add3A_489 = arith.addf %convert_element_type3A_467, %get3A_488 : vector<16xf32>
      %add3A_490 = arith.constant 2048 : i32
      %add3A_491 = arith.addi %add3A_490, %mul3A_451 : i32
      %get3A_492 = arith.index_cast %add3A_491 : i32 to index
      %get3A_493 = tpu.vector_load %arg6[%get3A_492] {strides = array<i32>} : memref<6144xf32, #tpu.memory_space<vmem>>, vector<16xf32>,
      %get3A_494 = vector.shape_cast %get3A_493 : vector<16xf32> to vector<16xf32>
      %add3A_495 = arith.constant 2560 : i32
      %add3A_496 = arith.addi %add3A_495, %mul3A_451 : i32
      %get3A_497 = arith.index_cast %add3A_496 : i32 to index
      %get3A_498 = tpu.vector_load %arg6[%get3A_497] {strides = array<i32>} : memref<6144xf32, #tpu.memory_space<vmem>>, vector<16xf32>,
      %get3A_499 = vector.shape_cast %get3A_498 : vector<16xf32> to vector<16xf32>
      %add3A_500 = arith.constant 3072 : i32
      %add3A_501 = arith.addi %add3A_500, %mul3A_451 : i32
      %get3A_502 = arith.index_cast %add3A_501 : i32 to index
      %get3A_503 = tpu.vector_load %arg6[%get3A_502] {strides = array<i32>} : memref<6144xf32, #tpu.memory_space<vmem>>, vector<16xf32>,
      %get3A_504 = vector.shape_cast %get3A_503 : vector<16xf32> to vector<16xf32>
      %add3A_505 = arith.addf %convert_element_type3A_464, %get3A_504 : vector<16xf32>
      %add3A_506 = arith.constant 3584 : i32
      %add3A_507 = arith.addi %add3A_506, %mul3A_451 : i32
      %get3A_508 = arith.index_cast %add3A_507 : i32 to index
      %get3A_509 = tpu.vector_load %arg6[%get3A_508] {strides = array<i32>} : memref<6144xf32, #tpu.memory_space<vmem>>, vector<16xf32>,
      %get3A_510 = vector.shape_cast %get3A_509 : vector<16xf32> to vector<16xf32>
      %add3A_511 = arith.addf %convert_element_type3A_467, %get3A_510 : vector<16xf32>
      %mul3A_512 = arith.constant 5.000000e-01 : f32
      %mul3A_513 = vector.broadcast %mul3A_512 : f32 to vector<16xf32>
      %mul3A_514 = arith.mulf %get3A_472, %mul3A_513 : vector<16xf32>
      %sub3A = arith.subf %add3A_483, %mul3A_514 : vector<16xf32>
      %mul3A_515 = arith.constant 5.000000e-01 : f32
      %mul3A_516 = vector.broadcast %mul3A_515 : f32 to vector<16xf32>
      %mul3A_517 = arith.mulf %get3A_472, %mul3A_516 : vector<16xf32>
      %add3A_518 = arith.addf %add3A_483, %mul3A_517 : vector<16xf32>
      %mul3A_519 = arith.constant 5.000000e-01 : f32
      %mul3A_520 = vector.broadcast %mul3A_519 : f32 to vector<16xf32>
      %mul3A_521 = arith.mulf %get3A_477, %mul3A_520 : vector<16xf32>
      %sub3A_522 = arith.subf %add3A_489, %mul3A_521 : vector<16xf32>
      %mul3A_523 = arith.constant 5.000000e-01 : f32
      %mul3A_524 = vector.broadcast %mul3A_523 : f32 to vector<16xf32>
      %mul3A_525 = arith.mulf %get3A_477, %mul3A_524 : vector<16xf32>
      %add3A_526 = arith.addf %add3A_489, %mul3A_525 : vector<16xf32>
      %mul3A_527 = arith.constant 5.000000e-01 : f32
      %mul3A_528 = vector.broadcast %mul3A_527 : f32 to vector<16xf32>
      %mul3A_529 = arith.mulf %get3A_494, %mul3A_528 : vector<16xf32>
      %sub3A_530 = arith.subf %add3A_505, %mul3A_529 : vector<16xf32>
      %mul3A_531 = arith.constant 5.000000e-01 : f32
      %mul3A_532 = vector.broadcast %mul3A_531 : f32 to vector<16xf32>
      %mul3A_533 = arith.mulf %get3A_494, %mul3A_532 : vector<16xf32>
      %add3A_534 = arith.addf %add3A_505, %mul3A_533 : vector<16xf32>
      %mul3A_535 = arith.constant 5.000000e-01 : f32
      %mul3A_536 = vector.broadcast %mul3A_535 : f32 to vector<16xf32>
      %mul3A_537 = arith.mulf %get3A_499, %mul3A_536 : vector<16xf32>
      %sub3A_538 = arith.subf %add3A_511, %mul3A_537 : vector<16xf32>
      %mul3A_539 = arith.constant 5.000000e-01 : f32
      %mul3A_540 = vector.broadcast %mul3A_539 : f32 to vector<16xf32>
      %mul3A_541 = arith.mulf %get3A_499, %mul3A_540 : vector<16xf32>
      %add3A_542 = arith.addf %add3A_511, %mul3A_541 : vector<16xf32>
      %min3A = arith.minimumf %add3A_518, %add3A_534 : vector<16xf32>
      %max3A = arith.maximumf %sub3A, %sub3A_530 : vector<16xf32>
      %sub3A_543 = arith.subf %min3A, %max3A : vector<16xf32>
      %max3A_544 = arith.constant 0.000000e+00 : f32
      %max3A_545 = vector.broadcast %max3A_544 : f32 to vector<16xf32>
      %max3A_546 = arith.maximumf %sub3A_543, %max3A_545 : vector<16xf32>
      %min3A_547 = arith.minimumf %add3A_526, %add3A_542 : vector<16xf32>
      %max3A_548 = arith.maximumf %sub3A_522, %sub3A_538 : vector<16xf32>
      %sub3A_549 = arith.subf %min3A_547, %max3A_548 : vector<16xf32>
      %max3A_550 = arith.constant 0.000000e+00 : f32
      %max3A_551 = vector.broadcast %max3A_550 : f32 to vector<16xf32>
      %max3A_552 = arith.maximumf %sub3A_549, %max3A_551 : vector<16xf32>
      %mul3A_553 = arith.mulf %max3A_546, %max3A_552 : vector<16xf32>
      %mul3A_554 = arith.mulf %get3A_472, %get3A_477 : vector<16xf32>
      %mul3A_555 = arith.mulf %get3A_494, %get3A_499 : vector<16xf32>
      %add3A_556 = arith.addf %mul3A_554, %mul3A_555 : vector<16xf32>
      %sub3A_557 = arith.subf %add3A_556, %mul3A_553 : vector<16xf32>
      %add3A_558 = arith.constant 1.000000e-07 : f32
      %add3A_559 = vector.broadcast %add3A_558 : f32 to vector<16xf32>
      %add3A_560 = arith.addf %sub3A_557, %add3A_559 : vector<16xf32>
      %max3A_561 = arith.maximumf %add3A_518, %add3A_534 : vector<16xf32>
      %min3A_562 = arith.minimumf %sub3A, %sub3A_530 : vector<16xf32>
      %sub3A_563 = arith.subf %max3A_561, %min3A_562 : vector<16xf32>
      %max3A_564 = arith.maximumf %add3A_526, %add3A_542 : vector<16xf32>
      %min3A_565 = arith.minimumf %sub3A_522, %sub3A_538 : vector<16xf32>
      %sub3A_566 = arith.subf %max3A_564, %min3A_565 : vector<16xf32>
      %mul3A_567 = arith.mulf %sub3A_563, %sub3A_563 : vector<16xf32>
      %mul3A_568 = arith.mulf %sub3A_566, %sub3A_566 : vector<16xf32>
      %add3A_569 = arith.addf %mul3A_567, %mul3A_568 : vector<16xf32>
      %add3A_570 = arith.constant 1.000000e-07 : f32
      %add3A_571 = vector.broadcast %add3A_570 : f32 to vector<16xf32>
      %add3A_572 = arith.addf %add3A_569, %add3A_571 : vector<16xf32>
      %sub3A_573 = arith.subf %add3A_483, %add3A_505 : vector<16xf32>
      %sub3A_574 = arith.subf %add3A_489, %add3A_511 : vector<16xf32>
      %mul3A_575 = arith.mulf %sub3A_573, %sub3A_573 : vector<16xf32>
      %mul3A_576 = arith.mulf %sub3A_574, %sub3A_574 : vector<16xf32>
      %add3A_577 = arith.addf %mul3A_575, %mul3A_576 : vector<16xf32>
      %add3A_578 = arith.constant 1.000000e-07 : f32
      %add3A_579 = vector.broadcast %add3A_578 : f32 to vector<16xf32>
      %add3A_580 = arith.addf %get3A_499, %add3A_579 : vector<16xf32>
      %abs3A = math.absf %get3A_494 : vector<16xf32>
      %abs3A_581 = math.absf %add3A_580 : vector<16xf32>
      %mul3A_582 = arith.constant 2.41421366 : f32
      %mul3A_583 = vector.broadcast %mul3A_582 : f32 to vector<16xf32>
      %mul3A_584 = arith.mulf %mul3A_583, %abs3A_581 : vector<16xf32>
      %gt3A = arith.cmpf ogt, %abs3A, %mul3A_584 : vector<16xf32>
      %mul3A_585 = arith.constant 0.414213568 : f32
      %mul3A_586 = vector.broadcast %mul3A_585 : f32 to vector<16xf32>
      %mul3A_587 = arith.mulf %mul3A_586, %abs3A_581 : vector<16xf32>
      %gt3A_588 = arith.cmpf ogt, %abs3A, %mul3A_587 : vector<16xf32>
      %neg3A = arith.constant 0.000000e+00 : f32
      %neg3A_589 = vector.broadcast %neg3A : f32 to vector<16xf32>
      %neg3A_590 = arith.subf %neg3A_589, %abs3A_581 : vector<16xf32>
      %sub3A_591 = arith.subf %abs3A, %abs3A_581 : vector<16xf32>
      %select_n3A = arith.select %gt3A_588, %sub3A_591, %abs3A : vector<16xi1>, vector<16xf32>
      %select_n3A_592 = arith.select %gt3A, %neg3A_590, %select_n3A : vector<16xi1>, vector<16xf32>
      %add3A_593 = arith.addf %abs3A, %abs3A_581 : vector<16xf32>
      %select_n3A_594 = arith.select %gt3A_588, %add3A_593, %abs3A_581 : vector<16xi1>, vector<16xf32>
      %select_n3A_595 = arith.select %gt3A, %abs3A, %select_n3A_594 : vector<16xi1>, vector<16xf32>
      %div3A = arith.divf %select_n3A_592, %select_n3A_595 : vector<16xf32>
      %broadcast_in_dim3A_596 = arith.constant 1.57079637 : f32
      %broadcast_in_dim3A_597 = vector.broadcast %broadcast_in_dim3A_596 : f32 to vector<16xf32>
      %broadcast_in_dim3A_598 = arith.constant 0.785398185 : f32
      %broadcast_in_dim3A_599 = vector.broadcast %broadcast_in_dim3A_598 : f32 to vector<16xf32>
      %broadcast_in_dim3A_600 = arith.constant 0.000000e+00 : f32
      %broadcast_in_dim3A_601 = vector.broadcast %broadcast_in_dim3A_600 : f32 to vector<16xf32>
      %select_n3A_602 = arith.select %gt3A_588, %broadcast_in_dim3A_599, %broadcast_in_dim3A_601 : vector<16xi1>, vector<16xf32>
      %select_n3A_603 = arith.select %gt3A, %broadcast_in_dim3A_597, %select_n3A_602 : vector<16xi1>, vector<16xf32>
      %mul3A_604 = arith.mulf %div3A, %div3A : vector<16xf32>
      %mul3A_605 = arith.constant 0.0805374458 : f32
      %mul3A_606 = vector.broadcast %mul3A_605 : f32 to vector<16xf32>
      %mul3A_607 = arith.mulf %mul3A_606, %mul3A_604 : vector<16xf32>
      %sub3A_608 = arith.constant 0.138776854 : f32
      %sub3A_609 = vector.broadcast %sub3A_608 : f32 to vector<16xf32>
      %sub3A_610 = arith.subf %mul3A_607, %sub3A_609 : vector<16xf32>
      %mul3A_611 = arith.mulf %sub3A_610, %mul3A_604 : vector<16xf32>
      %add3A_612 = arith.constant 0.199777111 : f32
      %add3A_613 = vector.broadcast %add3A_612 : f32 to vector<16xf32>
      %add3A_614 = arith.addf %mul3A_611, %add3A_613 : vector<16xf32>
      %mul3A_615 = arith.mulf %add3A_614, %mul3A_604 : vector<16xf32>
      %sub3A_616 = arith.constant 0.333329499 : f32
      %sub3A_617 = vector.broadcast %sub3A_616 : f32 to vector<16xf32>
      %sub3A_618 = arith.subf %mul3A_615, %sub3A_617 : vector<16xf32>
      %mul3A_619 = arith.mulf %sub3A_618, %mul3A_604 : vector<16xf32>
      %mul3A_620 = arith.mulf %mul3A_619, %div3A : vector<16xf32>
      %add3A_621 = arith.addf %mul3A_620, %div3A : vector<16xf32>
      %add3A_622 = arith.addf %select_n3A_603, %add3A_621 : vector<16xf32>
      %lt3A = arith.constant 0.000000e+00 : f32
      %lt3A_623 = vector.broadcast %lt3A : f32 to vector<16xf32>
      %lt3A_624 = arith.cmpf olt, %get3A_494, %lt3A_623 : vector<16xf32>
      %lt3A_625 = arith.constant 0.000000e+00 : f32
      %lt3A_626 = vector.broadcast %lt3A_625 : f32 to vector<16xf32>
      %lt3A_627 = arith.cmpf olt, %add3A_580, %lt3A_626 : vector<16xf32>
      %xor3A = arith.xori %lt3A_624, %lt3A_627 : vector<16xi1>
      %neg3A_628 = arith.constant 0.000000e+00 : f32
      %neg3A_629 = vector.broadcast %neg3A_628 : f32 to vector<16xf32>
      %neg3A_630 = arith.subf %neg3A_629, %add3A_622 : vector<16xf32>
      %select_n3A_631 = arith.select %xor3A, %neg3A_630, %add3A_622 : vector<16xi1>, vector<16xf32>
      %add3A_632 = arith.constant 1.000000e-07 : f32
      %add3A_633 = vector.broadcast %add3A_632 : f32 to vector<16xf32>
      %add3A_634 = arith.addf %get3A_477, %add3A_633 : vector<16xf32>
      %abs3A_635 = math.absf %get3A_472 : vector<16xf32>
      %abs3A_636 = math.absf %add3A_634 : vector<16xf32>
      %mul3A_637 = arith.constant 2.41421366 : f32
      %mul3A_638 = vector.broadcast %mul3A_637 : f32 to vector<16xf32>
      %mul3A_639 = arith.mulf %mul3A_638, %abs3A_636 : vector<16xf32>
      %gt3A_640 = arith.cmpf ogt, %abs3A_635, %mul3A_639 : vector<16xf32>
      %mul3A_641 = arith.constant 0.414213568 : f32
      %mul3A_642 = vector.broadcast %mul3A_641 : f32 to vector<16xf32>
      %mul3A_643 = arith.mulf %mul3A_642, %abs3A_636 : vector<16xf32>
      %gt3A_644 = arith.cmpf ogt, %abs3A_635, %mul3A_643 : vector<16xf32>
      %neg3A_645 = arith.constant 0.000000e+00 : f32
      %neg3A_646 = vector.broadcast %neg3A_645 : f32 to vector<16xf32>
      %neg3A_647 = arith.subf %neg3A_646, %abs3A_636 : vector<16xf32>
      %sub3A_648 = arith.subf %abs3A_635, %abs3A_636 : vector<16xf32>
      %select_n3A_649 = arith.select %gt3A_644, %sub3A_648, %abs3A_635 : vector<16xi1>, vector<16xf32>
      %select_n3A_650 = arith.select %gt3A_640, %neg3A_647, %select_n3A_649 : vector<16xi1>, vector<16xf32>
      %add3A_651 = arith.addf %abs3A_635, %abs3A_636 : vector<16xf32>
      %select_n3A_652 = arith.select %gt3A_644, %add3A_651, %abs3A_636 : vector<16xi1>, vector<16xf32>
      %select_n3A_653 = arith.select %gt3A_640, %abs3A_635, %select_n3A_652 : vector<16xi1>, vector<16xf32>
      %div3A_654 = arith.divf %select_n3A_650, %select_n3A_653 : vector<16xf32>
      %broadcast_in_dim3A_655 = arith.constant 1.57079637 : f32
      %broadcast_in_dim3A_656 = vector.broadcast %broadcast_in_dim3A_655 : f32 to vector<16xf32>
      %broadcast_in_dim3A_657 = arith.constant 0.785398185 : f32
      %broadcast_in_dim3A_658 = vector.broadcast %broadcast_in_dim3A_657 : f32 to vector<16xf32>
      %broadcast_in_dim3A_659 = arith.constant 0.000000e+00 : f32
      %broadcast_in_dim3A_660 = vector.broadcast %broadcast_in_dim3A_659 : f32 to vector<16xf32>
      %select_n3A_661 = arith.select %gt3A_644, %broadcast_in_dim3A_658, %broadcast_in_dim3A_660 : vector<16xi1>, vector<16xf32>
      %select_n3A_662 = arith.select %gt3A_640, %broadcast_in_dim3A_656, %select_n3A_661 : vector<16xi1>, vector<16xf32>
      %mul3A_663 = arith.mulf %div3A_654, %div3A_654 : vector<16xf32>
      %mul3A_664 = arith.constant 0.0805374458 : f32
      %mul3A_665 = vector.broadcast %mul3A_664 : f32 to vector<16xf32>
      %mul3A_666 = arith.mulf %mul3A_665, %mul3A_663 : vector<16xf32>
      %sub3A_667 = arith.constant 0.138776854 : f32
      %sub3A_668 = vector.broadcast %sub3A_667 : f32 to vector<16xf32>
      %sub3A_669 = arith.subf %mul3A_666, %sub3A_668 : vector<16xf32>
      %mul3A_670 = arith.mulf %sub3A_669, %mul3A_663 : vector<16xf32>
      %add3A_671 = arith.constant 0.199777111 : f32
      %add3A_672 = vector.broadcast %add3A_671 : f32 to vector<16xf32>
      %add3A_673 = arith.addf %mul3A_670, %add3A_672 : vector<16xf32>
      %mul3A_674 = arith.mulf %add3A_673, %mul3A_663 : vector<16xf32>
      %sub3A_675 = arith.constant 0.333329499 : f32
      %sub3A_676 = vector.broadcast %sub3A_675 : f32 to vector<16xf32>
      %sub3A_677 = arith.subf %mul3A_674, %sub3A_676 : vector<16xf32>
      %mul3A_678 = arith.mulf %sub3A_677, %mul3A_663 : vector<16xf32>
      %mul3A_679 = arith.mulf %mul3A_678, %div3A_654 : vector<16xf32>
      %add3A_680 = arith.addf %mul3A_679, %div3A_654 : vector<16xf32>
      %add3A_681 = arith.addf %select_n3A_662, %add3A_680 : vector<16xf32>
      %lt3A_682 = arith.constant 0.000000e+00 : f32
      %lt3A_683 = vector.broadcast %lt3A_682 : f32 to vector<16xf32>
      %lt3A_684 = arith.cmpf olt, %get3A_472, %lt3A_683 : vector<16xf32>
      %lt3A_685 = arith.constant 0.000000e+00 : f32
      %lt3A_686 = vector.broadcast %lt3A_685 : f32 to vector<16xf32>
      %lt3A_687 = arith.cmpf olt, %add3A_634, %lt3A_686 : vector<16xf32>
      %xor3A_688 = arith.xori %lt3A_684, %lt3A_687 : vector<16xi1>
      %neg3A_689 = arith.constant 0.000000e+00 : f32
      %neg3A_690 = vector.broadcast %neg3A_689 : f32 to vector<16xf32>
      %neg3A_691 = arith.subf %neg3A_690, %add3A_681 : vector<16xf32>
      %select_n3A_692 = arith.select %xor3A_688, %neg3A_691, %add3A_681 : vector<16xi1>, vector<16xf32>
      %sub3A_693 = arith.subf %select_n3A_631, %select_n3A_692 : vector<16xf32>
      %mul3A_694 = arith.mulf %sub3A_693, %sub3A_693 : vector<16xf32>
      %mul3A_695 = arith.constant 0.405284733 : f32
      %mul3A_696 = vector.broadcast %mul3A_695 : f32 to vector<16xf32>
      %mul3A_697 = arith.mulf %mul3A_696, %mul3A_694 : vector<16xf32>
      %add3A_698 = arith.constant 1.000000e+00 : f32
      %add3A_699 = vector.broadcast %add3A_698 : f32 to vector<16xf32>
      %add3A_700 = arith.addf %add3A_699, %mul3A_697 : vector<16xf32>
      %add3A_701 = arith.constant 1.000000e-07 : f32
      %add3A_702 = vector.broadcast %add3A_701 : f32 to vector<16xf32>
      %add3A_703 = arith.addf %add3A_700, %add3A_702 : vector<16xf32>
      %mul3A_704 = arith.mulf %add3A_703, %add3A_560 : vector<16xf32>
      %sub3A_705 = arith.subf %mul3A_704, %mul3A_553 : vector<16xf32>
      %mul3A_706 = arith.mulf %add3A_560, %add3A_572 : vector<16xf32>
      %mul3A_707 = arith.mulf %mul3A_553, %add3A_572 : vector<16xf32>
      %mul3A_708 = arith.mulf %mul3A_707, %sub3A_705 : vector<16xf32>
      %mul3A_709 = arith.mulf %add3A_577, %add3A_560 : vector<16xf32>
      %mul3A_710 = arith.mulf %mul3A_709, %sub3A_705 : vector<16xf32>
      %sub3A_711 = arith.subf %mul3A_708, %mul3A_710 : vector<16xf32>
      %mul3A_712 = arith.mulf %mul3A_697, %mul3A_697 : vector<16xf32>
      %mul3A_713 = arith.mulf %mul3A_712, %add3A_560 : vector<16xf32>
      %mul3A_714 = arith.mulf %mul3A_713, %mul3A_706 : vector<16xf32>
      %sub3A_715 = arith.subf %sub3A_711, %mul3A_714 : vector<16xf32>
      %mul3A_716 = arith.mulf %mul3A_706, %sub3A_705 : vector<16xf32>
      %div3A_717 = arith.divf %sub3A_715, %mul3A_716 : vector<16xf32>
      %gt3A_718 = arith.constant 0.000000e+00 : f32
      %gt3A_719 = vector.broadcast %gt3A_718 : f32 to vector<16xf32>
      %gt3A_720 = arith.cmpf ogt, %get3A_461, %gt3A_719 : vector<16xf32>
      %sub3A_721 = arith.constant 1.000000e+00 : f32
      %sub3A_722 = vector.broadcast %sub3A_721 : f32 to vector<16xf32>
      %sub3A_723 = arith.subf %sub3A_722, %div3A_717 : vector<16xf32>
      %jit3A = arith.constant 0.000000e+00 : f32
      %broadcast_in_dim3A_724 = vector.broadcast %jit3A : f32 to vector<16xf32>
      %select_n3A_725 = arith.select %gt3A_720, %sub3A_723, %broadcast_in_dim3A_724 : vector<16xi1>, vector<16xf32>
      %add3A_726 = arith.addf %scan3A_448, %select_n3A_725 : vector<16xf32>
      %add3A_727 = arith.addf %scan3A_449, %get3A_461 : vector<16xf32>
      %scan3A_728 = arith.constant 1 : i32
      %scan3A_729 = arith.addi %scan3A_447, %scan3A_728 : i32
      %mul3A_730 = arith.constant 16 : i32
      %mul3A_731 = arith.muli %scan3A_729, %mul3A_730 : i32
      %add3A_732 = arith.constant 0 : i32
      %add3A_733 = arith.addi %add3A_732, %mul3A_731 : i32
      %get3A_734 = arith.index_cast %add3A_733 : i32 to index
      %get3A_735 = tpu.vector_load %arg6[%get3A_734] {strides = array<i32>} : memref<6144xf32, #tpu.memory_space<vmem>>, vector<16xf32>,
      %get3A_736 = vector.shape_cast %get3A_735 : vector<16xf32> to vector<16xf32>
      %convert_element_type3A_737 = arith.fptosi %get3A_736 : vector<16xf32> to vector<16xi32>
      %add3A_738 = arith.constant 512 : i32
      %add3A_739 = arith.addi %add3A_738, %mul3A_731 : i32
      %get3A_740 = arith.index_cast %add3A_739 : i32 to index
      %get3A_741 = tpu.vector_load %arg6[%get3A_740] {strides = array<i32>} : memref<6144xf32, #tpu.memory_space<vmem>>, vector<16xf32>,
      %get3A_742 = vector.shape_cast %get3A_741 : vector<16xf32> to vector<16xf32>
      %and3A_743 = arith.constant 127 : i32
      %and3A_744 = vector.broadcast %and3A_743 : i32 to vector<16xi32>
      %and3A_745 = arith.andi %convert_element_type3A_737, %and3A_744 : vector<16xi32>
      %convert_element_type3A_746 = arith.sitofp %and3A_745 : vector<16xi32> to vector<16xf32>
      %shift_right_logical3A_747 = arith.constant 7 : i32
      %shift_right_logical3A_748 = vector.broadcast %shift_right_logical3A_747 : i32 to vector<16xi32>
      %shift_right_logical3A_749 = arith.shrui %convert_element_type3A_737, %shift_right_logical3A_748 : vector<16xi32>
      %convert_element_type3A_750 = arith.sitofp %shift_right_logical3A_749 : vector<16xi32> to vector<16xf32>
      %add3A_751 = arith.constant 0 : i32
      %add3A_752 = arith.addi %add3A_751, %mul3A_731 : i32
      %get3A_753 = arith.index_cast %add3A_752 : i32 to index
      %get3A_754 = tpu.vector_load %arg9[%get3A_753] {strides = array<i32>} : memref<1024xf32, #tpu.memory_space<vmem>>, vector<16xf32>,
      %get3A_755 = vector.shape_cast %get3A_754 : vector<16xf32> to vector<16xf32>
      %add3A_756 = arith.constant 0 : i32
      %add3A_757 = arith.addi %add3A_756, %mul3A_731 : i32
      %get3A_758 = arith.index_cast %add3A_757 : i32 to index
      %get3A_759 = tpu.vector_load %arg10[%get3A_758] {strides = array<i32>} : memref<1024xf32, #tpu.memory_space<vmem>>, vector<16xf32>,
      %get3A_760 = vector.shape_cast %get3A_759 : vector<16xf32> to vector<16xf32>
      %add3A_761 = arith.constant 0 : i32
      %add3A_762 = arith.addi %add3A_761, %mul3A_731 : i32
      %get3A_763 = arith.index_cast %add3A_762 : i32 to index
      %get3A_764 = tpu.vector_load %arg11[%get3A_763] {strides = array<i32>} : memref<1024xf32, #tpu.memory_space<vmem>>, vector<16xf32>,
      %get3A_765 = vector.shape_cast %get3A_764 : vector<16xf32> to vector<16xf32>
      %add3A_766 = arith.addf %convert_element_type3A_746, %get3A_765 : vector<16xf32>
      %add3A_767 = arith.constant 0 : i32
      %add3A_768 = arith.addi %add3A_767, %mul3A_731 : i32
      %get3A_769 = arith.index_cast %add3A_768 : i32 to index
      %get3A_770 = tpu.vector_load %arg12[%get3A_769] {strides = array<i32>} : memref<1024xf32, #tpu.memory_space<vmem>>, vector<16xf32>,
      %get3A_771 = vector.shape_cast %get3A_770 : vector<16xf32> to vector<16xf32>
      %add3A_772 = arith.addf %convert_element_type3A_750, %get3A_771 : vector<16xf32>
      %add3A_773 = arith.constant 2048 : i32
      %add3A_774 = arith.addi %add3A_773, %mul3A_731 : i32
      %get3A_775 = arith.index_cast %add3A_774 : i32 to index
      %get3A_776 = tpu.vector_load %arg6[%get3A_775] {strides = array<i32>} : memref<6144xf32, #tpu.memory_space<vmem>>, vector<16xf32>,
      %get3A_777 = vector.shape_cast %get3A_776 : vector<16xf32> to vector<16xf32>
      %add3A_778 = arith.constant 2560 : i32
      %add3A_779 = arith.addi %add3A_778, %mul3A_731 : i32
      %get3A_780 = arith.index_cast %add3A_779 : i32 to index
      %get3A_781 = tpu.vector_load %arg6[%get3A_780] {strides = array<i32>} : memref<6144xf32, #tpu.memory_space<vmem>>, vector<16xf32>,
      %get3A_782 = vector.shape_cast %get3A_781 : vector<16xf32> to vector<16xf32>
      %add3A_783 = arith.constant 3072 : i32
      %add3A_784 = arith.addi %add3A_783, %mul3A_731 : i32
      %get3A_785 = arith.index_cast %add3A_784 : i32 to index
      %get3A_786 = tpu.vector_load %arg6[%get3A_785] {strides = array<i32>} : memref<6144xf32, #tpu.memory_space<vmem>>, vector<16xf32>,
      %get3A_787 = vector.shape_cast %get3A_786 : vector<16xf32> to vector<16xf32>
      %add3A_788 = arith.addf %convert_element_type3A_746, %get3A_787 : vector<16xf32>
      %add3A_789 = arith.constant 3584 : i32
      %add3A_790 = arith.addi %add3A_789, %mul3A_731 : i32
      %get3A_791 = arith.index_cast %add3A_790 : i32 to index
      %get3A_792 = tpu.vector_load %arg6[%get3A_791] {strides = array<i32>} : memref<6144xf32, #tpu.memory_space<vmem>>, vector<16xf32>,
      %get3A_793 = vector.shape_cast %get3A_792 : vector<16xf32> to vector<16xf32>
      %add3A_794 = arith.addf %convert_element_type3A_750, %get3A_793 : vector<16xf32>
      %mul3A_795 = arith.constant 5.000000e-01 : f32
      %mul3A_796 = vector.broadcast %mul3A_795 : f32 to vector<16xf32>
      %mul3A_797 = arith.mulf %get3A_755, %mul3A_796 : vector<16xf32>
      %sub3A_798 = arith.subf %add3A_766, %mul3A_797 : vector<16xf32>
      %mul3A_799 = arith.constant 5.000000e-01 : f32
      %mul3A_800 = vector.broadcast %mul3A_799 : f32 to vector<16xf32>
      %mul3A_801 = arith.mulf %get3A_755, %mul3A_800 : vector<16xf32>
      %add3A_802 = arith.addf %add3A_766, %mul3A_801 : vector<16xf32>
      %mul3A_803 = arith.constant 5.000000e-01 : f32
      %mul3A_804 = vector.broadcast %mul3A_803 : f32 to vector<16xf32>
      %mul3A_805 = arith.mulf %get3A_760, %mul3A_804 : vector<16xf32>
      %sub3A_806 = arith.subf %add3A_772, %mul3A_805 : vector<16xf32>
      %mul3A_807 = arith.constant 5.000000e-01 : f32
      %mul3A_808 = vector.broadcast %mul3A_807 : f32 to vector<16xf32>
      %mul3A_809 = arith.mulf %get3A_760, %mul3A_808 : vector<16xf32>
      %add3A_810 = arith.addf %add3A_772, %mul3A_809 : vector<16xf32>
      %mul3A_811 = arith.constant 5.000000e-01 : f32
      %mul3A_812 = vector.broadcast %mul3A_811 : f32 to vector<16xf32>
      %mul3A_813 = arith.mulf %get3A_777, %mul3A_812 : vector<16xf32>
      %sub3A_814 = arith.subf %add3A_788, %mul3A_813 : vector<16xf32>
      %mul3A_815 = arith.constant 5.000000e-01 : f32
      %mul3A_816 = vector.broadcast %mul3A_815 : f32 to vector<16xf32>
      %mul3A_817 = arith.mulf %get3A_777, %mul3A_816 : vector<16xf32>
      %add3A_818 = arith.addf %add3A_788, %mul3A_817 : vector<16xf32>
      %mul3A_819 = arith.constant 5.000000e-01 : f32
      %mul3A_820 = vector.broadcast %mul3A_819 : f32 to vector<16xf32>
      %mul3A_821 = arith.mulf %get3A_782, %mul3A_820 : vector<16xf32>
      %sub3A_822 = arith.subf %add3A_794, %mul3A_821 : vector<16xf32>
      %mul3A_823 = arith.constant 5.000000e-01 : f32
      %mul3A_824 = vector.broadcast %mul3A_823 : f32 to vector<16xf32>
      %mul3A_825 = arith.mulf %get3A_782, %mul3A_824 : vector<16xf32>
      %add3A_826 = arith.addf %add3A_794, %mul3A_825 : vector<16xf32>
      %min3A_827 = arith.minimumf %add3A_802, %add3A_818 : vector<16xf32>
      %max3A_828 = arith.maximumf %sub3A_798, %sub3A_814 : vector<16xf32>
      %sub3A_829 = arith.subf %min3A_827, %max3A_828 : vector<16xf32>
      %max3A_830 = arith.constant 0.000000e+00 : f32
      %max3A_831 = vector.broadcast %max3A_830 : f32 to vector<16xf32>
      %max3A_832 = arith.maximumf %sub3A_829, %max3A_831 : vector<16xf32>
      %min3A_833 = arith.minimumf %add3A_810, %add3A_826 : vector<16xf32>
      %max3A_834 = arith.maximumf %sub3A_806, %sub3A_822 : vector<16xf32>
      %sub3A_835 = arith.subf %min3A_833, %max3A_834 : vector<16xf32>
      %max3A_836 = arith.constant 0.000000e+00 : f32
      %max3A_837 = vector.broadcast %max3A_836 : f32 to vector<16xf32>
      %max3A_838 = arith.maximumf %sub3A_835, %max3A_837 : vector<16xf32>
      %mul3A_839 = arith.mulf %max3A_832, %max3A_838 : vector<16xf32>
      %mul3A_840 = arith.mulf %get3A_755, %get3A_760 : vector<16xf32>
      %mul3A_841 = arith.mulf %get3A_777, %get3A_782 : vector<16xf32>
      %add3A_842 = arith.addf %mul3A_840, %mul3A_841 : vector<16xf32>
      %sub3A_843 = arith.subf %add3A_842, %mul3A_839 : vector<16xf32>
      %add3A_844 = arith.constant 1.000000e-07 : f32
      %add3A_845 = vector.broadcast %add3A_844 : f32 to vector<16xf32>
      %add3A_846 = arith.addf %sub3A_843, %add3A_845 : vector<16xf32>
      %max3A_847 = arith.maximumf %add3A_802, %add3A_818 : vector<16xf32>
      %min3A_848 = arith.minimumf %sub3A_798, %sub3A_814 : vector<16xf32>
      %sub3A_849 = arith.subf %max3A_847, %min3A_848 : vector<16xf32>
      %max3A_850 = arith.maximumf %add3A_810, %add3A_826 : vector<16xf32>
      %min3A_851 = arith.minimumf %sub3A_806, %sub3A_822 : vector<16xf32>
      %sub3A_852 = arith.subf %max3A_850, %min3A_851 : vector<16xf32>
      %mul3A_853 = arith.mulf %sub3A_849, %sub3A_849 : vector<16xf32>
      %mul3A_854 = arith.mulf %sub3A_852, %sub3A_852 : vector<16xf32>
      %add3A_855 = arith.addf %mul3A_853, %mul3A_854 : vector<16xf32>
      %add3A_856 = arith.constant 1.000000e-07 : f32
      %add3A_857 = vector.broadcast %add3A_856 : f32 to vector<16xf32>
      %add3A_858 = arith.addf %add3A_855, %add3A_857 : vector<16xf32>
      %sub3A_859 = arith.subf %add3A_766, %add3A_788 : vector<16xf32>
      %sub3A_860 = arith.subf %add3A_772, %add3A_794 : vector<16xf32>
      %mul3A_861 = arith.mulf %sub3A_859, %sub3A_859 : vector<16xf32>
      %mul3A_862 = arith.mulf %sub3A_860, %sub3A_860 : vector<16xf32>
      %add3A_863 = arith.addf %mul3A_861, %mul3A_862 : vector<16xf32>
      %add3A_864 = arith.constant 1.000000e-07 : f32
      %add3A_865 = vector.broadcast %add3A_864 : f32 to vector<16xf32>
      %add3A_866 = arith.addf %get3A_782, %add3A_865 : vector<16xf32>
      %abs3A_867 = math.absf %get3A_777 : vector<16xf32>
      %abs3A_868 = math.absf %add3A_866 : vector<16xf32>
      %mul3A_869 = arith.constant 2.41421366 : f32
      %mul3A_870 = vector.broadcast %mul3A_869 : f32 to vector<16xf32>
      %mul3A_871 = arith.mulf %mul3A_870, %abs3A_868 : vector<16xf32>
      %gt3A_872 = arith.cmpf ogt, %abs3A_867, %mul3A_871 : vector<16xf32>
      %mul3A_873 = arith.constant 0.414213568 : f32
      %mul3A_874 = vector.broadcast %mul3A_873 : f32 to vector<16xf32>
      %mul3A_875 = arith.mulf %mul3A_874, %abs3A_868 : vector<16xf32>
      %gt3A_876 = arith.cmpf ogt, %abs3A_867, %mul3A_875 : vector<16xf32>
      %neg3A_877 = arith.constant 0.000000e+00 : f32
      %neg3A_878 = vector.broadcast %neg3A_877 : f32 to vector<16xf32>
      %neg3A_879 = arith.subf %neg3A_878, %abs3A_868 : vector<16xf32>
      %sub3A_880 = arith.subf %abs3A_867, %abs3A_868 : vector<16xf32>
      %select_n3A_881 = arith.select %gt3A_876, %sub3A_880, %abs3A_867 : vector<16xi1>, vector<16xf32>
      %select_n3A_882 = arith.select %gt3A_872, %neg3A_879, %select_n3A_881 : vector<16xi1>, vector<16xf32>
      %add3A_883 = arith.addf %abs3A_867, %abs3A_868 : vector<16xf32>
      %select_n3A_884 = arith.select %gt3A_876, %add3A_883, %abs3A_868 : vector<16xi1>, vector<16xf32>
      %select_n3A_885 = arith.select %gt3A_872, %abs3A_867, %select_n3A_884 : vector<16xi1>, vector<16xf32>
      %div3A_886 = arith.divf %select_n3A_882, %select_n3A_885 : vector<16xf32>
      %broadcast_in_dim3A_887 = arith.constant 1.57079637 : f32
      %broadcast_in_dim3A_888 = vector.broadcast %broadcast_in_dim3A_887 : f32 to vector<16xf32>
      %broadcast_in_dim3A_889 = arith.constant 0.785398185 : f32
      %broadcast_in_dim3A_890 = vector.broadcast %broadcast_in_dim3A_889 : f32 to vector<16xf32>
      %broadcast_in_dim3A_891 = arith.constant 0.000000e+00 : f32
      %broadcast_in_dim3A_892 = vector.broadcast %broadcast_in_dim3A_891 : f32 to vector<16xf32>
      %select_n3A_893 = arith.select %gt3A_876, %broadcast_in_dim3A_890, %broadcast_in_dim3A_892 : vector<16xi1>, vector<16xf32>
      %select_n3A_894 = arith.select %gt3A_872, %broadcast_in_dim3A_888, %select_n3A_893 : vector<16xi1>, vector<16xf32>
      %mul3A_895 = arith.mulf %div3A_886, %div3A_886 : vector<16xf32>
      %mul3A_896 = arith.constant 0.0805374458 : f32
      %mul3A_897 = vector.broadcast %mul3A_896 : f32 to vector<16xf32>
      %mul3A_898 = arith.mulf %mul3A_897, %mul3A_895 : vector<16xf32>
      %sub3A_899 = arith.constant 0.138776854 : f32
      %sub3A_900 = vector.broadcast %sub3A_899 : f32 to vector<16xf32>
      %sub3A_901 = arith.subf %mul3A_898, %sub3A_900 : vector<16xf32>
      %mul3A_902 = arith.mulf %sub3A_901, %mul3A_895 : vector<16xf32>
      %add3A_903 = arith.constant 0.199777111 : f32
      %add3A_904 = vector.broadcast %add3A_903 : f32 to vector<16xf32>
      %add3A_905 = arith.addf %mul3A_902, %add3A_904 : vector<16xf32>
      %mul3A_906 = arith.mulf %add3A_905, %mul3A_895 : vector<16xf32>
      %sub3A_907 = arith.constant 0.333329499 : f32
      %sub3A_908 = vector.broadcast %sub3A_907 : f32 to vector<16xf32>
      %sub3A_909 = arith.subf %mul3A_906, %sub3A_908 : vector<16xf32>
      %mul3A_910 = arith.mulf %sub3A_909, %mul3A_895 : vector<16xf32>
      %mul3A_911 = arith.mulf %mul3A_910, %div3A_886 : vector<16xf32>
      %add3A_912 = arith.addf %mul3A_911, %div3A_886 : vector<16xf32>
      %add3A_913 = arith.addf %select_n3A_894, %add3A_912 : vector<16xf32>
      %lt3A_914 = arith.constant 0.000000e+00 : f32
      %lt3A_915 = vector.broadcast %lt3A_914 : f32 to vector<16xf32>
      %lt3A_916 = arith.cmpf olt, %get3A_777, %lt3A_915 : vector<16xf32>
      %lt3A_917 = arith.constant 0.000000e+00 : f32
      %lt3A_918 = vector.broadcast %lt3A_917 : f32 to vector<16xf32>
      %lt3A_919 = arith.cmpf olt, %add3A_866, %lt3A_918 : vector<16xf32>
      %xor3A_920 = arith.xori %lt3A_916, %lt3A_919 : vector<16xi1>
      %neg3A_921 = arith.constant 0.000000e+00 : f32
      %neg3A_922 = vector.broadcast %neg3A_921 : f32 to vector<16xf32>
      %neg3A_923 = arith.subf %neg3A_922, %add3A_913 : vector<16xf32>
      %select_n3A_924 = arith.select %xor3A_920, %neg3A_923, %add3A_913 : vector<16xi1>, vector<16xf32>
      %add3A_925 = arith.constant 1.000000e-07 : f32
      %add3A_926 = vector.broadcast %add3A_925 : f32 to vector<16xf32>
      %add3A_927 = arith.addf %get3A_760, %add3A_926 : vector<16xf32>
      %abs3A_928 = math.absf %get3A_755 : vector<16xf32>
      %abs3A_929 = math.absf %add3A_927 : vector<16xf32>
      %mul3A_930 = arith.constant 2.41421366 : f32
      %mul3A_931 = vector.broadcast %mul3A_930 : f32 to vector<16xf32>
      %mul3A_932 = arith.mulf %mul3A_931, %abs3A_929 : vector<16xf32>
      %gt3A_933 = arith.cmpf ogt, %abs3A_928, %mul3A_932 : vector<16xf32>
      %mul3A_934 = arith.constant 0.414213568 : f32
      %mul3A_935 = vector.broadcast %mul3A_934 : f32 to vector<16xf32>
      %mul3A_936 = arith.mulf %mul3A_935, %abs3A_929 : vector<16xf32>
      %gt3A_937 = arith.cmpf ogt, %abs3A_928, %mul3A_936 : vector<16xf32>
      %neg3A_938 = arith.constant 0.000000e+00 : f32
      %neg3A_939 = vector.broadcast %neg3A_938 : f32 to vector<16xf32>
      %neg3A_940 = arith.subf %neg3A_939, %abs3A_929 : vector<16xf32>
      %sub3A_941 = arith.subf %abs3A_928, %abs3A_929 : vector<16xf32>
      %select_n3A_942 = arith.select %gt3A_937, %sub3A_941, %abs3A_928 : vector<16xi1>, vector<16xf32>
      %select_n3A_943 = arith.select %gt3A_933, %neg3A_940, %select_n3A_942 : vector<16xi1>, vector<16xf32>
      %add3A_944 = arith.addf %abs3A_928, %abs3A_929 : vector<16xf32>
      %select_n3A_945 = arith.select %gt3A_937, %add3A_944, %abs3A_929 : vector<16xi1>, vector<16xf32>
      %select_n3A_946 = arith.select %gt3A_933, %abs3A_928, %select_n3A_945 : vector<16xi1>, vector<16xf32>
      %div3A_947 = arith.divf %select_n3A_943, %select_n3A_946 : vector<16xf32>
      %broadcast_in_dim3A_948 = arith.constant 1.57079637 : f32
      %broadcast_in_dim3A_949 = vector.broadcast %broadcast_in_dim3A_948 : f32 to vector<16xf32>
      %broadcast_in_dim3A_950 = arith.constant 0.785398185 : f32
      %broadcast_in_dim3A_951 = vector.broadcast %broadcast_in_dim3A_950 : f32 to vector<16xf32>
      %broadcast_in_dim3A_952 = arith.constant 0.000000e+00 : f32
      %broadcast_in_dim3A_953 = vector.broadcast %broadcast_in_dim3A_952 : f32 to vector<16xf32>
      %select_n3A_954 = arith.select %gt3A_937, %broadcast_in_dim3A_951, %broadcast_in_dim3A_953 : vector<16xi1>, vector<16xf32>
      %select_n3A_955 = arith.select %gt3A_933, %broadcast_in_dim3A_949, %select_n3A_954 : vector<16xi1>, vector<16xf32>
      %mul3A_956 = arith.mulf %div3A_947, %div3A_947 : vector<16xf32>
      %mul3A_957 = arith.constant 0.0805374458 : f32
      %mul3A_958 = vector.broadcast %mul3A_957 : f32 to vector<16xf32>
      %mul3A_959 = arith.mulf %mul3A_958, %mul3A_956 : vector<16xf32>
      %sub3A_960 = arith.constant 0.138776854 : f32
      %sub3A_961 = vector.broadcast %sub3A_960 : f32 to vector<16xf32>
      %sub3A_962 = arith.subf %mul3A_959, %sub3A_961 : vector<16xf32>
      %mul3A_963 = arith.mulf %sub3A_962, %mul3A_956 : vector<16xf32>
      %add3A_964 = arith.constant 0.199777111 : f32
      %add3A_965 = vector.broadcast %add3A_964 : f32 to vector<16xf32>
      %add3A_966 = arith.addf %mul3A_963, %add3A_965 : vector<16xf32>
      %mul3A_967 = arith.mulf %add3A_966, %mul3A_956 : vector<16xf32>
      %sub3A_968 = arith.constant 0.333329499 : f32
      %sub3A_969 = vector.broadcast %sub3A_968 : f32 to vector<16xf32>
      %sub3A_970 = arith.subf %mul3A_967, %sub3A_969 : vector<16xf32>
      %mul3A_971 = arith.mulf %sub3A_970, %mul3A_956 : vector<16xf32>
      %mul3A_972 = arith.mulf %mul3A_971, %div3A_947 : vector<16xf32>
      %add3A_973 = arith.addf %mul3A_972, %div3A_947 : vector<16xf32>
      %add3A_974 = arith.addf %select_n3A_955, %add3A_973 : vector<16xf32>
      %lt3A_975 = arith.constant 0.000000e+00 : f32
      %lt3A_976 = vector.broadcast %lt3A_975 : f32 to vector<16xf32>
      %lt3A_977 = arith.cmpf olt, %get3A_755, %lt3A_976 : vector<16xf32>
      %lt3A_978 = arith.constant 0.000000e+00 : f32
      %lt3A_979 = vector.broadcast %lt3A_978 : f32 to vector<16xf32>
      %lt3A_980 = arith.cmpf olt, %add3A_927, %lt3A_979 : vector<16xf32>
      %xor3A_981 = arith.xori %lt3A_977, %lt3A_980 : vector<16xi1>
      %neg3A_982 = arith.constant 0.000000e+00 : f32
      %neg3A_983 = vector.broadcast %neg3A_982 : f32 to vector<16xf32>
      %neg3A_984 = arith.subf %neg3A_983, %add3A_974 : vector<16xf32>
      %select_n3A_985 = arith.select %xor3A_981, %neg3A_984, %add3A_974 : vector<16xi1>, vector<16xf32>
      %sub3A_986 = arith.subf %select_n3A_924, %select_n3A_985 : vector<16xf32>
      %mul3A_987 = arith.mulf %sub3A_986, %sub3A_986 : vector<16xf32>
      %mul3A_988 = arith.constant 0.405284733 : f32
      %mul3A_989 = vector.broadcast %mul3A_988 : f32 to vector<16xf32>
      %mul3A_990 = arith.mulf %mul3A_989, %mul3A_987 : vector<16xf32>
      %add3A_991 = arith.constant 1.000000e+00 : f32
      %add3A_992 = vector.broadcast %add3A_991 : f32 to vector<16xf32>
      %add3A_993 = arith.addf %add3A_992, %mul3A_990 : vector<16xf32>
      %add3A_994 = arith.constant 1.000000e-07 : f32
      %add3A_995 = vector.broadcast %add3A_994 : f32 to vector<16xf32>
      %add3A_996 = arith.addf %add3A_993, %add3A_995 : vector<16xf32>
      %mul3A_997 = arith.mulf %add3A_996, %add3A_846 : vector<16xf32>
      %sub3A_998 = arith.subf %mul3A_997, %mul3A_839 : vector<16xf32>
      %mul3A_999 = arith.mulf %add3A_846, %add3A_858 : vector<16xf32>
      %mul3A_1000 = arith.mulf %mul3A_839, %add3A_858 : vector<16xf32>
      %mul3A_1001 = arith.mulf %mul3A_1000, %sub3A_998 : vector<16xf32>
      %mul3A_1002 = arith.mulf %add3A_863, %add3A_846 : vector<16xf32>
      %mul3A_1003 = arith.mulf %mul3A_1002, %sub3A_998 : vector<16xf32>
      %sub3A_1004 = arith.subf %mul3A_1001, %mul3A_1003 : vector<16xf32>
      %mul3A_1005 = arith.mulf %mul3A_990, %mul3A_990 : vector<16xf32>
      %mul3A_1006 = arith.mulf %mul3A_1005, %add3A_846 : vector<16xf32>
      %mul3A_1007 = arith.mulf %mul3A_1006, %mul3A_999 : vector<16xf32>
      %sub3A_1008 = arith.subf %sub3A_1004, %mul3A_1007 : vector<16xf32>
      %mul3A_1009 = arith.mulf %mul3A_999, %sub3A_998 : vector<16xf32>
      %div3A_1010 = arith.divf %sub3A_1008, %mul3A_1009 : vector<16xf32>
      %gt3A_1011 = arith.constant 0.000000e+00 : f32
      %gt3A_1012 = vector.broadcast %gt3A_1011 : f32 to vector<16xf32>
      %gt3A_1013 = arith.cmpf ogt, %get3A_742, %gt3A_1012 : vector<16xf32>
      %sub3A_1014 = arith.constant 1.000000e+00 : f32
      %sub3A_1015 = vector.broadcast %sub3A_1014 : f32 to vector<16xf32>
      %sub3A_1016 = arith.subf %sub3A_1015, %div3A_1010 : vector<16xf32>
      %jit3A_1017 = arith.constant 0.000000e+00 : f32
      %broadcast_in_dim3A_1018 = vector.broadcast %jit3A_1017 : f32 to vector<16xf32>
      %select_n3A_1019 = arith.select %gt3A_1013, %sub3A_1016, %broadcast_in_dim3A_1018 : vector<16xi1>, vector<16xf32>
      %add3A_1020 = arith.addf %add3A_726, %select_n3A_1019 : vector<16xf32>
      %add3A_1021 = arith.addf %add3A_727, %get3A_742 : vector<16xf32>
      scf.yield %add3A_1020, %add3A_1021 : vector<16xf32>, vector<16xf32>
    }
    %scan3A_333 = arith.constant 32 : i32
    %dma_wait3A_334 = arith.constant 512 : i32
    %dma_wait3A_335 = tpu.memref_slice %arg9[%dma_wait3A_334] : memref<1024xf32, #tpu.memory_space<vmem>> -> memref<128xf32, #tpu.memory_space<vmem>>
    %dma_wait3A_336 = arith.constant 512 : i32
    %dma_wait3A_337 = tpu.memref_slice %arg7[%dma_wait3A_336] : memref<1024xi32, #tpu.memory_space<vmem>> -> memref<128xi32, #tpu.memory_space<vmem>>
    %dma_wait3A_338 = arith.constant 0 : i32
    %dma_wait3A_339 = tpu.memref_slice %arg2[%dma_wait3A_338] : memref<1048576xf32, #tpu.memory_space<hbm>> -> memref<1048576xf32, #tpu.memory_space<hbm>>
    tpu.wait_indirect_dma semaphore(%arg17 : memref<!tpu.dma_semaphore, #tpu.memory_space<semaphore_mem>>) src(%dma_wait3A_339 : memref<1048576xf32, #tpu.memory_space<hbm>>) dst(%dma_wait3A_335 : memref<128xf32, #tpu.memory_space<vmem>>)
    %dma_wait3A_340 = arith.constant 512 : i32
    %dma_wait3A_341 = tpu.memref_slice %arg10[%dma_wait3A_340] : memref<1024xf32, #tpu.memory_space<vmem>> -> memref<128xf32, #tpu.memory_space<vmem>>
    %dma_wait3A_342 = arith.constant 512 : i32
    %dma_wait3A_343 = tpu.memref_slice %arg8[%dma_wait3A_342] : memref<1024xi32, #tpu.memory_space<vmem>> -> memref<128xi32, #tpu.memory_space<vmem>>
    %dma_wait3A_344 = arith.constant 0 : i32
    %dma_wait3A_345 = tpu.memref_slice %arg2[%dma_wait3A_344] : memref<1048576xf32, #tpu.memory_space<hbm>> -> memref<1048576xf32, #tpu.memory_space<hbm>>
    tpu.wait_indirect_dma semaphore(%arg17 : memref<!tpu.dma_semaphore, #tpu.memory_space<semaphore_mem>>) src(%dma_wait3A_345 : memref<1048576xf32, #tpu.memory_space<hbm>>) dst(%dma_wait3A_341 : memref<128xf32, #tpu.memory_space<vmem>>)
    %dma_wait3A_346 = arith.constant 512 : i32
    %dma_wait3A_347 = tpu.memref_slice %arg11[%dma_wait3A_346] : memref<1024xf32, #tpu.memory_space<vmem>> -> memref<128xf32, #tpu.memory_space<vmem>>
    %dma_wait3A_348 = arith.constant 512 : i32
    %dma_wait3A_349 = tpu.memref_slice %arg7[%dma_wait3A_348] : memref<1024xi32, #tpu.memory_space<vmem>> -> memref<128xi32, #tpu.memory_space<vmem>>
    %dma_wait3A_350 = arith.constant 0 : i32
    %dma_wait3A_351 = tpu.memref_slice %arg3[%dma_wait3A_350] : memref<1048576xf32, #tpu.memory_space<hbm>> -> memref<1048576xf32, #tpu.memory_space<hbm>>
    tpu.wait_indirect_dma semaphore(%arg17 : memref<!tpu.dma_semaphore, #tpu.memory_space<semaphore_mem>>) src(%dma_wait3A_351 : memref<1048576xf32, #tpu.memory_space<hbm>>) dst(%dma_wait3A_347 : memref<128xf32, #tpu.memory_space<vmem>>)
    %dma_wait3A_352 = arith.constant 512 : i32
    %dma_wait3A_353 = tpu.memref_slice %arg12[%dma_wait3A_352] : memref<1024xf32, #tpu.memory_space<vmem>> -> memref<128xf32, #tpu.memory_space<vmem>>
    %dma_wait3A_354 = arith.constant 512 : i32
    %dma_wait3A_355 = tpu.memref_slice %arg8[%dma_wait3A_354] : memref<1024xi32, #tpu.memory_space<vmem>> -> memref<128xi32, #tpu.memory_space<vmem>>
    %dma_wait3A_356 = arith.constant 0 : i32
    %dma_wait3A_357 = tpu.memref_slice %arg3[%dma_wait3A_356] : memref<1048576xf32, #tpu.memory_space<hbm>> -> memref<1048576xf32, #tpu.memory_space<hbm>>
    tpu.wait_indirect_dma semaphore(%arg17 : memref<!tpu.dma_semaphore, #tpu.memory_space<semaphore_mem>>) src(%dma_wait3A_357 : memref<1048576xf32, #tpu.memory_space<hbm>>) dst(%dma_wait3A_353 : memref<128xf32, #tpu.memory_space<vmem>>)
    %dma_wait3A_358 = arith.constant 640 : i32
    %dma_wait3A_359 = tpu.memref_slice %arg9[%dma_wait3A_358] : memref<1024xf32, #tpu.memory_space<vmem>> -> memref<128xf32, #tpu.memory_space<vmem>>
    %dma_wait3A_360 = arith.constant 640 : i32
    %dma_wait3A_361 = tpu.memref_slice %arg7[%dma_wait3A_360] : memref<1024xi32, #tpu.memory_space<vmem>> -> memref<128xi32, #tpu.memory_space<vmem>>
    %dma_wait3A_362 = arith.constant 0 : i32
    %dma_wait3A_363 = tpu.memref_slice %arg2[%dma_wait3A_362] : memref<1048576xf32, #tpu.memory_space<hbm>> -> memref<1048576xf32, #tpu.memory_space<hbm>>
    tpu.wait_indirect_dma semaphore(%arg17 : memref<!tpu.dma_semaphore, #tpu.memory_space<semaphore_mem>>) src(%dma_wait3A_363 : memref<1048576xf32, #tpu.memory_space<hbm>>) dst(%dma_wait3A_359 : memref<128xf32, #tpu.memory_space<vmem>>)
    %dma_wait3A_364 = arith.constant 640 : i32
    %dma_wait3A_365 = tpu.memref_slice %arg10[%dma_wait3A_364] : memref<1024xf32, #tpu.memory_space<vmem>> -> memref<128xf32, #tpu.memory_space<vmem>>
    %dma_wait3A_366 = arith.constant 640 : i32
    %dma_wait3A_367 = tpu.memref_slice %arg8[%dma_wait3A_366] : memref<1024xi32, #tpu.memory_space<vmem>> -> memref<128xi32, #tpu.memory_space<vmem>>
    %dma_wait3A_368 = arith.constant 0 : i32
    %dma_wait3A_369 = tpu.memref_slice %arg2[%dma_wait3A_368] : memref<1048576xf32, #tpu.memory_space<hbm>> -> memref<1048576xf32, #tpu.memory_space<hbm>>
    tpu.wait_indirect_dma semaphore(%arg17 : memref<!tpu.dma_semaphore, #tpu.memory_space<semaphore_mem>>) src(%dma_wait3A_369 : memref<1048576xf32, #tpu.memory_space<hbm>>) dst(%dma_wait3A_365 : memref<128xf32, #tpu.memory_space<vmem>>)
    %dma_wait3A_370 = arith.constant 640 : i32
    %dma_wait3A_371 = tpu.memref_slice %arg11[%dma_wait3A_370] : memref<1024xf32, #tpu.memory_space<vmem>> -> memref<128xf32, #tpu.memory_space<vmem>>
    %dma_wait3A_372 = arith.constant 640 : i32
    %dma_wait3A_373 = tpu.memref_slice %arg7[%dma_wait3A_372] : memref<1024xi32, #tpu.memory_space<vmem>> -> memref<128xi32, #tpu.memory_space<vmem>>
    %dma_wait3A_374 = arith.constant 0 : i32
    %dma_wait3A_375 = tpu.memref_slice %arg3[%dma_wait3A_374] : memref<1048576xf32, #tpu.memory_space<hbm>> -> memref<1048576xf32, #tpu.memory_space<hbm>>
    tpu.wait_indirect_dma semaphore(%arg17 : memref<!tpu.dma_semaphore, #tpu.memory_space<semaphore_mem>>) src(%dma_wait3A_375 : memref<1048576xf32, #tpu.memory_space<hbm>>) dst(%dma_wait3A_371 : memref<128xf32, #tpu.memory_space<vmem>>)
    %dma_wait3A_376 = arith.constant 640 : i32
    %dma_wait3A_377 = tpu.memref_slice %arg12[%dma_wait3A_376] : memref<1024xf32, #tpu.memory_space<vmem>> -> memref<128xf32, #tpu.memory_space<vmem>>
    %dma_wait3A_378 = arith.constant 640 : i32
    %dma_wait3A_379 = tpu.memref_slice %arg8[%dma_wait3A_378] : memref<1024xi32, #tpu.memory_space<vmem>> -> memref<128xi32, #tpu.memory_space<vmem>>
    %dma_wait3A_380 = arith.constant 0 : i32
    %dma_wait3A_381 = tpu.memref_slice %arg3[%dma_wait3A_380] : memref<1048576xf32, #tpu.memory_space<hbm>> -> memref<1048576xf32, #tpu.memory_space<hbm>>
    tpu.wait_indirect_dma semaphore(%arg17 : memref<!tpu.dma_semaphore, #tpu.memory_space<semaphore_mem>>) src(%dma_wait3A_381 : memref<1048576xf32, #tpu.memory_space<hbm>>) dst(%dma_wait3A_377 : memref<128xf32, #tpu.memory_space<vmem>>)
    %dma_wait3A_382 = arith.constant 768 : i32
    %dma_wait3A_383 = tpu.memref_slice %arg9[%dma_wait3A_382] : memref<1024xf32, #tpu.memory_space<vmem>> -> memref<128xf32, #tpu.memory_space<vmem>>
    %dma_wait3A_384 = arith.constant 768 : i32
    %dma_wait3A_385 = tpu.memref_slice %arg7[%dma_wait3A_384] : memref<1024xi32, #tpu.memory_space<vmem>> -> memref<128xi32, #tpu.memory_space<vmem>>
    %dma_wait3A_386 = arith.constant 0 : i32
    %dma_wait3A_387 = tpu.memref_slice %arg2[%dma_wait3A_386] : memref<1048576xf32, #tpu.memory_space<hbm>> -> memref<1048576xf32, #tpu.memory_space<hbm>>
    tpu.wait_indirect_dma semaphore(%arg17 : memref<!tpu.dma_semaphore, #tpu.memory_space<semaphore_mem>>) src(%dma_wait3A_387 : memref<1048576xf32, #tpu.memory_space<hbm>>) dst(%dma_wait3A_383 : memref<128xf32, #tpu.memory_space<vmem>>)
    %dma_wait3A_388 = arith.constant 768 : i32
    %dma_wait3A_389 = tpu.memref_slice %arg10[%dma_wait3A_388] : memref<1024xf32, #tpu.memory_space<vmem>> -> memref<128xf32, #tpu.memory_space<vmem>>
    %dma_wait3A_390 = arith.constant 768 : i32
    %dma_wait3A_391 = tpu.memref_slice %arg8[%dma_wait3A_390] : memref<1024xi32, #tpu.memory_space<vmem>> -> memref<128xi32, #tpu.memory_space<vmem>>
    %dma_wait3A_392 = arith.constant 0 : i32
    %dma_wait3A_393 = tpu.memref_slice %arg2[%dma_wait3A_392] : memref<1048576xf32, #tpu.memory_space<hbm>> -> memref<1048576xf32, #tpu.memory_space<hbm>>
    tpu.wait_indirect_dma semaphore(%arg17 : memref<!tpu.dma_semaphore, #tpu.memory_space<semaphore_mem>>) src(%dma_wait3A_393 : memref<1048576xf32, #tpu.memory_space<hbm>>) dst(%dma_wait3A_389 : memref<128xf32, #tpu.memory_space<vmem>>)
    %dma_wait3A_394 = arith.constant 768 : i32
    %dma_wait3A_395 = tpu.memref_slice %arg11[%dma_wait3A_394] : memref<1024xf32, #tpu.memory_space<vmem>> -> memref<128xf32, #tpu.memory_space<vmem>>
    %dma_wait3A_396 = arith.constant 768 : i32
    %dma_wait3A_397 = tpu.memref_slice %arg7[%dma_wait3A_396] : memref<1024xi32, #tpu.memory_space<vmem>> -> memref<128xi32, #tpu.memory_space<vmem>>
    %dma_wait3A_398 = arith.constant 0 : i32
    %dma_wait3A_399 = tpu.memref_slice %arg3[%dma_wait3A_398] : memref<1048576xf32, #tpu.memory_space<hbm>> -> memref<1048576xf32, #tpu.memory_space<hbm>>
    tpu.wait_indirect_dma semaphore(%arg17 : memref<!tpu.dma_semaphore, #tpu.memory_space<semaphore_mem>>) src(%dma_wait3A_399 : memref<1048576xf32, #tpu.memory_space<hbm>>) dst(%dma_wait3A_395 : memref<128xf32, #tpu.memory_space<vmem>>)
    %dma_wait3A_400 = arith.constant 768 : i32
    %dma_wait3A_401 = tpu.memref_slice %arg12[%dma_wait3A_400] : memref<1024xf32, #tpu.memory_space<vmem>> -> memref<128xf32, #tpu.memory_space<vmem>>
    %dma_wait3A_402 = arith.constant 768 : i32
    %dma_wait3A_403 = tpu.memref_slice %arg8[%dma_wait3A_402] : memref<1024xi32, #tpu.memory_space<vmem>> -> memref<128xi32, #tpu.memory_space<vmem>>
    %dma_wait3A_404 = arith.constant 0 : i32
    %dma_wait3A_405 = tpu.memref_slice %arg3[%dma_wait3A_404] : memref<1048576xf32, #tpu.memory_space<hbm>> -> memref<1048576xf32, #tpu.memory_space<hbm>>
    tpu.wait_indirect_dma semaphore(%arg17 : memref<!tpu.dma_semaphore, #tpu.memory_space<semaphore_mem>>) src(%dma_wait3A_405 : memref<1048576xf32, #tpu.memory_space<hbm>>) dst(%dma_wait3A_401 : memref<128xf32, #tpu.memory_space<vmem>>)
    %dma_wait3A_406 = arith.constant 896 : i32
    %dma_wait3A_407 = tpu.memref_slice %arg9[%dma_wait3A_406] : memref<1024xf32, #tpu.memory_space<vmem>> -> memref<128xf32, #tpu.memory_space<vmem>>
    %dma_wait3A_408 = arith.constant 896 : i32
    %dma_wait3A_409 = tpu.memref_slice %arg7[%dma_wait3A_408] : memref<1024xi32, #tpu.memory_space<vmem>> -> memref<128xi32, #tpu.memory_space<vmem>>
    %dma_wait3A_410 = arith.constant 0 : i32
    %dma_wait3A_411 = tpu.memref_slice %arg2[%dma_wait3A_410] : memref<1048576xf32, #tpu.memory_space<hbm>> -> memref<1048576xf32, #tpu.memory_space<hbm>>
    tpu.wait_indirect_dma semaphore(%arg17 : memref<!tpu.dma_semaphore, #tpu.memory_space<semaphore_mem>>) src(%dma_wait3A_411 : memref<1048576xf32, #tpu.memory_space<hbm>>) dst(%dma_wait3A_407 : memref<128xf32, #tpu.memory_space<vmem>>)
    %dma_wait3A_412 = arith.constant 896 : i32
    %dma_wait3A_413 = tpu.memref_slice %arg10[%dma_wait3A_412] : memref<1024xf32, #tpu.memory_space<vmem>> -> memref<128xf32, #tpu.memory_space<vmem>>
    %dma_wait3A_414 = arith.constant 896 : i32
    %dma_wait3A_415 = tpu.memref_slice %arg8[%dma_wait3A_414] : memref<1024xi32, #tpu.memory_space<vmem>> -> memref<128xi32, #tpu.memory_space<vmem>>
    %dma_wait3A_416 = arith.constant 0 : i32
    %dma_wait3A_417 = tpu.memref_slice %arg2[%dma_wait3A_416] : memref<1048576xf32, #tpu.memory_space<hbm>> -> memref<1048576xf32, #tpu.memory_space<hbm>>
    tpu.wait_indirect_dma semaphore(%arg17 : memref<!tpu.dma_semaphore, #tpu.memory_space<semaphore_mem>>) src(%dma_wait3A_417 : memref<1048576xf32, #tpu.memory_space<hbm>>) dst(%dma_wait3A_413 : memref<128xf32, #tpu.memory_space<vmem>>)
    %dma_wait3A_418 = arith.constant 896 : i32
    %dma_wait3A_419 = tpu.memref_slice %arg11[%dma_wait3A_418] : memref<1024xf32, #tpu.memory_space<vmem>> -> memref<128xf32, #tpu.memory_space<vmem>>
    %dma_wait3A_420 = arith.constant 896 : i32
    %dma_wait3A_421 = tpu.memref_slice %arg7[%dma_wait3A_420] : memref<1024xi32, #tpu.memory_space<vmem>> -> memref<128xi32, #tpu.memory_space<vmem>>
    %dma_wait3A_422 = arith.constant 0 : i32
    %dma_wait3A_423 = tpu.memref_slice %arg3[%dma_wait3A_422] : memref<1048576xf32, #tpu.memory_space<hbm>> -> memref<1048576xf32, #tpu.memory_space<hbm>>
    tpu.wait_indirect_dma semaphore(%arg17 : memref<!tpu.dma_semaphore, #tpu.memory_space<semaphore_mem>>) src(%dma_wait3A_423 : memref<1048576xf32, #tpu.memory_space<hbm>>) dst(%dma_wait3A_419 : memref<128xf32, #tpu.memory_space<vmem>>)
    %dma_wait3A_424 = arith.constant 896 : i32
    %dma_wait3A_425 = tpu.memref_slice %arg12[%dma_wait3A_424] : memref<1024xf32, #tpu.memory_space<vmem>> -> memref<128xf32, #tpu.memory_space<vmem>>
    %dma_wait3A_426 = arith.constant 896 : i32
    %dma_wait3A_427 = tpu.memref_slice %arg8[%dma_wait3A_426] : memref<1024xi32, #tpu.memory_space<vmem>> -> memref<128xi32, #tpu.memory_space<vmem>>
    %dma_wait3A_428 = arith.constant 0 : i32
    %dma_wait3A_429 = tpu.memref_slice %arg3[%dma_wait3A_428] : memref<1048576xf32, #tpu.memory_space<hbm>> -> memref<1048576xf32, #tpu.memory_space<hbm>>
    tpu.wait_indirect_dma semaphore(%arg17 : memref<!tpu.dma_semaphore, #tpu.memory_space<semaphore_mem>>) src(%dma_wait3A_429 : memref<1048576xf32, #tpu.memory_space<hbm>>) dst(%dma_wait3A_425 : memref<128xf32, #tpu.memory_space<vmem>>)
    %scan3A_430 = arith.constant 0 : i32
    %scan3A_431 = arith.constant 32 : i32
    %scan3A_432 = arith.addi %scan3A_430, %scan3A_431 : i32
    %scan3A_433 = arith.constant 2 : i32
    %scan3A_434:2 = scf.for %scan3A_447 = %scan3A_430 to %scan3A_432 step %scan3A_433 iter_args(%scan3A_448 = %scan3A_332#0, %scan3A_449 = %scan3A_332#1) -> (vector<16xf32>, vector<16xf32>)  : i32 {
      %mul3A_450 = arith.constant 16 : i32
      %mul3A_451 = arith.muli %scan3A_447, %mul3A_450 : i32
      %add3A_452 = arith.constant 1024 : i32
      %add3A_453 = arith.addi %add3A_452, %mul3A_451 : i32
      %get3A = arith.index_cast %add3A_453 : i32 to index
      %get3A_454 = tpu.vector_load %arg6[%get3A] {strides = array<i32>} : memref<6144xf32, #tpu.memory_space<vmem>>, vector<16xf32>,
      %get3A_455 = vector.shape_cast %get3A_454 : vector<16xf32> to vector<16xf32>
      %convert_element_type3A_456 = arith.fptosi %get3A_455 : vector<16xf32> to vector<16xi32>
      %add3A_457 = arith.constant 1536 : i32
      %add3A_458 = arith.addi %add3A_457, %mul3A_451 : i32
      %get3A_459 = arith.index_cast %add3A_458 : i32 to index
      %get3A_460 = tpu.vector_load %arg6[%get3A_459] {strides = array<i32>} : memref<6144xf32, #tpu.memory_space<vmem>>, vector<16xf32>,
      %get3A_461 = vector.shape_cast %get3A_460 : vector<16xf32> to vector<16xf32>
      %and3A = arith.constant 127 : i32
      %and3A_462 = vector.broadcast %and3A : i32 to vector<16xi32>
      %and3A_463 = arith.andi %convert_element_type3A_456, %and3A_462 : vector<16xi32>
      %convert_element_type3A_464 = arith.sitofp %and3A_463 : vector<16xi32> to vector<16xf32>
      %shift_right_logical3A = arith.constant 7 : i32
      %shift_right_logical3A_465 = vector.broadcast %shift_right_logical3A : i32 to vector<16xi32>
      %shift_right_logical3A_466 = arith.shrui %convert_element_type3A_456, %shift_right_logical3A_465 : vector<16xi32>
      %convert_element_type3A_467 = arith.sitofp %shift_right_logical3A_466 : vector<16xi32> to vector<16xf32>
      %add3A_468 = arith.constant 512 : i32
      %add3A_469 = arith.addi %add3A_468, %mul3A_451 : i32
      %get3A_470 = arith.index_cast %add3A_469 : i32 to index
      %get3A_471 = tpu.vector_load %arg9[%get3A_470] {strides = array<i32>} : memref<1024xf32, #tpu.memory_space<vmem>>, vector<16xf32>,
      %get3A_472 = vector.shape_cast %get3A_471 : vector<16xf32> to vector<16xf32>
      %add3A_473 = arith.constant 512 : i32
      %add3A_474 = arith.addi %add3A_473, %mul3A_451 : i32
      %get3A_475 = arith.index_cast %add3A_474 : i32 to index
      %get3A_476 = tpu.vector_load %arg10[%get3A_475] {strides = array<i32>} : memref<1024xf32, #tpu.memory_space<vmem>>, vector<16xf32>,
      %get3A_477 = vector.shape_cast %get3A_476 : vector<16xf32> to vector<16xf32>
      %add3A_478 = arith.constant 512 : i32
      %add3A_479 = arith.addi %add3A_478, %mul3A_451 : i32
      %get3A_480 = arith.index_cast %add3A_479 : i32 to index
      %get3A_481 = tpu.vector_load %arg11[%get3A_480] {strides = array<i32>} : memref<1024xf32, #tpu.memory_space<vmem>>, vector<16xf32>,
      %get3A_482 = vector.shape_cast %get3A_481 : vector<16xf32> to vector<16xf32>
      %add3A_483 = arith.addf %convert_element_type3A_464, %get3A_482 : vector<16xf32>
      %add3A_484 = arith.constant 512 : i32
      %add3A_485 = arith.addi %add3A_484, %mul3A_451 : i32
      %get3A_486 = arith.index_cast %add3A_485 : i32 to index
      %get3A_487 = tpu.vector_load %arg12[%get3A_486] {strides = array<i32>} : memref<1024xf32, #tpu.memory_space<vmem>>, vector<16xf32>,
      %get3A_488 = vector.shape_cast %get3A_487 : vector<16xf32> to vector<16xf32>
      %add3A_489 = arith.addf %convert_element_type3A_467, %get3A_488 : vector<16xf32>
      %add3A_490 = arith.constant 4096 : i32
      %add3A_491 = arith.addi %add3A_490, %mul3A_451 : i32
      %get3A_492 = arith.index_cast %add3A_491 : i32 to index
      %get3A_493 = tpu.vector_load %arg6[%get3A_492] {strides = array<i32>} : memref<6144xf32, #tpu.memory_space<vmem>>, vector<16xf32>,
      %get3A_494 = vector.shape_cast %get3A_493 : vector<16xf32> to vector<16xf32>
      %add3A_495 = arith.constant 4608 : i32
      %add3A_496 = arith.addi %add3A_495, %mul3A_451 : i32
      %get3A_497 = arith.index_cast %add3A_496 : i32 to index
      %get3A_498 = tpu.vector_load %arg6[%get3A_497] {strides = array<i32>} : memref<6144xf32, #tpu.memory_space<vmem>>, vector<16xf32>,
      %get3A_499 = vector.shape_cast %get3A_498 : vector<16xf32> to vector<16xf32>
      %add3A_500 = arith.constant 5120 : i32
      %add3A_501 = arith.addi %add3A_500, %mul3A_451 : i32
      %get3A_502 = arith.index_cast %add3A_501 : i32 to index
      %get3A_503 = tpu.vector_load %arg6[%get3A_502] {strides = array<i32>} : memref<6144xf32, #tpu.memory_space<vmem>>, vector<16xf32>,
      %get3A_504 = vector.shape_cast %get3A_503 : vector<16xf32> to vector<16xf32>
      %add3A_505 = arith.addf %convert_element_type3A_464, %get3A_504 : vector<16xf32>
      %add3A_506 = arith.constant 5632 : i32
      %add3A_507 = arith.addi %add3A_506, %mul3A_451 : i32
      %get3A_508 = arith.index_cast %add3A_507 : i32 to index
      %get3A_509 = tpu.vector_load %arg6[%get3A_508] {strides = array<i32>} : memref<6144xf32, #tpu.memory_space<vmem>>, vector<16xf32>,
      %get3A_510 = vector.shape_cast %get3A_509 : vector<16xf32> to vector<16xf32>
      %add3A_511 = arith.addf %convert_element_type3A_467, %get3A_510 : vector<16xf32>
      %mul3A_512 = arith.constant 5.000000e-01 : f32
      %mul3A_513 = vector.broadcast %mul3A_512 : f32 to vector<16xf32>
      %mul3A_514 = arith.mulf %get3A_472, %mul3A_513 : vector<16xf32>
      %sub3A = arith.subf %add3A_483, %mul3A_514 : vector<16xf32>
      %mul3A_515 = arith.constant 5.000000e-01 : f32
      %mul3A_516 = vector.broadcast %mul3A_515 : f32 to vector<16xf32>
      %mul3A_517 = arith.mulf %get3A_472, %mul3A_516 : vector<16xf32>
      %add3A_518 = arith.addf %add3A_483, %mul3A_517 : vector<16xf32>
      %mul3A_519 = arith.constant 5.000000e-01 : f32
      %mul3A_520 = vector.broadcast %mul3A_519 : f32 to vector<16xf32>
      %mul3A_521 = arith.mulf %get3A_477, %mul3A_520 : vector<16xf32>
      %sub3A_522 = arith.subf %add3A_489, %mul3A_521 : vector<16xf32>
      %mul3A_523 = arith.constant 5.000000e-01 : f32
      %mul3A_524 = vector.broadcast %mul3A_523 : f32 to vector<16xf32>
      %mul3A_525 = arith.mulf %get3A_477, %mul3A_524 : vector<16xf32>
      %add3A_526 = arith.addf %add3A_489, %mul3A_525 : vector<16xf32>
      %mul3A_527 = arith.constant 5.000000e-01 : f32
      %mul3A_528 = vector.broadcast %mul3A_527 : f32 to vector<16xf32>
      %mul3A_529 = arith.mulf %get3A_494, %mul3A_528 : vector<16xf32>
      %sub3A_530 = arith.subf %add3A_505, %mul3A_529 : vector<16xf32>
      %mul3A_531 = arith.constant 5.000000e-01 : f32
      %mul3A_532 = vector.broadcast %mul3A_531 : f32 to vector<16xf32>
      %mul3A_533 = arith.mulf %get3A_494, %mul3A_532 : vector<16xf32>
      %add3A_534 = arith.addf %add3A_505, %mul3A_533 : vector<16xf32>
      %mul3A_535 = arith.constant 5.000000e-01 : f32
      %mul3A_536 = vector.broadcast %mul3A_535 : f32 to vector<16xf32>
      %mul3A_537 = arith.mulf %get3A_499, %mul3A_536 : vector<16xf32>
      %sub3A_538 = arith.subf %add3A_511, %mul3A_537 : vector<16xf32>
      %mul3A_539 = arith.constant 5.000000e-01 : f32
      %mul3A_540 = vector.broadcast %mul3A_539 : f32 to vector<16xf32>
      %mul3A_541 = arith.mulf %get3A_499, %mul3A_540 : vector<16xf32>
      %add3A_542 = arith.addf %add3A_511, %mul3A_541 : vector<16xf32>
      %min3A = arith.minimumf %add3A_518, %add3A_534 : vector<16xf32>
      %max3A = arith.maximumf %sub3A, %sub3A_530 : vector<16xf32>
      %sub3A_543 = arith.subf %min3A, %max3A : vector<16xf32>
      %max3A_544 = arith.constant 0.000000e+00 : f32
      %max3A_545 = vector.broadcast %max3A_544 : f32 to vector<16xf32>
      %max3A_546 = arith.maximumf %sub3A_543, %max3A_545 : vector<16xf32>
      %min3A_547 = arith.minimumf %add3A_526, %add3A_542 : vector<16xf32>
      %max3A_548 = arith.maximumf %sub3A_522, %sub3A_538 : vector<16xf32>
      %sub3A_549 = arith.subf %min3A_547, %max3A_548 : vector<16xf32>
      %max3A_550 = arith.constant 0.000000e+00 : f32
      %max3A_551 = vector.broadcast %max3A_550 : f32 to vector<16xf32>
      %max3A_552 = arith.maximumf %sub3A_549, %max3A_551 : vector<16xf32>
      %mul3A_553 = arith.mulf %max3A_546, %max3A_552 : vector<16xf32>
      %mul3A_554 = arith.mulf %get3A_472, %get3A_477 : vector<16xf32>
      %mul3A_555 = arith.mulf %get3A_494, %get3A_499 : vector<16xf32>
      %add3A_556 = arith.addf %mul3A_554, %mul3A_555 : vector<16xf32>
      %sub3A_557 = arith.subf %add3A_556, %mul3A_553 : vector<16xf32>
      %add3A_558 = arith.constant 1.000000e-07 : f32
      %add3A_559 = vector.broadcast %add3A_558 : f32 to vector<16xf32>
      %add3A_560 = arith.addf %sub3A_557, %add3A_559 : vector<16xf32>
      %max3A_561 = arith.maximumf %add3A_518, %add3A_534 : vector<16xf32>
      %min3A_562 = arith.minimumf %sub3A, %sub3A_530 : vector<16xf32>
      %sub3A_563 = arith.subf %max3A_561, %min3A_562 : vector<16xf32>
      %max3A_564 = arith.maximumf %add3A_526, %add3A_542 : vector<16xf32>
      %min3A_565 = arith.minimumf %sub3A_522, %sub3A_538 : vector<16xf32>
      %sub3A_566 = arith.subf %max3A_564, %min3A_565 : vector<16xf32>
      %mul3A_567 = arith.mulf %sub3A_563, %sub3A_563 : vector<16xf32>
      %mul3A_568 = arith.mulf %sub3A_566, %sub3A_566 : vector<16xf32>
      %add3A_569 = arith.addf %mul3A_567, %mul3A_568 : vector<16xf32>
      %add3A_570 = arith.constant 1.000000e-07 : f32
      %add3A_571 = vector.broadcast %add3A_570 : f32 to vector<16xf32>
      %add3A_572 = arith.addf %add3A_569, %add3A_571 : vector<16xf32>
      %sub3A_573 = arith.subf %add3A_483, %add3A_505 : vector<16xf32>
      %sub3A_574 = arith.subf %add3A_489, %add3A_511 : vector<16xf32>
      %mul3A_575 = arith.mulf %sub3A_573, %sub3A_573 : vector<16xf32>
      %mul3A_576 = arith.mulf %sub3A_574, %sub3A_574 : vector<16xf32>
      %add3A_577 = arith.addf %mul3A_575, %mul3A_576 : vector<16xf32>
      %add3A_578 = arith.constant 1.000000e-07 : f32
      %add3A_579 = vector.broadcast %add3A_578 : f32 to vector<16xf32>
      %add3A_580 = arith.addf %get3A_499, %add3A_579 : vector<16xf32>
      %abs3A = math.absf %get3A_494 : vector<16xf32>
      %abs3A_581 = math.absf %add3A_580 : vector<16xf32>
      %mul3A_582 = arith.constant 2.41421366 : f32
      %mul3A_583 = vector.broadcast %mul3A_582 : f32 to vector<16xf32>
      %mul3A_584 = arith.mulf %mul3A_583, %abs3A_581 : vector<16xf32>
      %gt3A = arith.cmpf ogt, %abs3A, %mul3A_584 : vector<16xf32>
      %mul3A_585 = arith.constant 0.414213568 : f32
      %mul3A_586 = vector.broadcast %mul3A_585 : f32 to vector<16xf32>
      %mul3A_587 = arith.mulf %mul3A_586, %abs3A_581 : vector<16xf32>
      %gt3A_588 = arith.cmpf ogt, %abs3A, %mul3A_587 : vector<16xf32>
      %neg3A = arith.constant 0.000000e+00 : f32
      %neg3A_589 = vector.broadcast %neg3A : f32 to vector<16xf32>
      %neg3A_590 = arith.subf %neg3A_589, %abs3A_581 : vector<16xf32>
      %sub3A_591 = arith.subf %abs3A, %abs3A_581 : vector<16xf32>
      %select_n3A = arith.select %gt3A_588, %sub3A_591, %abs3A : vector<16xi1>, vector<16xf32>
      %select_n3A_592 = arith.select %gt3A, %neg3A_590, %select_n3A : vector<16xi1>, vector<16xf32>
      %add3A_593 = arith.addf %abs3A, %abs3A_581 : vector<16xf32>
      %select_n3A_594 = arith.select %gt3A_588, %add3A_593, %abs3A_581 : vector<16xi1>, vector<16xf32>
      %select_n3A_595 = arith.select %gt3A, %abs3A, %select_n3A_594 : vector<16xi1>, vector<16xf32>
      %div3A = arith.divf %select_n3A_592, %select_n3A_595 : vector<16xf32>
      %broadcast_in_dim3A_596 = arith.constant 1.57079637 : f32
      %broadcast_in_dim3A_597 = vector.broadcast %broadcast_in_dim3A_596 : f32 to vector<16xf32>
      %broadcast_in_dim3A_598 = arith.constant 0.785398185 : f32
      %broadcast_in_dim3A_599 = vector.broadcast %broadcast_in_dim3A_598 : f32 to vector<16xf32>
      %broadcast_in_dim3A_600 = arith.constant 0.000000e+00 : f32
      %broadcast_in_dim3A_601 = vector.broadcast %broadcast_in_dim3A_600 : f32 to vector<16xf32>
      %select_n3A_602 = arith.select %gt3A_588, %broadcast_in_dim3A_599, %broadcast_in_dim3A_601 : vector<16xi1>, vector<16xf32>
      %select_n3A_603 = arith.select %gt3A, %broadcast_in_dim3A_597, %select_n3A_602 : vector<16xi1>, vector<16xf32>
      %mul3A_604 = arith.mulf %div3A, %div3A : vector<16xf32>
      %mul3A_605 = arith.constant 0.0805374458 : f32
      %mul3A_606 = vector.broadcast %mul3A_605 : f32 to vector<16xf32>
      %mul3A_607 = arith.mulf %mul3A_606, %mul3A_604 : vector<16xf32>
      %sub3A_608 = arith.constant 0.138776854 : f32
      %sub3A_609 = vector.broadcast %sub3A_608 : f32 to vector<16xf32>
      %sub3A_610 = arith.subf %mul3A_607, %sub3A_609 : vector<16xf32>
      %mul3A_611 = arith.mulf %sub3A_610, %mul3A_604 : vector<16xf32>
      %add3A_612 = arith.constant 0.199777111 : f32
      %add3A_613 = vector.broadcast %add3A_612 : f32 to vector<16xf32>
      %add3A_614 = arith.addf %mul3A_611, %add3A_613 : vector<16xf32>
      %mul3A_615 = arith.mulf %add3A_614, %mul3A_604 : vector<16xf32>
      %sub3A_616 = arith.constant 0.333329499 : f32
      %sub3A_617 = vector.broadcast %sub3A_616 : f32 to vector<16xf32>
      %sub3A_618 = arith.subf %mul3A_615, %sub3A_617 : vector<16xf32>
      %mul3A_619 = arith.mulf %sub3A_618, %mul3A_604 : vector<16xf32>
      %mul3A_620 = arith.mulf %mul3A_619, %div3A : vector<16xf32>
      %add3A_621 = arith.addf %mul3A_620, %div3A : vector<16xf32>
      %add3A_622 = arith.addf %select_n3A_603, %add3A_621 : vector<16xf32>
      %lt3A = arith.constant 0.000000e+00 : f32
      %lt3A_623 = vector.broadcast %lt3A : f32 to vector<16xf32>
      %lt3A_624 = arith.cmpf olt, %get3A_494, %lt3A_623 : vector<16xf32>
      %lt3A_625 = arith.constant 0.000000e+00 : f32
      %lt3A_626 = vector.broadcast %lt3A_625 : f32 to vector<16xf32>
      %lt3A_627 = arith.cmpf olt, %add3A_580, %lt3A_626 : vector<16xf32>
      %xor3A = arith.xori %lt3A_624, %lt3A_627 : vector<16xi1>
      %neg3A_628 = arith.constant 0.000000e+00 : f32
      %neg3A_629 = vector.broadcast %neg3A_628 : f32 to vector<16xf32>
      %neg3A_630 = arith.subf %neg3A_629, %add3A_622 : vector<16xf32>
      %select_n3A_631 = arith.select %xor3A, %neg3A_630, %add3A_622 : vector<16xi1>, vector<16xf32>
      %add3A_632 = arith.constant 1.000000e-07 : f32
      %add3A_633 = vector.broadcast %add3A_632 : f32 to vector<16xf32>
      %add3A_634 = arith.addf %get3A_477, %add3A_633 : vector<16xf32>
      %abs3A_635 = math.absf %get3A_472 : vector<16xf32>
      %abs3A_636 = math.absf %add3A_634 : vector<16xf32>
      %mul3A_637 = arith.constant 2.41421366 : f32
      %mul3A_638 = vector.broadcast %mul3A_637 : f32 to vector<16xf32>
      %mul3A_639 = arith.mulf %mul3A_638, %abs3A_636 : vector<16xf32>
      %gt3A_640 = arith.cmpf ogt, %abs3A_635, %mul3A_639 : vector<16xf32>
      %mul3A_641 = arith.constant 0.414213568 : f32
      %mul3A_642 = vector.broadcast %mul3A_641 : f32 to vector<16xf32>
      %mul3A_643 = arith.mulf %mul3A_642, %abs3A_636 : vector<16xf32>
      %gt3A_644 = arith.cmpf ogt, %abs3A_635, %mul3A_643 : vector<16xf32>
      %neg3A_645 = arith.constant 0.000000e+00 : f32
      %neg3A_646 = vector.broadcast %neg3A_645 : f32 to vector<16xf32>
      %neg3A_647 = arith.subf %neg3A_646, %abs3A_636 : vector<16xf32>
      %sub3A_648 = arith.subf %abs3A_635, %abs3A_636 : vector<16xf32>
      %select_n3A_649 = arith.select %gt3A_644, %sub3A_648, %abs3A_635 : vector<16xi1>, vector<16xf32>
      %select_n3A_650 = arith.select %gt3A_640, %neg3A_647, %select_n3A_649 : vector<16xi1>, vector<16xf32>
      %add3A_651 = arith.addf %abs3A_635, %abs3A_636 : vector<16xf32>
      %select_n3A_652 = arith.select %gt3A_644, %add3A_651, %abs3A_636 : vector<16xi1>, vector<16xf32>
      %select_n3A_653 = arith.select %gt3A_640, %abs3A_635, %select_n3A_652 : vector<16xi1>, vector<16xf32>
      %div3A_654 = arith.divf %select_n3A_650, %select_n3A_653 : vector<16xf32>
      %broadcast_in_dim3A_655 = arith.constant 1.57079637 : f32
      %broadcast_in_dim3A_656 = vector.broadcast %broadcast_in_dim3A_655 : f32 to vector<16xf32>
      %broadcast_in_dim3A_657 = arith.constant 0.785398185 : f32
      %broadcast_in_dim3A_658 = vector.broadcast %broadcast_in_dim3A_657 : f32 to vector<16xf32>
      %broadcast_in_dim3A_659 = arith.constant 0.000000e+00 : f32
      %broadcast_in_dim3A_660 = vector.broadcast %broadcast_in_dim3A_659 : f32 to vector<16xf32>
      %select_n3A_661 = arith.select %gt3A_644, %broadcast_in_dim3A_658, %broadcast_in_dim3A_660 : vector<16xi1>, vector<16xf32>
      %select_n3A_662 = arith.select %gt3A_640, %broadcast_in_dim3A_656, %select_n3A_661 : vector<16xi1>, vector<16xf32>
      %mul3A_663 = arith.mulf %div3A_654, %div3A_654 : vector<16xf32>
      %mul3A_664 = arith.constant 0.0805374458 : f32
      %mul3A_665 = vector.broadcast %mul3A_664 : f32 to vector<16xf32>
      %mul3A_666 = arith.mulf %mul3A_665, %mul3A_663 : vector<16xf32>
      %sub3A_667 = arith.constant 0.138776854 : f32
      %sub3A_668 = vector.broadcast %sub3A_667 : f32 to vector<16xf32>
      %sub3A_669 = arith.subf %mul3A_666, %sub3A_668 : vector<16xf32>
      %mul3A_670 = arith.mulf %sub3A_669, %mul3A_663 : vector<16xf32>
      %add3A_671 = arith.constant 0.199777111 : f32
      %add3A_672 = vector.broadcast %add3A_671 : f32 to vector<16xf32>
      %add3A_673 = arith.addf %mul3A_670, %add3A_672 : vector<16xf32>
      %mul3A_674 = arith.mulf %add3A_673, %mul3A_663 : vector<16xf32>
      %sub3A_675 = arith.constant 0.333329499 : f32
      %sub3A_676 = vector.broadcast %sub3A_675 : f32 to vector<16xf32>
      %sub3A_677 = arith.subf %mul3A_674, %sub3A_676 : vector<16xf32>
      %mul3A_678 = arith.mulf %sub3A_677, %mul3A_663 : vector<16xf32>
      %mul3A_679 = arith.mulf %mul3A_678, %div3A_654 : vector<16xf32>
      %add3A_680 = arith.addf %mul3A_679, %div3A_654 : vector<16xf32>
      %add3A_681 = arith.addf %select_n3A_662, %add3A_680 : vector<16xf32>
      %lt3A_682 = arith.constant 0.000000e+00 : f32
      %lt3A_683 = vector.broadcast %lt3A_682 : f32 to vector<16xf32>
      %lt3A_684 = arith.cmpf olt, %get3A_472, %lt3A_683 : vector<16xf32>
      %lt3A_685 = arith.constant 0.000000e+00 : f32
      %lt3A_686 = vector.broadcast %lt3A_685 : f32 to vector<16xf32>
      %lt3A_687 = arith.cmpf olt, %add3A_634, %lt3A_686 : vector<16xf32>
      %xor3A_688 = arith.xori %lt3A_684, %lt3A_687 : vector<16xi1>
      %neg3A_689 = arith.constant 0.000000e+00 : f32
      %neg3A_690 = vector.broadcast %neg3A_689 : f32 to vector<16xf32>
      %neg3A_691 = arith.subf %neg3A_690, %add3A_681 : vector<16xf32>
      %select_n3A_692 = arith.select %xor3A_688, %neg3A_691, %add3A_681 : vector<16xi1>, vector<16xf32>
      %sub3A_693 = arith.subf %select_n3A_631, %select_n3A_692 : vector<16xf32>
      %mul3A_694 = arith.mulf %sub3A_693, %sub3A_693 : vector<16xf32>
      %mul3A_695 = arith.constant 0.405284733 : f32
      %mul3A_696 = vector.broadcast %mul3A_695 : f32 to vector<16xf32>
      %mul3A_697 = arith.mulf %mul3A_696, %mul3A_694 : vector<16xf32>
      %add3A_698 = arith.constant 1.000000e+00 : f32
      %add3A_699 = vector.broadcast %add3A_698 : f32 to vector<16xf32>
      %add3A_700 = arith.addf %add3A_699, %mul3A_697 : vector<16xf32>
      %add3A_701 = arith.constant 1.000000e-07 : f32
      %add3A_702 = vector.broadcast %add3A_701 : f32 to vector<16xf32>
      %add3A_703 = arith.addf %add3A_700, %add3A_702 : vector<16xf32>
      %mul3A_704 = arith.mulf %add3A_703, %add3A_560 : vector<16xf32>
      %sub3A_705 = arith.subf %mul3A_704, %mul3A_553 : vector<16xf32>
      %mul3A_706 = arith.mulf %add3A_560, %add3A_572 : vector<16xf32>
      %mul3A_707 = arith.mulf %mul3A_553, %add3A_572 : vector<16xf32>
      %mul3A_708 = arith.mulf %mul3A_707, %sub3A_705 : vector<16xf32>
      %mul3A_709 = arith.mulf %add3A_577, %add3A_560 : vector<16xf32>
      %mul3A_710 = arith.mulf %mul3A_709, %sub3A_705 : vector<16xf32>
      %sub3A_711 = arith.subf %mul3A_708, %mul3A_710 : vector<16xf32>
      %mul3A_712 = arith.mulf %mul3A_697, %mul3A_697 : vector<16xf32>
      %mul3A_713 = arith.mulf %mul3A_712, %add3A_560 : vector<16xf32>
      %mul3A_714 = arith.mulf %mul3A_713, %mul3A_706 : vector<16xf32>
      %sub3A_715 = arith.subf %sub3A_711, %mul3A_714 : vector<16xf32>
      %mul3A_716 = arith.mulf %mul3A_706, %sub3A_705 : vector<16xf32>
      %div3A_717 = arith.divf %sub3A_715, %mul3A_716 : vector<16xf32>
      %gt3A_718 = arith.constant 0.000000e+00 : f32
      %gt3A_719 = vector.broadcast %gt3A_718 : f32 to vector<16xf32>
      %gt3A_720 = arith.cmpf ogt, %get3A_461, %gt3A_719 : vector<16xf32>
      %sub3A_721 = arith.constant 1.000000e+00 : f32
      %sub3A_722 = vector.broadcast %sub3A_721 : f32 to vector<16xf32>
      %sub3A_723 = arith.subf %sub3A_722, %div3A_717 : vector<16xf32>
      %jit3A = arith.constant 0.000000e+00 : f32
      %broadcast_in_dim3A_724 = vector.broadcast %jit3A : f32 to vector<16xf32>
      %select_n3A_725 = arith.select %gt3A_720, %sub3A_723, %broadcast_in_dim3A_724 : vector<16xi1>, vector<16xf32>
      %add3A_726 = arith.addf %scan3A_448, %select_n3A_725 : vector<16xf32>
      %add3A_727 = arith.addf %scan3A_449, %get3A_461 : vector<16xf32>
      %scan3A_728 = arith.constant 1 : i32
      %scan3A_729 = arith.addi %scan3A_447, %scan3A_728 : i32
      %mul3A_730 = arith.constant 16 : i32
      %mul3A_731 = arith.muli %scan3A_729, %mul3A_730 : i32
      %add3A_732 = arith.constant 1024 : i32
      %add3A_733 = arith.addi %add3A_732, %mul3A_731 : i32
      %get3A_734 = arith.index_cast %add3A_733 : i32 to index
      %get3A_735 = tpu.vector_load %arg6[%get3A_734] {strides = array<i32>} : memref<6144xf32, #tpu.memory_space<vmem>>, vector<16xf32>,
      %get3A_736 = vector.shape_cast %get3A_735 : vector<16xf32> to vector<16xf32>
      %convert_element_type3A_737 = arith.fptosi %get3A_736 : vector<16xf32> to vector<16xi32>
      %add3A_738 = arith.constant 1536 : i32
      %add3A_739 = arith.addi %add3A_738, %mul3A_731 : i32
      %get3A_740 = arith.index_cast %add3A_739 : i32 to index
      %get3A_741 = tpu.vector_load %arg6[%get3A_740] {strides = array<i32>} : memref<6144xf32, #tpu.memory_space<vmem>>, vector<16xf32>,
      %get3A_742 = vector.shape_cast %get3A_741 : vector<16xf32> to vector<16xf32>
      %and3A_743 = arith.constant 127 : i32
      %and3A_744 = vector.broadcast %and3A_743 : i32 to vector<16xi32>
      %and3A_745 = arith.andi %convert_element_type3A_737, %and3A_744 : vector<16xi32>
      %convert_element_type3A_746 = arith.sitofp %and3A_745 : vector<16xi32> to vector<16xf32>
      %shift_right_logical3A_747 = arith.constant 7 : i32
      %shift_right_logical3A_748 = vector.broadcast %shift_right_logical3A_747 : i32 to vector<16xi32>
      %shift_right_logical3A_749 = arith.shrui %convert_element_type3A_737, %shift_right_logical3A_748 : vector<16xi32>
      %convert_element_type3A_750 = arith.sitofp %shift_right_logical3A_749 : vector<16xi32> to vector<16xf32>
      %add3A_751 = arith.constant 512 : i32
      %add3A_752 = arith.addi %add3A_751, %mul3A_731 : i32
      %get3A_753 = arith.index_cast %add3A_752 : i32 to index
      %get3A_754 = tpu.vector_load %arg9[%get3A_753] {strides = array<i32>} : memref<1024xf32, #tpu.memory_space<vmem>>, vector<16xf32>,
      %get3A_755 = vector.shape_cast %get3A_754 : vector<16xf32> to vector<16xf32>
      %add3A_756 = arith.constant 512 : i32
      %add3A_757 = arith.addi %add3A_756, %mul3A_731 : i32
      %get3A_758 = arith.index_cast %add3A_757 : i32 to index
      %get3A_759 = tpu.vector_load %arg10[%get3A_758] {strides = array<i32>} : memref<1024xf32, #tpu.memory_space<vmem>>, vector<16xf32>,
      %get3A_760 = vector.shape_cast %get3A_759 : vector<16xf32> to vector<16xf32>
      %add3A_761 = arith.constant 512 : i32
      %add3A_762 = arith.addi %add3A_761, %mul3A_731 : i32
      %get3A_763 = arith.index_cast %add3A_762 : i32 to index
      %get3A_764 = tpu.vector_load %arg11[%get3A_763] {strides = array<i32>} : memref<1024xf32, #tpu.memory_space<vmem>>, vector<16xf32>,
      %get3A_765 = vector.shape_cast %get3A_764 : vector<16xf32> to vector<16xf32>
      %add3A_766 = arith.addf %convert_element_type3A_746, %get3A_765 : vector<16xf32>
      %add3A_767 = arith.constant 512 : i32
      %add3A_768 = arith.addi %add3A_767, %mul3A_731 : i32
      %get3A_769 = arith.index_cast %add3A_768 : i32 to index
      %get3A_770 = tpu.vector_load %arg12[%get3A_769] {strides = array<i32>} : memref<1024xf32, #tpu.memory_space<vmem>>, vector<16xf32>,
      %get3A_771 = vector.shape_cast %get3A_770 : vector<16xf32> to vector<16xf32>
      %add3A_772 = arith.addf %convert_element_type3A_750, %get3A_771 : vector<16xf32>
      %add3A_773 = arith.constant 4096 : i32
      %add3A_774 = arith.addi %add3A_773, %mul3A_731 : i32
      %get3A_775 = arith.index_cast %add3A_774 : i32 to index
      %get3A_776 = tpu.vector_load %arg6[%get3A_775] {strides = array<i32>} : memref<6144xf32, #tpu.memory_space<vmem>>, vector<16xf32>,
      %get3A_777 = vector.shape_cast %get3A_776 : vector<16xf32> to vector<16xf32>
      %add3A_778 = arith.constant 4608 : i32
      %add3A_779 = arith.addi %add3A_778, %mul3A_731 : i32
      %get3A_780 = arith.index_cast %add3A_779 : i32 to index
      %get3A_781 = tpu.vector_load %arg6[%get3A_780] {strides = array<i32>} : memref<6144xf32, #tpu.memory_space<vmem>>, vector<16xf32>,
      %get3A_782 = vector.shape_cast %get3A_781 : vector<16xf32> to vector<16xf32>
      %add3A_783 = arith.constant 5120 : i32
      %add3A_784 = arith.addi %add3A_783, %mul3A_731 : i32
      %get3A_785 = arith.index_cast %add3A_784 : i32 to index
      %get3A_786 = tpu.vector_load %arg6[%get3A_785] {strides = array<i32>} : memref<6144xf32, #tpu.memory_space<vmem>>, vector<16xf32>,
      %get3A_787 = vector.shape_cast %get3A_786 : vector<16xf32> to vector<16xf32>
      %add3A_788 = arith.addf %convert_element_type3A_746, %get3A_787 : vector<16xf32>
      %add3A_789 = arith.constant 5632 : i32
      %add3A_790 = arith.addi %add3A_789, %mul3A_731 : i32
      %get3A_791 = arith.index_cast %add3A_790 : i32 to index
      %get3A_792 = tpu.vector_load %arg6[%get3A_791] {strides = array<i32>} : memref<6144xf32, #tpu.memory_space<vmem>>, vector<16xf32>,
      %get3A_793 = vector.shape_cast %get3A_792 : vector<16xf32> to vector<16xf32>
      %add3A_794 = arith.addf %convert_element_type3A_750, %get3A_793 : vector<16xf32>
      %mul3A_795 = arith.constant 5.000000e-01 : f32
      %mul3A_796 = vector.broadcast %mul3A_795 : f32 to vector<16xf32>
      %mul3A_797 = arith.mulf %get3A_755, %mul3A_796 : vector<16xf32>
      %sub3A_798 = arith.subf %add3A_766, %mul3A_797 : vector<16xf32>
      %mul3A_799 = arith.constant 5.000000e-01 : f32
      %mul3A_800 = vector.broadcast %mul3A_799 : f32 to vector<16xf32>
      %mul3A_801 = arith.mulf %get3A_755, %mul3A_800 : vector<16xf32>
      %add3A_802 = arith.addf %add3A_766, %mul3A_801 : vector<16xf32>
      %mul3A_803 = arith.constant 5.000000e-01 : f32
      %mul3A_804 = vector.broadcast %mul3A_803 : f32 to vector<16xf32>
      %mul3A_805 = arith.mulf %get3A_760, %mul3A_804 : vector<16xf32>
      %sub3A_806 = arith.subf %add3A_772, %mul3A_805 : vector<16xf32>
      %mul3A_807 = arith.constant 5.000000e-01 : f32
      %mul3A_808 = vector.broadcast %mul3A_807 : f32 to vector<16xf32>
      %mul3A_809 = arith.mulf %get3A_760, %mul3A_808 : vector<16xf32>
      %add3A_810 = arith.addf %add3A_772, %mul3A_809 : vector<16xf32>
      %mul3A_811 = arith.constant 5.000000e-01 : f32
      %mul3A_812 = vector.broadcast %mul3A_811 : f32 to vector<16xf32>
      %mul3A_813 = arith.mulf %get3A_777, %mul3A_812 : vector<16xf32>
      %sub3A_814 = arith.subf %add3A_788, %mul3A_813 : vector<16xf32>
      %mul3A_815 = arith.constant 5.000000e-01 : f32
      %mul3A_816 = vector.broadcast %mul3A_815 : f32 to vector<16xf32>
      %mul3A_817 = arith.mulf %get3A_777, %mul3A_816 : vector<16xf32>
      %add3A_818 = arith.addf %add3A_788, %mul3A_817 : vector<16xf32>
      %mul3A_819 = arith.constant 5.000000e-01 : f32
      %mul3A_820 = vector.broadcast %mul3A_819 : f32 to vector<16xf32>
      %mul3A_821 = arith.mulf %get3A_782, %mul3A_820 : vector<16xf32>
      %sub3A_822 = arith.subf %add3A_794, %mul3A_821 : vector<16xf32>
      %mul3A_823 = arith.constant 5.000000e-01 : f32
      %mul3A_824 = vector.broadcast %mul3A_823 : f32 to vector<16xf32>
      %mul3A_825 = arith.mulf %get3A_782, %mul3A_824 : vector<16xf32>
      %add3A_826 = arith.addf %add3A_794, %mul3A_825 : vector<16xf32>
      %min3A_827 = arith.minimumf %add3A_802, %add3A_818 : vector<16xf32>
      %max3A_828 = arith.maximumf %sub3A_798, %sub3A_814 : vector<16xf32>
      %sub3A_829 = arith.subf %min3A_827, %max3A_828 : vector<16xf32>
      %max3A_830 = arith.constant 0.000000e+00 : f32
      %max3A_831 = vector.broadcast %max3A_830 : f32 to vector<16xf32>
      %max3A_832 = arith.maximumf %sub3A_829, %max3A_831 : vector<16xf32>
      %min3A_833 = arith.minimumf %add3A_810, %add3A_826 : vector<16xf32>
      %max3A_834 = arith.maximumf %sub3A_806, %sub3A_822 : vector<16xf32>
      %sub3A_835 = arith.subf %min3A_833, %max3A_834 : vector<16xf32>
      %max3A_836 = arith.constant 0.000000e+00 : f32
      %max3A_837 = vector.broadcast %max3A_836 : f32 to vector<16xf32>
      %max3A_838 = arith.maximumf %sub3A_835, %max3A_837 : vector<16xf32>
      %mul3A_839 = arith.mulf %max3A_832, %max3A_838 : vector<16xf32>
      %mul3A_840 = arith.mulf %get3A_755, %get3A_760 : vector<16xf32>
      %mul3A_841 = arith.mulf %get3A_777, %get3A_782 : vector<16xf32>
      %add3A_842 = arith.addf %mul3A_840, %mul3A_841 : vector<16xf32>
      %sub3A_843 = arith.subf %add3A_842, %mul3A_839 : vector<16xf32>
      %add3A_844 = arith.constant 1.000000e-07 : f32
      %add3A_845 = vector.broadcast %add3A_844 : f32 to vector<16xf32>
      %add3A_846 = arith.addf %sub3A_843, %add3A_845 : vector<16xf32>
      %max3A_847 = arith.maximumf %add3A_802, %add3A_818 : vector<16xf32>
      %min3A_848 = arith.minimumf %sub3A_798, %sub3A_814 : vector<16xf32>
      %sub3A_849 = arith.subf %max3A_847, %min3A_848 : vector<16xf32>
      %max3A_850 = arith.maximumf %add3A_810, %add3A_826 : vector<16xf32>
      %min3A_851 = arith.minimumf %sub3A_806, %sub3A_822 : vector<16xf32>
      %sub3A_852 = arith.subf %max3A_850, %min3A_851 : vector<16xf32>
      %mul3A_853 = arith.mulf %sub3A_849, %sub3A_849 : vector<16xf32>
      %mul3A_854 = arith.mulf %sub3A_852, %sub3A_852 : vector<16xf32>
      %add3A_855 = arith.addf %mul3A_853, %mul3A_854 : vector<16xf32>
      %add3A_856 = arith.constant 1.000000e-07 : f32
      %add3A_857 = vector.broadcast %add3A_856 : f32 to vector<16xf32>
      %add3A_858 = arith.addf %add3A_855, %add3A_857 : vector<16xf32>
      %sub3A_859 = arith.subf %add3A_766, %add3A_788 : vector<16xf32>
      %sub3A_860 = arith.subf %add3A_772, %add3A_794 : vector<16xf32>
      %mul3A_861 = arith.mulf %sub3A_859, %sub3A_859 : vector<16xf32>
      %mul3A_862 = arith.mulf %sub3A_860, %sub3A_860 : vector<16xf32>
      %add3A_863 = arith.addf %mul3A_861, %mul3A_862 : vector<16xf32>
      %add3A_864 = arith.constant 1.000000e-07 : f32
      %add3A_865 = vector.broadcast %add3A_864 : f32 to vector<16xf32>
      %add3A_866 = arith.addf %get3A_782, %add3A_865 : vector<16xf32>
      %abs3A_867 = math.absf %get3A_777 : vector<16xf32>
      %abs3A_868 = math.absf %add3A_866 : vector<16xf32>
      %mul3A_869 = arith.constant 2.41421366 : f32
      %mul3A_870 = vector.broadcast %mul3A_869 : f32 to vector<16xf32>
      %mul3A_871 = arith.mulf %mul3A_870, %abs3A_868 : vector<16xf32>
      %gt3A_872 = arith.cmpf ogt, %abs3A_867, %mul3A_871 : vector<16xf32>
      %mul3A_873 = arith.constant 0.414213568 : f32
      %mul3A_874 = vector.broadcast %mul3A_873 : f32 to vector<16xf32>
      %mul3A_875 = arith.mulf %mul3A_874, %abs3A_868 : vector<16xf32>
      %gt3A_876 = arith.cmpf ogt, %abs3A_867, %mul3A_875 : vector<16xf32>
      %neg3A_877 = arith.constant 0.000000e+00 : f32
      %neg3A_878 = vector.broadcast %neg3A_877 : f32 to vector<16xf32>
      %neg3A_879 = arith.subf %neg3A_878, %abs3A_868 : vector<16xf32>
      %sub3A_880 = arith.subf %abs3A_867, %abs3A_868 : vector<16xf32>
      %select_n3A_881 = arith.select %gt3A_876, %sub3A_880, %abs3A_867 : vector<16xi1>, vector<16xf32>
      %select_n3A_882 = arith.select %gt3A_872, %neg3A_879, %select_n3A_881 : vector<16xi1>, vector<16xf32>
      %add3A_883 = arith.addf %abs3A_867, %abs3A_868 : vector<16xf32>
      %select_n3A_884 = arith.select %gt3A_876, %add3A_883, %abs3A_868 : vector<16xi1>, vector<16xf32>
      %select_n3A_885 = arith.select %gt3A_872, %abs3A_867, %select_n3A_884 : vector<16xi1>, vector<16xf32>
      %div3A_886 = arith.divf %select_n3A_882, %select_n3A_885 : vector<16xf32>
      %broadcast_in_dim3A_887 = arith.constant 1.57079637 : f32
      %broadcast_in_dim3A_888 = vector.broadcast %broadcast_in_dim3A_887 : f32 to vector<16xf32>
      %broadcast_in_dim3A_889 = arith.constant 0.785398185 : f32
      %broadcast_in_dim3A_890 = vector.broadcast %broadcast_in_dim3A_889 : f32 to vector<16xf32>
      %broadcast_in_dim3A_891 = arith.constant 0.000000e+00 : f32
      %broadcast_in_dim3A_892 = vector.broadcast %broadcast_in_dim3A_891 : f32 to vector<16xf32>
      %select_n3A_893 = arith.select %gt3A_876, %broadcast_in_dim3A_890, %broadcast_in_dim3A_892 : vector<16xi1>, vector<16xf32>
      %select_n3A_894 = arith.select %gt3A_872, %broadcast_in_dim3A_888, %select_n3A_893 : vector<16xi1>, vector<16xf32>
      %mul3A_895 = arith.mulf %div3A_886, %div3A_886 : vector<16xf32>
      %mul3A_896 = arith.constant 0.0805374458 : f32
      %mul3A_897 = vector.broadcast %mul3A_896 : f32 to vector<16xf32>
      %mul3A_898 = arith.mulf %mul3A_897, %mul3A_895 : vector<16xf32>
      %sub3A_899 = arith.constant 0.138776854 : f32
      %sub3A_900 = vector.broadcast %sub3A_899 : f32 to vector<16xf32>
      %sub3A_901 = arith.subf %mul3A_898, %sub3A_900 : vector<16xf32>
      %mul3A_902 = arith.mulf %sub3A_901, %mul3A_895 : vector<16xf32>
      %add3A_903 = arith.constant 0.199777111 : f32
      %add3A_904 = vector.broadcast %add3A_903 : f32 to vector<16xf32>
      %add3A_905 = arith.addf %mul3A_902, %add3A_904 : vector<16xf32>
      %mul3A_906 = arith.mulf %add3A_905, %mul3A_895 : vector<16xf32>
      %sub3A_907 = arith.constant 0.333329499 : f32
      %sub3A_908 = vector.broadcast %sub3A_907 : f32 to vector<16xf32>
      %sub3A_909 = arith.subf %mul3A_906, %sub3A_908 : vector<16xf32>
      %mul3A_910 = arith.mulf %sub3A_909, %mul3A_895 : vector<16xf32>
      %mul3A_911 = arith.mulf %mul3A_910, %div3A_886 : vector<16xf32>
      %add3A_912 = arith.addf %mul3A_911, %div3A_886 : vector<16xf32>
      %add3A_913 = arith.addf %select_n3A_894, %add3A_912 : vector<16xf32>
      %lt3A_914 = arith.constant 0.000000e+00 : f32
      %lt3A_915 = vector.broadcast %lt3A_914 : f32 to vector<16xf32>
      %lt3A_916 = arith.cmpf olt, %get3A_777, %lt3A_915 : vector<16xf32>
      %lt3A_917 = arith.constant 0.000000e+00 : f32
      %lt3A_918 = vector.broadcast %lt3A_917 : f32 to vector<16xf32>
      %lt3A_919 = arith.cmpf olt, %add3A_866, %lt3A_918 : vector<16xf32>
      %xor3A_920 = arith.xori %lt3A_916, %lt3A_919 : vector<16xi1>
      %neg3A_921 = arith.constant 0.000000e+00 : f32
      %neg3A_922 = vector.broadcast %neg3A_921 : f32 to vector<16xf32>
      %neg3A_923 = arith.subf %neg3A_922, %add3A_913 : vector<16xf32>
      %select_n3A_924 = arith.select %xor3A_920, %neg3A_923, %add3A_913 : vector<16xi1>, vector<16xf32>
      %add3A_925 = arith.constant 1.000000e-07 : f32
      %add3A_926 = vector.broadcast %add3A_925 : f32 to vector<16xf32>
      %add3A_927 = arith.addf %get3A_760, %add3A_926 : vector<16xf32>
      %abs3A_928 = math.absf %get3A_755 : vector<16xf32>
      %abs3A_929 = math.absf %add3A_927 : vector<16xf32>
      %mul3A_930 = arith.constant 2.41421366 : f32
      %mul3A_931 = vector.broadcast %mul3A_930 : f32 to vector<16xf32>
      %mul3A_932 = arith.mulf %mul3A_931, %abs3A_929 : vector<16xf32>
      %gt3A_933 = arith.cmpf ogt, %abs3A_928, %mul3A_932 : vector<16xf32>
      %mul3A_934 = arith.constant 0.414213568 : f32
      %mul3A_935 = vector.broadcast %mul3A_934 : f32 to vector<16xf32>
      %mul3A_936 = arith.mulf %mul3A_935, %abs3A_929 : vector<16xf32>
      %gt3A_937 = arith.cmpf ogt, %abs3A_928, %mul3A_936 : vector<16xf32>
      %neg3A_938 = arith.constant 0.000000e+00 : f32
      %neg3A_939 = vector.broadcast %neg3A_938 : f32 to vector<16xf32>
      %neg3A_940 = arith.subf %neg3A_939, %abs3A_929 : vector<16xf32>
      %sub3A_941 = arith.subf %abs3A_928, %abs3A_929 : vector<16xf32>
      %select_n3A_942 = arith.select %gt3A_937, %sub3A_941, %abs3A_928 : vector<16xi1>, vector<16xf32>
      %select_n3A_943 = arith.select %gt3A_933, %neg3A_940, %select_n3A_942 : vector<16xi1>, vector<16xf32>
      %add3A_944 = arith.addf %abs3A_928, %abs3A_929 : vector<16xf32>
      %select_n3A_945 = arith.select %gt3A_937, %add3A_944, %abs3A_929 : vector<16xi1>, vector<16xf32>
      %select_n3A_946 = arith.select %gt3A_933, %abs3A_928, %select_n3A_945 : vector<16xi1>, vector<16xf32>
      %div3A_947 = arith.divf %select_n3A_943, %select_n3A_946 : vector<16xf32>
      %broadcast_in_dim3A_948 = arith.constant 1.57079637 : f32
      %broadcast_in_dim3A_949 = vector.broadcast %broadcast_in_dim3A_948 : f32 to vector<16xf32>
      %broadcast_in_dim3A_950 = arith.constant 0.785398185 : f32
      %broadcast_in_dim3A_951 = vector.broadcast %broadcast_in_dim3A_950 : f32 to vector<16xf32>
      %broadcast_in_dim3A_952 = arith.constant 0.000000e+00 : f32
      %broadcast_in_dim3A_953 = vector.broadcast %broadcast_in_dim3A_952 : f32 to vector<16xf32>
      %select_n3A_954 = arith.select %gt3A_937, %broadcast_in_dim3A_951, %broadcast_in_dim3A_953 : vector<16xi1>, vector<16xf32>
      %select_n3A_955 = arith.select %gt3A_933, %broadcast_in_dim3A_949, %select_n3A_954 : vector<16xi1>, vector<16xf32>
      %mul3A_956 = arith.mulf %div3A_947, %div3A_947 : vector<16xf32>
      %mul3A_957 = arith.constant 0.0805374458 : f32
      %mul3A_958 = vector.broadcast %mul3A_957 : f32 to vector<16xf32>
      %mul3A_959 = arith.mulf %mul3A_958, %mul3A_956 : vector<16xf32>
      %sub3A_960 = arith.constant 0.138776854 : f32
      %sub3A_961 = vector.broadcast %sub3A_960 : f32 to vector<16xf32>
      %sub3A_962 = arith.subf %mul3A_959, %sub3A_961 : vector<16xf32>
      %mul3A_963 = arith.mulf %sub3A_962, %mul3A_956 : vector<16xf32>
      %add3A_964 = arith.constant 0.199777111 : f32
      %add3A_965 = vector.broadcast %add3A_964 : f32 to vector<16xf32>
      %add3A_966 = arith.addf %mul3A_963, %add3A_965 : vector<16xf32>
      %mul3A_967 = arith.mulf %add3A_966, %mul3A_956 : vector<16xf32>
      %sub3A_968 = arith.constant 0.333329499 : f32
      %sub3A_969 = vector.broadcast %sub3A_968 : f32 to vector<16xf32>
      %sub3A_970 = arith.subf %mul3A_967, %sub3A_969 : vector<16xf32>
      %mul3A_971 = arith.mulf %sub3A_970, %mul3A_956 : vector<16xf32>
      %mul3A_972 = arith.mulf %mul3A_971, %div3A_947 : vector<16xf32>
      %add3A_973 = arith.addf %mul3A_972, %div3A_947 : vector<16xf32>
      %add3A_974 = arith.addf %select_n3A_955, %add3A_973 : vector<16xf32>
      %lt3A_975 = arith.constant 0.000000e+00 : f32
      %lt3A_976 = vector.broadcast %lt3A_975 : f32 to vector<16xf32>
      %lt3A_977 = arith.cmpf olt, %get3A_755, %lt3A_976 : vector<16xf32>
      %lt3A_978 = arith.constant 0.000000e+00 : f32
      %lt3A_979 = vector.broadcast %lt3A_978 : f32 to vector<16xf32>
      %lt3A_980 = arith.cmpf olt, %add3A_927, %lt3A_979 : vector<16xf32>
      %xor3A_981 = arith.xori %lt3A_977, %lt3A_980 : vector<16xi1>
      %neg3A_982 = arith.constant 0.000000e+00 : f32
      %neg3A_983 = vector.broadcast %neg3A_982 : f32 to vector<16xf32>
      %neg3A_984 = arith.subf %neg3A_983, %add3A_974 : vector<16xf32>
      %select_n3A_985 = arith.select %xor3A_981, %neg3A_984, %add3A_974 : vector<16xi1>, vector<16xf32>
      %sub3A_986 = arith.subf %select_n3A_924, %select_n3A_985 : vector<16xf32>
      %mul3A_987 = arith.mulf %sub3A_986, %sub3A_986 : vector<16xf32>
      %mul3A_988 = arith.constant 0.405284733 : f32
      %mul3A_989 = vector.broadcast %mul3A_988 : f32 to vector<16xf32>
      %mul3A_990 = arith.mulf %mul3A_989, %mul3A_987 : vector<16xf32>
      %add3A_991 = arith.constant 1.000000e+00 : f32
      %add3A_992 = vector.broadcast %add3A_991 : f32 to vector<16xf32>
      %add3A_993 = arith.addf %add3A_992, %mul3A_990 : vector<16xf32>
      %add3A_994 = arith.constant 1.000000e-07 : f32
      %add3A_995 = vector.broadcast %add3A_994 : f32 to vector<16xf32>
      %add3A_996 = arith.addf %add3A_993, %add3A_995 : vector<16xf32>
      %mul3A_997 = arith.mulf %add3A_996, %add3A_846 : vector<16xf32>
      %sub3A_998 = arith.subf %mul3A_997, %mul3A_839 : vector<16xf32>
      %mul3A_999 = arith.mulf %add3A_846, %add3A_858 : vector<16xf32>
      %mul3A_1000 = arith.mulf %mul3A_839, %add3A_858 : vector<16xf32>
      %mul3A_1001 = arith.mulf %mul3A_1000, %sub3A_998 : vector<16xf32>
      %mul3A_1002 = arith.mulf %add3A_863, %add3A_846 : vector<16xf32>
      %mul3A_1003 = arith.mulf %mul3A_1002, %sub3A_998 : vector<16xf32>
      %sub3A_1004 = arith.subf %mul3A_1001, %mul3A_1003 : vector<16xf32>
      %mul3A_1005 = arith.mulf %mul3A_990, %mul3A_990 : vector<16xf32>
      %mul3A_1006 = arith.mulf %mul3A_1005, %add3A_846 : vector<16xf32>
      %mul3A_1007 = arith.mulf %mul3A_1006, %mul3A_999 : vector<16xf32>
      %sub3A_1008 = arith.subf %sub3A_1004, %mul3A_1007 : vector<16xf32>
      %mul3A_1009 = arith.mulf %mul3A_999, %sub3A_998 : vector<16xf32>
      %div3A_1010 = arith.divf %sub3A_1008, %mul3A_1009 : vector<16xf32>
      %gt3A_1011 = arith.constant 0.000000e+00 : f32
      %gt3A_1012 = vector.broadcast %gt3A_1011 : f32 to vector<16xf32>
      %gt3A_1013 = arith.cmpf ogt, %get3A_742, %gt3A_1012 : vector<16xf32>
      %sub3A_1014 = arith.constant 1.000000e+00 : f32
      %sub3A_1015 = vector.broadcast %sub3A_1014 : f32 to vector<16xf32>
      %sub3A_1016 = arith.subf %sub3A_1015, %div3A_1010 : vector<16xf32>
      %jit3A_1017 = arith.constant 0.000000e+00 : f32
      %broadcast_in_dim3A_1018 = vector.broadcast %jit3A_1017 : f32 to vector<16xf32>
      %select_n3A_1019 = arith.select %gt3A_1013, %sub3A_1016, %broadcast_in_dim3A_1018 : vector<16xi1>, vector<16xf32>
      %add3A_1020 = arith.addf %add3A_726, %select_n3A_1019 : vector<16xf32>
      %add3A_1021 = arith.addf %add3A_727, %get3A_742 : vector<16xf32>
      scf.yield %add3A_1020, %add3A_1021 : vector<16xf32>, vector<16xf32>
    }
    %scan3A_435 = arith.constant 32 : i32
    %swap3A = arith.constant 0 : index
    %swap3A_436 = tpu.vector_load %arg13[%swap3A] {strides = array<i32>} : memref<32xf32, #tpu.memory_space<vmem>>, vector<16xf32>,
    %swap3A_437 = vector.shape_cast %swap3A_436 : vector<16xf32> to vector<16xf32>
    %swap3A_438 = vector.shape_cast %scan3A_434#0 : vector<16xf32> to vector<16xf32>
    tpu.vector_store %arg13[%swap3A], %swap3A_438 {strides = array<i32>} : memref<32xf32, #tpu.memory_space<vmem>>, vector<16xf32>,
    %swap3A_439 = arith.constant 16 : index
    %swap3A_440 = tpu.vector_load %arg13[%swap3A_439] {strides = array<i32>} : memref<32xf32, #tpu.memory_space<vmem>>, vector<16xf32>,
    %swap3A_441 = vector.shape_cast %swap3A_440 : vector<16xf32> to vector<16xf32>
    %swap3A_442 = vector.shape_cast %scan3A_434#1 : vector<16xf32> to vector<16xf32>
    tpu.vector_store %arg13[%swap3A_439], %swap3A_442 {strides = array<i32>} : memref<32xf32, #tpu.memory_space<vmem>>, vector<16xf32>,
    %mul3A_443 = arith.constant 32 : i32
    %mul3A_444 = arith.muli %arg1, %mul3A_443 : i32
    "tpu.region"() ({
      %run_scoped3A = tpu.sem_alloc : memref<!tpu.dma_semaphore, #tpu.memory_space<semaphore_mem>>
      %dma_start3A_447 = tpu.memref_slice %arg15[%mul3A_444] : memref<512xf32, #tpu.memory_space<vmem_shared>> -> memref<32xf32, #tpu.memory_space<vmem_shared>>
      %dma_start3A_448 = tpu.memref_slice %arg15[%mul3A_444] : memref<512xf32, #tpu.memory_space<vmem_shared>> -> memref<32xf32, #tpu.memory_space<vmem_shared>>
      tpu.enqueue_dma source(%arg13 : memref<32xf32, #tpu.memory_space<vmem>>) target(%dma_start3A_448 : memref<32xf32, #tpu.memory_space<vmem_shared>>) target_semaphore(%run_scoped3A : memref<!tpu.dma_semaphore, #tpu.memory_space<semaphore_mem>>)
      %dma_wait3A_449 = tpu.memref_slice %arg15[%mul3A_444] : memref<512xf32, #tpu.memory_space<vmem_shared>> -> memref<32xf32, #tpu.memory_space<vmem_shared>>
      %dma_wait3A_450 = tpu.memref_slice %arg15[%mul3A_444] : memref<512xf32, #tpu.memory_space<vmem_shared>> -> memref<32xf32, #tpu.memory_space<vmem_shared>>
      tpu.wait_dma2 semaphore(%run_scoped3A : memref<!tpu.dma_semaphore, #tpu.memory_space<semaphore_mem>>) src(%arg13 : memref<32xf32, #tpu.memory_space<vmem>>) dst(%dma_wait3A_450 : memref<32xf32, #tpu.memory_space<vmem_shared>>)
      tpu.yield
    }) : () -> ()
    %barrier3A = arith.constant 0 : index
    tpu.barrier barrier_id(%barrier3A)
    %eq3A = arith.constant 0 : i32
    %eq3A_445 = arith.cmpi eq, %arg1, %eq3A : i32
    %convert_element_type3A = arith.extui %eq3A_445 : i1 to i32
    %cond3A = arith.constant 0 : i32
    %cond3A_446 = arith.cmpi ne, %convert_element_type3A, %cond3A : i32
    scf.if %cond3A_446 {
      "tpu.region"() ({
        %run_scoped3A = tpu.sem_alloc : memref<!tpu.dma_semaphore, #tpu.memory_space<semaphore_mem>>
        tpu.enqueue_dma source(%arg15 : memref<512xf32, #tpu.memory_space<vmem_shared>>) target(%arg14 : memref<512xf32, #tpu.memory_space<vmem>>) target_semaphore(%run_scoped3A : memref<!tpu.dma_semaphore, #tpu.memory_space<semaphore_mem>>)
        tpu.wait_dma2 semaphore(%run_scoped3A : memref<!tpu.dma_semaphore, #tpu.memory_space<semaphore_mem>>) src(%arg15 : memref<512xf32, #tpu.memory_space<vmem_shared>>) dst(%arg14 : memref<512xf32, #tpu.memory_space<vmem>>)
        tpu.yield
      }) : () -> ()
      %get3A = arith.constant 0 : index
      %get3A_447 = tpu.vector_load %arg14[%get3A] {strides = array<i32>} : memref<512xf32, #tpu.memory_space<vmem>>, vector<16xf32>,
      %get3A_448 = vector.shape_cast %get3A_447 : vector<16xf32> to vector<16xf32>
      %add3A_449 = arith.addf %broadcast_in_dim3A_0, %get3A_448 : vector<16xf32>
      %get3A_450 = arith.constant 16 : index
      %get3A_451 = tpu.vector_load %arg14[%get3A_450] {strides = array<i32>} : memref<512xf32, #tpu.memory_space<vmem>>, vector<16xf32>,
      %get3A_452 = vector.shape_cast %get3A_451 : vector<16xf32> to vector<16xf32>
      %add3A_453 = arith.addf %broadcast_in_dim3A_0, %get3A_452 : vector<16xf32>
      %get3A_454 = arith.constant 32 : index
      %get3A_455 = tpu.vector_load %arg14[%get3A_454] {strides = array<i32>} : memref<512xf32, #tpu.memory_space<vmem>>, vector<16xf32>,
      %get3A_456 = vector.shape_cast %get3A_455 : vector<16xf32> to vector<16xf32>
      %add3A_457 = arith.addf %add3A_449, %get3A_456 : vector<16xf32>
      %get3A_458 = arith.constant 48 : index
      %get3A_459 = tpu.vector_load %arg14[%get3A_458] {strides = array<i32>} : memref<512xf32, #tpu.memory_space<vmem>>, vector<16xf32>,
      %get3A_460 = vector.shape_cast %get3A_459 : vector<16xf32> to vector<16xf32>
      %add3A_461 = arith.addf %add3A_453, %get3A_460 : vector<16xf32>
      %get3A_462 = arith.constant 64 : index
      %get3A_463 = tpu.vector_load %arg14[%get3A_462] {strides = array<i32>} : memref<512xf32, #tpu.memory_space<vmem>>, vector<16xf32>,
      %get3A_464 = vector.shape_cast %get3A_463 : vector<16xf32> to vector<16xf32>
      %add3A_465 = arith.addf %add3A_457, %get3A_464 : vector<16xf32>
      %get3A_466 = arith.constant 80 : index
      %get3A_467 = tpu.vector_load %arg14[%get3A_466] {strides = array<i32>} : memref<512xf32, #tpu.memory_space<vmem>>, vector<16xf32>,
      %get3A_468 = vector.shape_cast %get3A_467 : vector<16xf32> to vector<16xf32>
      %add3A_469 = arith.addf %add3A_461, %get3A_468 : vector<16xf32>
      %get3A_470 = arith.constant 96 : index
      %get3A_471 = tpu.vector_load %arg14[%get3A_470] {strides = array<i32>} : memref<512xf32, #tpu.memory_space<vmem>>, vector<16xf32>,
      %get3A_472 = vector.shape_cast %get3A_471 : vector<16xf32> to vector<16xf32>
      %add3A_473 = arith.addf %add3A_465, %get3A_472 : vector<16xf32>
      %get3A_474 = arith.constant 112 : index
      %get3A_475 = tpu.vector_load %arg14[%get3A_474] {strides = array<i32>} : memref<512xf32, #tpu.memory_space<vmem>>, vector<16xf32>,
      %get3A_476 = vector.shape_cast %get3A_475 : vector<16xf32> to vector<16xf32>
      %add3A_477 = arith.addf %add3A_469, %get3A_476 : vector<16xf32>
      %get3A_478 = arith.constant 128 : index
      %get3A_479 = tpu.vector_load %arg14[%get3A_478] {strides = array<i32>} : memref<512xf32, #tpu.memory_space<vmem>>, vector<16xf32>,
      %get3A_480 = vector.shape_cast %get3A_479 : vector<16xf32> to vector<16xf32>
      %add3A_481 = arith.addf %add3A_473, %get3A_480 : vector<16xf32>
      %get3A_482 = arith.constant 144 : index
      %get3A_483 = tpu.vector_load %arg14[%get3A_482] {strides = array<i32>} : memref<512xf32, #tpu.memory_space<vmem>>, vector<16xf32>,
      %get3A_484 = vector.shape_cast %get3A_483 : vector<16xf32> to vector<16xf32>
      %add3A_485 = arith.addf %add3A_477, %get3A_484 : vector<16xf32>
      %get3A_486 = arith.constant 160 : index
      %get3A_487 = tpu.vector_load %arg14[%get3A_486] {strides = array<i32>} : memref<512xf32, #tpu.memory_space<vmem>>, vector<16xf32>,
      %get3A_488 = vector.shape_cast %get3A_487 : vector<16xf32> to vector<16xf32>
      %add3A_489 = arith.addf %add3A_481, %get3A_488 : vector<16xf32>
      %get3A_490 = arith.constant 176 : index
      %get3A_491 = tpu.vector_load %arg14[%get3A_490] {strides = array<i32>} : memref<512xf32, #tpu.memory_space<vmem>>, vector<16xf32>,
      %get3A_492 = vector.shape_cast %get3A_491 : vector<16xf32> to vector<16xf32>
      %add3A_493 = arith.addf %add3A_485, %get3A_492 : vector<16xf32>
      %get3A_494 = arith.constant 192 : index
      %get3A_495 = tpu.vector_load %arg14[%get3A_494] {strides = array<i32>} : memref<512xf32, #tpu.memory_space<vmem>>, vector<16xf32>,
      %get3A_496 = vector.shape_cast %get3A_495 : vector<16xf32> to vector<16xf32>
      %add3A_497 = arith.addf %add3A_489, %get3A_496 : vector<16xf32>
      %get3A_498 = arith.constant 208 : index
      %get3A_499 = tpu.vector_load %arg14[%get3A_498] {strides = array<i32>} : memref<512xf32, #tpu.memory_space<vmem>>, vector<16xf32>,
      %get3A_500 = vector.shape_cast %get3A_499 : vector<16xf32> to vector<16xf32>
      %add3A_501 = arith.addf %add3A_493, %get3A_500 : vector<16xf32>
      %get3A_502 = arith.constant 224 : index
      %get3A_503 = tpu.vector_load %arg14[%get3A_502] {strides = array<i32>} : memref<512xf32, #tpu.memory_space<vmem>>, vector<16xf32>,
      %get3A_504 = vector.shape_cast %get3A_503 : vector<16xf32> to vector<16xf32>
      %add3A_505 = arith.addf %add3A_497, %get3A_504 : vector<16xf32>
      %get3A_506 = arith.constant 240 : index
      %get3A_507 = tpu.vector_load %arg14[%get3A_506] {strides = array<i32>} : memref<512xf32, #tpu.memory_space<vmem>>, vector<16xf32>,
      %get3A_508 = vector.shape_cast %get3A_507 : vector<16xf32> to vector<16xf32>
      %add3A_509 = arith.addf %add3A_501, %get3A_508 : vector<16xf32>
      %get3A_510 = arith.constant 256 : index
      %get3A_511 = tpu.vector_load %arg14[%get3A_510] {strides = array<i32>} : memref<512xf32, #tpu.memory_space<vmem>>, vector<16xf32>,
      %get3A_512 = vector.shape_cast %get3A_511 : vector<16xf32> to vector<16xf32>
      %add3A_513 = arith.addf %add3A_505, %get3A_512 : vector<16xf32>
      %get3A_514 = arith.constant 272 : index
      %get3A_515 = tpu.vector_load %arg14[%get3A_514] {strides = array<i32>} : memref<512xf32, #tpu.memory_space<vmem>>, vector<16xf32>,
      %get3A_516 = vector.shape_cast %get3A_515 : vector<16xf32> to vector<16xf32>
      %add3A_517 = arith.addf %add3A_509, %get3A_516 : vector<16xf32>
      %get3A_518 = arith.constant 288 : index
      %get3A_519 = tpu.vector_load %arg14[%get3A_518] {strides = array<i32>} : memref<512xf32, #tpu.memory_space<vmem>>, vector<16xf32>,
      %get3A_520 = vector.shape_cast %get3A_519 : vector<16xf32> to vector<16xf32>
      %add3A_521 = arith.addf %add3A_513, %get3A_520 : vector<16xf32>
      %get3A_522 = arith.constant 304 : index
      %get3A_523 = tpu.vector_load %arg14[%get3A_522] {strides = array<i32>} : memref<512xf32, #tpu.memory_space<vmem>>, vector<16xf32>,
      %get3A_524 = vector.shape_cast %get3A_523 : vector<16xf32> to vector<16xf32>
      %add3A_525 = arith.addf %add3A_517, %get3A_524 : vector<16xf32>
      %get3A_526 = arith.constant 320 : index
      %get3A_527 = tpu.vector_load %arg14[%get3A_526] {strides = array<i32>} : memref<512xf32, #tpu.memory_space<vmem>>, vector<16xf32>,
      %get3A_528 = vector.shape_cast %get3A_527 : vector<16xf32> to vector<16xf32>
      %add3A_529 = arith.addf %add3A_521, %get3A_528 : vector<16xf32>
      %get3A_530 = arith.constant 336 : index
      %get3A_531 = tpu.vector_load %arg14[%get3A_530] {strides = array<i32>} : memref<512xf32, #tpu.memory_space<vmem>>, vector<16xf32>,
      %get3A_532 = vector.shape_cast %get3A_531 : vector<16xf32> to vector<16xf32>
      %add3A_533 = arith.addf %add3A_525, %get3A_532 : vector<16xf32>
      %get3A_534 = arith.constant 352 : index
      %get3A_535 = tpu.vector_load %arg14[%get3A_534] {strides = array<i32>} : memref<512xf32, #tpu.memory_space<vmem>>, vector<16xf32>,
      %get3A_536 = vector.shape_cast %get3A_535 : vector<16xf32> to vector<16xf32>
      %add3A_537 = arith.addf %add3A_529, %get3A_536 : vector<16xf32>
      %get3A_538 = arith.constant 368 : index
      %get3A_539 = tpu.vector_load %arg14[%get3A_538] {strides = array<i32>} : memref<512xf32, #tpu.memory_space<vmem>>, vector<16xf32>,
      %get3A_540 = vector.shape_cast %get3A_539 : vector<16xf32> to vector<16xf32>
      %add3A_541 = arith.addf %add3A_533, %get3A_540 : vector<16xf32>
      %get3A_542 = arith.constant 384 : index
      %get3A_543 = tpu.vector_load %arg14[%get3A_542] {strides = array<i32>} : memref<512xf32, #tpu.memory_space<vmem>>, vector<16xf32>,
      %get3A_544 = vector.shape_cast %get3A_543 : vector<16xf32> to vector<16xf32>
      %add3A_545 = arith.addf %add3A_537, %get3A_544 : vector<16xf32>
      %get3A_546 = arith.constant 400 : index
      %get3A_547 = tpu.vector_load %arg14[%get3A_546] {strides = array<i32>} : memref<512xf32, #tpu.memory_space<vmem>>, vector<16xf32>,
      %get3A_548 = vector.shape_cast %get3A_547 : vector<16xf32> to vector<16xf32>
      %add3A_549 = arith.addf %add3A_541, %get3A_548 : vector<16xf32>
      %get3A_550 = arith.constant 416 : index
      %get3A_551 = tpu.vector_load %arg14[%get3A_550] {strides = array<i32>} : memref<512xf32, #tpu.memory_space<vmem>>, vector<16xf32>,
      %get3A_552 = vector.shape_cast %get3A_551 : vector<16xf32> to vector<16xf32>
      %add3A_553 = arith.addf %add3A_545, %get3A_552 : vector<16xf32>
      %get3A_554 = arith.constant 432 : index
      %get3A_555 = tpu.vector_load %arg14[%get3A_554] {strides = array<i32>} : memref<512xf32, #tpu.memory_space<vmem>>, vector<16xf32>,
      %get3A_556 = vector.shape_cast %get3A_555 : vector<16xf32> to vector<16xf32>
      %add3A_557 = arith.addf %add3A_549, %get3A_556 : vector<16xf32>
      %get3A_558 = arith.constant 448 : index
      %get3A_559 = tpu.vector_load %arg14[%get3A_558] {strides = array<i32>} : memref<512xf32, #tpu.memory_space<vmem>>, vector<16xf32>,
      %get3A_560 = vector.shape_cast %get3A_559 : vector<16xf32> to vector<16xf32>
      %add3A_561 = arith.addf %add3A_553, %get3A_560 : vector<16xf32>
      %get3A_562 = arith.constant 464 : index
      %get3A_563 = tpu.vector_load %arg14[%get3A_562] {strides = array<i32>} : memref<512xf32, #tpu.memory_space<vmem>>, vector<16xf32>,
      %get3A_564 = vector.shape_cast %get3A_563 : vector<16xf32> to vector<16xf32>
      %add3A_565 = arith.addf %add3A_557, %get3A_564 : vector<16xf32>
      %get3A_566 = arith.constant 480 : index
      %get3A_567 = tpu.vector_load %arg14[%get3A_566] {strides = array<i32>} : memref<512xf32, #tpu.memory_space<vmem>>, vector<16xf32>,
      %get3A_568 = vector.shape_cast %get3A_567 : vector<16xf32> to vector<16xf32>
      %add3A_569 = arith.addf %add3A_561, %get3A_568 : vector<16xf32>
      %get3A_570 = arith.constant 496 : index
      %get3A_571 = tpu.vector_load %arg14[%get3A_570] {strides = array<i32>} : memref<512xf32, #tpu.memory_space<vmem>>, vector<16xf32>,
      %get3A_572 = vector.shape_cast %get3A_571 : vector<16xf32> to vector<16xf32>
      %add3A_573 = arith.addf %add3A_565, %get3A_572 : vector<16xf32>
      %iota3A = tpu.iota {dimensions = array<i32: 0>} : vector<16xi32>
      %add3A_574 = arith.constant 8 : i32
      %add3A_575 = vector.broadcast %add3A_574 : i32 to vector<16xi32>
      %add3A_576 = arith.addi %iota3A, %add3A_575 : vector<16xi32>
      %and3A = arith.constant 15 : i32
      %and3A_577 = vector.broadcast %and3A : i32 to vector<16xi32>
      %and3A_578 = arith.andi %add3A_576, %and3A_577 : vector<16xi32>
      %lt3A = arith.constant 0 : i32
      %lt3A_579 = vector.broadcast %lt3A : i32 to vector<16xi32>
      %lt3A_580 = arith.cmpi slt, %and3A_578, %lt3A_579 : vector<16xi32>
      %add3A_581 = arith.constant 16 : i32
      %add3A_582 = vector.broadcast %add3A_581 : i32 to vector<16xi32>
      %add3A_583 = arith.addi %and3A_578, %add3A_582 : vector<16xi32>
      %select_n3A = arith.select %lt3A_580, %add3A_583, %and3A_578 : vector<16xi1>, vector<16xi32>
      %broadcast_in_dim3A_584 = vector.shape_cast %select_n3A : vector<16xi32> to vector<16x1xi32>
      %gather3A = vector.shape_cast %broadcast_in_dim3A_584 : vector<16x1xi32> to vector<16xi32>
      %gather3A_585 = tpu.dynamic_gather %add3A_569[%gather3A] in [0] : vector<16xf32>, vector<16xi32> -> vector<16xf32>
      %add3A_586 = arith.addf %add3A_569, %gather3A_585 : vector<16xf32>
      %iota3A_587 = tpu.iota {dimensions = array<i32: 0>} : vector<16xi32>
      %add3A_588 = arith.constant 4 : i32
      %add3A_589 = vector.broadcast %add3A_588 : i32 to vector<16xi32>
      %add3A_590 = arith.addi %iota3A_587, %add3A_589 : vector<16xi32>
      %and3A_591 = arith.constant 15 : i32
      %and3A_592 = vector.broadcast %and3A_591 : i32 to vector<16xi32>
      %and3A_593 = arith.andi %add3A_590, %and3A_592 : vector<16xi32>
      %lt3A_594 = arith.constant 0 : i32
      %lt3A_595 = vector.broadcast %lt3A_594 : i32 to vector<16xi32>
      %lt3A_596 = arith.cmpi slt, %and3A_593, %lt3A_595 : vector<16xi32>
      %add3A_597 = arith.constant 16 : i32
      %add3A_598 = vector.broadcast %add3A_597 : i32 to vector<16xi32>
      %add3A_599 = arith.addi %and3A_593, %add3A_598 : vector<16xi32>
      %select_n3A_600 = arith.select %lt3A_596, %add3A_599, %and3A_593 : vector<16xi1>, vector<16xi32>
      %broadcast_in_dim3A_601 = vector.shape_cast %select_n3A_600 : vector<16xi32> to vector<16x1xi32>
      %gather3A_602 = vector.shape_cast %broadcast_in_dim3A_601 : vector<16x1xi32> to vector<16xi32>
      %gather3A_603 = tpu.dynamic_gather %add3A_586[%gather3A_602] in [0] : vector<16xf32>, vector<16xi32> -> vector<16xf32>
      %add3A_604 = arith.addf %add3A_586, %gather3A_603 : vector<16xf32>
      %iota3A_605 = tpu.iota {dimensions = array<i32: 0>} : vector<16xi32>
      %add3A_606 = arith.constant 2 : i32
      %add3A_607 = vector.broadcast %add3A_606 : i32 to vector<16xi32>
      %add3A_608 = arith.addi %iota3A_605, %add3A_607 : vector<16xi32>
      %and3A_609 = arith.constant 15 : i32
      %and3A_610 = vector.broadcast %and3A_609 : i32 to vector<16xi32>
      %and3A_611 = arith.andi %add3A_608, %and3A_610 : vector<16xi32>
      %lt3A_612 = arith.constant 0 : i32
      %lt3A_613 = vector.broadcast %lt3A_612 : i32 to vector<16xi32>
      %lt3A_614 = arith.cmpi slt, %and3A_611, %lt3A_613 : vector<16xi32>
      %add3A_615 = arith.constant 16 : i32
      %add3A_616 = vector.broadcast %add3A_615 : i32 to vector<16xi32>
      %add3A_617 = arith.addi %and3A_611, %add3A_616 : vector<16xi32>
      %select_n3A_618 = arith.select %lt3A_614, %add3A_617, %and3A_611 : vector<16xi1>, vector<16xi32>
      %broadcast_in_dim3A_619 = vector.shape_cast %select_n3A_618 : vector<16xi32> to vector<16x1xi32>
      %gather3A_620 = vector.shape_cast %broadcast_in_dim3A_619 : vector<16x1xi32> to vector<16xi32>
      %gather3A_621 = tpu.dynamic_gather %add3A_604[%gather3A_620] in [0] : vector<16xf32>, vector<16xi32> -> vector<16xf32>
      %add3A_622 = arith.addf %add3A_604, %gather3A_621 : vector<16xf32>
      %iota3A_623 = tpu.iota {dimensions = array<i32: 0>} : vector<16xi32>
      %add3A_624 = arith.constant 1 : i32
      %add3A_625 = vector.broadcast %add3A_624 : i32 to vector<16xi32>
      %add3A_626 = arith.addi %iota3A_623, %add3A_625 : vector<16xi32>
      %and3A_627 = arith.constant 15 : i32
      %and3A_628 = vector.broadcast %and3A_627 : i32 to vector<16xi32>
      %and3A_629 = arith.andi %add3A_626, %and3A_628 : vector<16xi32>
      %lt3A_630 = arith.constant 0 : i32
      %lt3A_631 = vector.broadcast %lt3A_630 : i32 to vector<16xi32>
      %lt3A_632 = arith.cmpi slt, %and3A_629, %lt3A_631 : vector<16xi32>
      %add3A_633 = arith.constant 16 : i32
      %add3A_634 = vector.broadcast %add3A_633 : i32 to vector<16xi32>
      %add3A_635 = arith.addi %and3A_629, %add3A_634 : vector<16xi32>
      %select_n3A_636 = arith.select %lt3A_632, %add3A_635, %and3A_629 : vector<16xi1>, vector<16xi32>
      %broadcast_in_dim3A_637 = vector.shape_cast %select_n3A_636 : vector<16xi32> to vector<16x1xi32>
      %gather3A_638 = vector.shape_cast %broadcast_in_dim3A_637 : vector<16x1xi32> to vector<16xi32>
      %gather3A_639 = tpu.dynamic_gather %add3A_622[%gather3A_638] in [0] : vector<16xf32>, vector<16xi32> -> vector<16xf32>
      %add3A_640 = arith.addf %add3A_622, %gather3A_639 : vector<16xf32>
      %iota3A_641 = tpu.iota {dimensions = array<i32: 0>} : vector<16xi32>
      %add3A_642 = arith.constant 8 : i32
      %add3A_643 = vector.broadcast %add3A_642 : i32 to vector<16xi32>
      %add3A_644 = arith.addi %iota3A_641, %add3A_643 : vector<16xi32>
      %and3A_645 = arith.constant 15 : i32
      %and3A_646 = vector.broadcast %and3A_645 : i32 to vector<16xi32>
      %and3A_647 = arith.andi %add3A_644, %and3A_646 : vector<16xi32>
      %lt3A_648 = arith.constant 0 : i32
      %lt3A_649 = vector.broadcast %lt3A_648 : i32 to vector<16xi32>
      %lt3A_650 = arith.cmpi slt, %and3A_647, %lt3A_649 : vector<16xi32>
      %add3A_651 = arith.constant 16 : i32
      %add3A_652 = vector.broadcast %add3A_651 : i32 to vector<16xi32>
      %add3A_653 = arith.addi %and3A_647, %add3A_652 : vector<16xi32>
      %select_n3A_654 = arith.select %lt3A_650, %add3A_653, %and3A_647 : vector<16xi1>, vector<16xi32>
      %broadcast_in_dim3A_655 = vector.shape_cast %select_n3A_654 : vector<16xi32> to vector<16x1xi32>
      %gather3A_656 = vector.shape_cast %broadcast_in_dim3A_655 : vector<16x1xi32> to vector<16xi32>
      %gather3A_657 = tpu.dynamic_gather %add3A_573[%gather3A_656] in [0] : vector<16xf32>, vector<16xi32> -> vector<16xf32>
      %add3A_658 = arith.addf %add3A_573, %gather3A_657 : vector<16xf32>
      %iota3A_659 = tpu.iota {dimensions = array<i32: 0>} : vector<16xi32>
      %add3A_660 = arith.constant 4 : i32
      %add3A_661 = vector.broadcast %add3A_660 : i32 to vector<16xi32>
      %add3A_662 = arith.addi %iota3A_659, %add3A_661 : vector<16xi32>
      %and3A_663 = arith.constant 15 : i32
      %and3A_664 = vector.broadcast %and3A_663 : i32 to vector<16xi32>
      %and3A_665 = arith.andi %add3A_662, %and3A_664 : vector<16xi32>
      %lt3A_666 = arith.constant 0 : i32
      %lt3A_667 = vector.broadcast %lt3A_666 : i32 to vector<16xi32>
      %lt3A_668 = arith.cmpi slt, %and3A_665, %lt3A_667 : vector<16xi32>
      %add3A_669 = arith.constant 16 : i32
      %add3A_670 = vector.broadcast %add3A_669 : i32 to vector<16xi32>
      %add3A_671 = arith.addi %and3A_665, %add3A_670 : vector<16xi32>
      %select_n3A_672 = arith.select %lt3A_668, %add3A_671, %and3A_665 : vector<16xi1>, vector<16xi32>
      %broadcast_in_dim3A_673 = vector.shape_cast %select_n3A_672 : vector<16xi32> to vector<16x1xi32>
      %gather3A_674 = vector.shape_cast %broadcast_in_dim3A_673 : vector<16x1xi32> to vector<16xi32>
      %gather3A_675 = tpu.dynamic_gather %add3A_658[%gather3A_674] in [0] : vector<16xf32>, vector<16xi32> -> vector<16xf32>
      %add3A_676 = arith.addf %add3A_658, %gather3A_675 : vector<16xf32>
      %iota3A_677 = tpu.iota {dimensions = array<i32: 0>} : vector<16xi32>
      %add3A_678 = arith.constant 2 : i32
      %add3A_679 = vector.broadcast %add3A_678 : i32 to vector<16xi32>
      %add3A_680 = arith.addi %iota3A_677, %add3A_679 : vector<16xi32>
      %and3A_681 = arith.constant 15 : i32
      %and3A_682 = vector.broadcast %and3A_681 : i32 to vector<16xi32>
      %and3A_683 = arith.andi %add3A_680, %and3A_682 : vector<16xi32>
      %lt3A_684 = arith.constant 0 : i32
      %lt3A_685 = vector.broadcast %lt3A_684 : i32 to vector<16xi32>
      %lt3A_686 = arith.cmpi slt, %and3A_683, %lt3A_685 : vector<16xi32>
      %add3A_687 = arith.constant 16 : i32
      %add3A_688 = vector.broadcast %add3A_687 : i32 to vector<16xi32>
      %add3A_689 = arith.addi %and3A_683, %add3A_688 : vector<16xi32>
      %select_n3A_690 = arith.select %lt3A_686, %add3A_689, %and3A_683 : vector<16xi1>, vector<16xi32>
      %broadcast_in_dim3A_691 = vector.shape_cast %select_n3A_690 : vector<16xi32> to vector<16x1xi32>
      %gather3A_692 = vector.shape_cast %broadcast_in_dim3A_691 : vector<16x1xi32> to vector<16xi32>
      %gather3A_693 = tpu.dynamic_gather %add3A_676[%gather3A_692] in [0] : vector<16xf32>, vector<16xi32> -> vector<16xf32>
      %add3A_694 = arith.addf %add3A_676, %gather3A_693 : vector<16xf32>
      %iota3A_695 = tpu.iota {dimensions = array<i32: 0>} : vector<16xi32>
      %add3A_696 = arith.constant 1 : i32
      %add3A_697 = vector.broadcast %add3A_696 : i32 to vector<16xi32>
      %add3A_698 = arith.addi %iota3A_695, %add3A_697 : vector<16xi32>
      %and3A_699 = arith.constant 15 : i32
      %and3A_700 = vector.broadcast %and3A_699 : i32 to vector<16xi32>
      %and3A_701 = arith.andi %add3A_698, %and3A_700 : vector<16xi32>
      %lt3A_702 = arith.constant 0 : i32
      %lt3A_703 = vector.broadcast %lt3A_702 : i32 to vector<16xi32>
      %lt3A_704 = arith.cmpi slt, %and3A_701, %lt3A_703 : vector<16xi32>
      %add3A_705 = arith.constant 16 : i32
      %add3A_706 = vector.broadcast %add3A_705 : i32 to vector<16xi32>
      %add3A_707 = arith.addi %and3A_701, %add3A_706 : vector<16xi32>
      %select_n3A_708 = arith.select %lt3A_704, %add3A_707, %and3A_701 : vector<16xi1>, vector<16xi32>
      %broadcast_in_dim3A_709 = vector.shape_cast %select_n3A_708 : vector<16xi32> to vector<16x1xi32>
      %gather3A_710 = vector.shape_cast %broadcast_in_dim3A_709 : vector<16x1xi32> to vector<16xi32>
      %gather3A_711 = tpu.dynamic_gather %add3A_694[%gather3A_710] in [0] : vector<16xf32>, vector<16xi32> -> vector<16xf32>
      %add3A_712 = arith.addf %add3A_694, %gather3A_711 : vector<16xf32>
      %add3A_713 = arith.constant 9.99999974E-5 : f32
      %add3A_714 = vector.broadcast %add3A_713 : f32 to vector<16xf32>
      %add3A_715 = arith.addf %add3A_712, %add3A_714 : vector<16xf32>
      %div3A = arith.divf %add3A_640, %add3A_715 : vector<16xf32>
      %swap3A_716 = arith.constant 0 : index
      %swap3A_717 = tpu.vector_load %arg13[%swap3A_716] {strides = array<i32>} : memref<32xf32, #tpu.memory_space<vmem>>, vector<16xf32>,
      %swap3A_718 = vector.shape_cast %swap3A_717 : vector<16xf32> to vector<16xf32>
      %swap3A_719 = vector.shape_cast %div3A : vector<16xf32> to vector<16xf32>
      tpu.vector_store %arg13[%swap3A_716], %swap3A_719 {strides = array<i32>} : memref<32xf32, #tpu.memory_space<vmem>>, vector<16xf32>,
      "tpu.region"() ({
        %run_scoped3A = tpu.sem_alloc : memref<!tpu.dma_semaphore, #tpu.memory_space<semaphore_mem>>
        %dma_start3A_720 = arith.constant 0 : i32
        %dma_start3A_721 = tpu.memref_slice %arg13[%dma_start3A_720] : memref<32xf32, #tpu.memory_space<vmem>> -> memref<1xf32, #tpu.memory_space<vmem>>
        %dma_start3A_722 = arith.constant 0 : i32
        %dma_start3A_723 = tpu.memref_slice %arg13[%dma_start3A_722] : memref<32xf32, #tpu.memory_space<vmem>> -> memref<1xf32, #tpu.memory_space<vmem>>
        tpu.enqueue_dma source(%dma_start3A_723 : memref<1xf32, #tpu.memory_space<vmem>>) target(%arg5 : memref<1xf32, #tpu.memory_space<hbm>>) target_semaphore(%run_scoped3A : memref<!tpu.dma_semaphore, #tpu.memory_space<semaphore_mem>>)
        %dma_wait3A_724 = arith.constant 0 : i32
        %dma_wait3A_725 = tpu.memref_slice %arg13[%dma_wait3A_724] : memref<32xf32, #tpu.memory_space<vmem>> -> memref<1xf32, #tpu.memory_space<vmem>>
        %dma_wait3A_726 = arith.constant 0 : i32
        %dma_wait3A_727 = tpu.memref_slice %arg13[%dma_wait3A_726] : memref<32xf32, #tpu.memory_space<vmem>> -> memref<1xf32, #tpu.memory_space<vmem>>
        tpu.wait_dma2 semaphore(%run_scoped3A : memref<!tpu.dma_semaphore, #tpu.memory_space<semaphore_mem>>) src(%dma_wait3A_727 : memref<1xf32, #tpu.memory_space<vmem>>) dst(%arg5 : memref<1xf32, #tpu.memory_space<hbm>>)
        tpu.yield
      }) : () -> ()
    } else {
    }
    return
  }
}

</mosaic_0001>

<sc_bundles>
// kernel: kernel.3.cloned.1.call-start
scs
__scs_entry_jumppad:
0x0: {  	(pc) =	sbr.rel $0x88, $3  }
0x1: {  	(tag) =	ssettag $0x0;
	lr =	simm.s32 $0x1  }
0x2: {  	[smem:$0x3F9B] =	sst lr;
	_ =	strace $0xD0000000  }
0x3: {  	_ = 	snop  }
0x4: {  	_ = 	snop  }
0x5: {  	_ = 	snop  }
0x6: {  	_ = 	snop  }
0x7: {  	_ = 	snop  }
__scs_overlays_trampoline_lowered:
0x8: {  	[smem:$0x3FAA] =	sst s0  }
0x9: {  	[smem:$0x3FAB] =	sst s1  }
0xa: {  	[smem:$0x3FAC] =	sst s2  }
0xb: {  	[smem:$0x3FAD] =	sst s3  }
0xc: {  	[smem:$0x3FAE] =	sst s4  }
0xd: {  	[smem:$0x3FAF] =	sst s5  }
0xe: {  	[smem:$0x3FB0] =	sst s6  }
0xf: {  	[smem:$0x3FB1] =	sst s7  }
0x10: {  	[smem:$0x3FB2] =	sst s8  }
0x11: {  	[smem:$0x3FB3] =	sst s9;
	s0 =	simm.s32 @!p0 $0x0  }
0x12: {  	s1 =	sld [smem:$0x3F99];
	s0 =	simm.s32 @p0 $0x1  }
0x13: {  	[smem:$0x3FB4] =	sst s0;
	s0 =	simm.s32 @!p1 $0x0  }
0x14: {  	s2 =	sld [smem:$0x3F98];
	s0 =	simm.s32 @p1 $0x1  }
0x15: {  	[smem:$0x3FB5] =	sst s0;
	s0 =	simm.s32 @!p2 $0x0  }
0x16: {  	s3 =	sld [smem:$0x3FDB];
	s0 =	simm.s32 @p2 $0x1  }
0x17: {  	s4 =	simm.s32 $0x1BF5;
	[smem:$0x3FB7] =	sst s0  }
0x18: {  	s0 =	sld [smem:$0x3F9A];
	_ =	swait.ge [sflag:s4], $0x0  }
0x19: {  	s7 =	sld [smem:$0x3F9B]  }
0x1a: {  	s8 =	sadd.s32 $0xFFFFE003, lr  }
0x1b: {  	s9 =	sadd.s32 $0xFFFFFEF7, lr;
	s5 =	simm.s32 $0xFFFFFFFF;
	p2 =	slt.u32 s8, $0xFFFFF086  }
0x1c: {  	p1 =	slt.u32 s9, $0xF7A;
	s5 =	simm.s32 @!p2 $0x0  }
0x1d: {  	s5 =	simm.s32 @p1 $0x1;
	p0 =	seq.s32 s7, s2  }
0x1e: {  	s7 =	smul.u32 @!p0 $0xF7A, s2;
	p2 =	seq.s32 @!p0 s5, $0x0  }
0x1f: {  	s9 =	smul.u32 $0xF7A, s1;
	s8 =	simm.s32 @!p0 $0x1BF5;
	p2 =	por !p2, p0  }
0x20: {  	[sflag:s8] =	ssyncset.s32 @!p0 $0xFFFFF086;
	s6 =	sadd.s32 @!p0 s3, s7;
	s7 =	simm.s32 @!p0 $0x108  }
0x21: {  	s3 =	sadd.s32 s3, s9;
	s6 =	sadd.s32 @!p0 $0x88, s6;
	s7 =	simm.s32 @p2 $0x1082  }
0x22: {  	[simem:s7], [sflag:s8] =	dma.local @!p0 [hbm:s6], $0xF7A  }
0x23: {  	s9 =	sor.u32 $0xD0000000, s2;
	s6 =	simm.s32 $0x108;
	_ =	swait.ge @!p0 [sflag:s8], $0x0  }
0x24: {  	s3 =	sadd.s32 $0x88, s3;
	s6 =	simm.s32 @!p1 $0x1082;
	[sflag:s4] =	ssyncset.s32 $0xFFFFF086  }
0x25: {  	[simem:s6], [sflag:s4] =	dma.local [hbm:s3], $0xF7A  }
0x26: {  	[smem:$0x3F9B] =	sst s1;
	(tag) =	ssettag s2;
	_ =	strace s9  }
0x27: {  	s1 =	sld [smem:$0x3FAB]  }
0x28: {  	s2 =	sld [smem:$0x3FAC]  }
0x29: {  	s4 =	sld [smem:$0x3FAE]  }
0x2a: {  	p0 =	seq.s32 s5, $0x0;
	s5 =	sld [smem:$0x3FAF]  }
0x2b: {  	s6 =	sld [smem:$0x3FB0]  }
0x2c: {  	s7 =	sld [smem:$0x3FB1]  }
0x2d: {  	s3 =	simm.s32 $0x108;
	s8 =	sld [smem:$0x3FB2]  }
0x2e: {  	s3 =	simm.s32 @!p0 $0x1082;
	s9 =	sld [smem:$0x3FB3]  }
0x2f: {  	lr =	sadd.s32 s0, s3;
	s0 =	sld [smem:$0x3FAA]  }
0x30: {  	s3 =	sld [smem:$0x3FAD]  }
0x31: {  	[smem:$0x3FB6] =	sst s10  }
0x32: {  	s10 =	sld [smem:$0x3FB4];
	_ =	sdelay $0x3  }
0x33: {  	p0 =	seq.s32 s10, $0x1;
	s10 =	sld [smem:$0x3FB6];
	_ =	sdelay $0x3  }
0x34: {  	[smem:$0x3FB6] =	sst s10  }
0x35: {  	s10 =	sld [smem:$0x3FB5];
	_ =	sdelay $0x3  }
0x36: {  	p1 =	seq.s32 s10, $0x1;
	s10 =	sld [smem:$0x3FB6];
	_ =	sdelay $0x3  }
0x37: {  	[smem:$0x3FB6] =	sst s10  }
0x38: {  	s10 =	sld [smem:$0x3FB7]  }
0x39: {  	_ = 	snop;
	(pc) =	sbr.ind lr, $3  }
0x3a: {  	_ = 	snop  }
0x3b: {  	_ = 	snop  }
0x3c: {  	p2 =	seq.s32 s10, $0x1;
	s10 =	sld [smem:$0x3FB6]  }
0x3d: {  	_ =	shalt  }
0x3e: {  	_ =	shalt  }
0x3f: {  	_ =	shalt  }
0x40: {  	_ =	shalt  }
0x41: {  	_ =	shalt  }
0x42: {  	_ =	shalt  }
0x43: {  	_ =	shalt  }
0x44: {  	_ =	shalt  }
0x45: {  	_ =	shalt  }
0x46: {  	_ =	shalt  }
0x47: {  	_ =	shalt  }
0x48: {  	_ =	shalt  }
0x49: {  	_ =	shalt  }
0x4a: {  	_ =	shalt  }
0x4b: {  	_ =	shalt  }
0x4c: {  	_ =	shalt  }
0x4d: {  	_ =	shalt  }
0x4e: {  	_ =	shalt  }
0x4f: {  	_ =	shalt  }
0x50: {  	_ =	shalt  }
0x51: {  	_ =	shalt  }
0x52: {  	_ =	shalt  }
0x53: {  	_ =	shalt  }
0x54: {  	_ =	shalt  }
0x55: {  	_ =	shalt  }
0x56: {  	_ =	shalt  }
0x57: {  	_ =	shalt  }
0x58: {  	_ =	shalt  }
0x59: {  	_ =	shalt  }
0x5a: {  	_ =	shalt  }
0x5b: {  	_ =	shalt  }
0x5c: {  	_ =	shalt  }
0x5d: {  	_ =	shalt  }
0x5e: {  	_ =	shalt  }
0x5f: {  	_ =	shalt  }
0x60: {  	_ =	shalt  }
0x61: {  	_ =	shalt  }
0x62: {  	_ =	shalt  }
0x63: {  	_ =	shalt  }
0x64: {  	_ =	shalt  }
0x65: {  	_ =	shalt  }
0x66: {  	_ =	shalt  }
0x67: {  	_ =	shalt  }
0x68: {  	_ =	shalt  }
0x69: {  	_ =	shalt  }
0x6a: {  	_ =	shalt  }
0x6b: {  	_ =	shalt  }
0x6c: {  	_ =	shalt  }
0x6d: {  	_ =	shalt  }
0x6e: {  	_ =	shalt  }
0x6f: {  	_ =	shalt  }
0x70: {  	_ =	shalt  }
0x71: {  	_ =	shalt  }
0x72: {  	_ =	shalt  }
0x73: {  	_ =	shalt  }
0x74: {  	_ =	shalt  }
0x75: {  	_ =	shalt  }
0x76: {  	_ =	shalt  }
0x77: {  	_ =	shalt  }
0x78: {  	_ =	shalt  }
0x79: {  	_ =	shalt  }
0x7a: {  	_ =	shalt  }
0x7b: {  	_ =	shalt  }
0x7c: {  	_ =	shalt  }
0x7d: {  	_ =	shalt  }
0x7e: {  	_ =	shalt  }
0x7f: {  	_ =	shalt  }
0x80: {  	_ =	shalt  }
0x81: {  	_ =	shalt  }
0x82: {  	_ =	shalt  }
0x83: {  	_ =	shalt  }
0x84: {  	_ =	shalt  }
0x85: {  	_ =	shalt  }
0x86: {  	_ =	shalt  }
0x87: {  	_ =	shalt  }
.Lfunc_end0:
.L_simem_size_0:
called_computation_lowered:
.L_overlay_start_0:
0x88: {  	s0 =	sld [smem:$0x3FD9]  }
0x89: {  	s1 =	sld [smem:$0x3FFE];
	_ =	sdelay $0x3  }
0x8a: {  	s0 =	sadd.s32 s1, s0  }
0x8b: {  	[smem:$0x3FC2] =	sst s0  }
0x8c: {  	_ = 	snop  }
0x8d: {  	s0 =	sld [smem:$0x3FC9]  }
0x8e: {  	s16 =	sld [smem:$0x3FC8]  }
0x8f: {  	s2 =	sld [smem:$0x3FD0];
	(tm) =	ssettm $0x1  }
0x90: {  	s3 =	sld [smem:$0x3FFB];
	_ =	sdelay $0x3  }
0x91: {  	_ =	strace s3  }
0x92: {  	s3 =	sld [smem:$0x3FFC];
	_ =	sdelay $0x3  }
0x93: {  	_ =	strace s3  }
0x94: {  	s3 =	sld [smem:$0x3FFD];
	_ =	sdelay $0x3  }
0x95: {  	_ =	strace s3  }
0x96: {  	_ =	strace $0x8FFFFFFF  }
0x97: {  	s17 =	sld [smem:$0x3FDB];
	_ =	sdelay $0x1  }
0x98: {  	s4 =	simm.s32 $_scs_section_size  }
0x99: {  	s5 =	simm.s32 $_size__tile_overlayer_lowered;
	s6 =	simm.s32 $_tile_overlayer_lowered  }
0x9a: {  	s20 =	simm.s32 $0x1BFF;
	s19 =	sshll.u32 s6, $0x1;
	s3 =	sadd.s32 s4, s17  }
0x9b: {  	s7 =	simm.s32 $0x0;
	s18 =	sshll.u32 s5, $0x1;
	s5 =	sadd.s32 s19, s3  }
0x9c: {  	[timem:s7], [sflag:s20] =	dma.local [hbm:s5], s18  }
0x9d: {  	_ =	swait.ge [sflag:s20], s18  }
0x9e: {  	s4 =	ssub.s32 $0x0, s18;
	[sflag:s20] =	ssyncset.done $0x0  }
0x9f: {  	[sflag:s20] =	ssyncadd.s32 s4;
	_ =	sdelay $0x1  }
0xa0: {  	s21 =	simm.s32 $0x1B8B  }
0xa1: {  	_ =	swait.ge [sflag:s21], $0x1  }
0xa2: {  	[sflag:s21] =	ssyncset.done $0x0  }
0xa3: {  	s23 =	simm.s32 $0x1B8E;
	s22 =	sld [smem:$0x3FFE];
	[sflag:s21] =	ssyncadd.s32 $0xFFFFFFFF  }
0xa4: {  	s24 =	simm.s32 $execute0_lowered;
	[smem:$0x3FD2] =	sst s23  }
0xa5: {  	s5 =	sshll.u32 s24, $0x1;
	_ =	strace $0x80000046;
	[dreg:$0x1] =	wrdreg $0xFFFFFFFF  }
0xa6: {  	s25 =	simm.s32 $_size_execute0_lowered;
	s3 =	sadd.s32 s3, s5;
	[dreg:$0x0] =	wrdreg $0x0  }
0xa7: {  	s5 =	sshll.u32 s25, $0x1;
	[dreg:$0x2] =	wrdreg s3  }
0xa8: {  	[dreg:$0x3] =	wrdreg s5  }
0xa9: {  	[dreg:$0x4] =	wrdreg $0xC0  }
0xaa: {  	_ =	task [dreg:s7], $0x5FFFF  }
0xab: {  	[dreg:$0x1] =	wrdreg $0xFFFFFFFF  }
0xac: {  	[dreg:$0x0] =	wrdreg $0x60  }
0xad: {  	[dreg:$0x2] =	wrdreg s0  }
0xae: {  	[dreg:$0x3] =	wrdreg s16  }
0xaf: {  	[dreg:$0x4] =	wrdreg s22  }
0xb0: {  	[dreg:$0x5] =	wrdreg s2  }
0xb1: {  	[dreg:$0x6] =	wrdreg $0x32800  }
0xb2: {  	[dreg:$0x7] =	wrdreg $0x9  }
0xb3: {  	_ =	task.clear_ibuf [dreg:s7], $0x8FFFF;
	_ =	strace $0x90000046  }
0xb4: {  	s26 =	simm.s32 $0x9;
	_ =	strace $0x80000048  }
0xb5: {  	_ =	swait.ge [sflag:s26], $0x1  }
0xb6: {  	[sflag:s26] =	ssyncadd.s32 $0xFFFFFFFF  }
0xb7: {  	_ =	strace $0x90000048  }
0xb8: {  	_ =	sfence  }
0xb9: {  	s28 =	sld [smem:$0x0];
	_ =	sdelay $0x1  }
0xba: {  	s29 =	srdreg.scid  }
0xbb: {  	s30 =	sshll.u32 s29, $0xD;
	s31 =	sshrl.u32 s29, $0x2  }
0xbc: {  	s1 =	sand.u32 $0x1, s29;
	s2 =	sand.u32 $0x4000, s30;
	s0 =	sadd.s32 s31, s28  }
0xbd: {  	s1 =	sor.u32 s2, s1;
	s0 =	sshll.u32 s0, $0x11  }
0xbe: {  	s0 =	sor.u32 s0, s1  }
0xbf: {  	s0 =	sadd.s32 $0x8F2B, s0  }
0xc0: {  	[sflag:s0] =	ssyncadd.remote.s32 $0x1  }
0xc1: {  	_ =	sfence.sel $0xFFFF  }
0xc2: {  	[dreg:$0x0] =	wrdreg $0xFFFFFFFF;
	(pc) =	sbr.abs _section_cstart, $3  }
0xc3: {  	[dreg:$0x1] =	wrdreg $0xFFFFFFFF  }
0xc4: {  	_ =	task.clear_ibuf [dreg:s7], $0x2FFFF;
	_ =	strace $0x9FFFFFFF  }
0xc5: {  	(tm) =	ssettm $0x7FFFFFFF  }
tec
execute0_lowered:
.L_overlay_start_1:
0x0: {  	(tag) =	ssettag $0x1  }
0x1: {  	s7 =	rddreg [dreg:$0x0]  }
0x2: {  	s6 =	rddreg [dreg:$0x1]  }
0x3: {  	s8 =	rddreg [dreg:$0x2];
	s3 =	stileid.u32  }
0x4: {  	s1 =	rddreg [dreg:$0x3];
	s0 =	sshrl.u32 s3, $0x3  }
0x5: {  	s2 =	rddreg [dreg:$0x4];
	s4 =	sshll.u32 s3, $0x7;
	s9 =	smul.u32 $0xC000, s0  }
0x6: {  	s5 =	simm.s32 $0x0;
	s12 =	simm.s32 $0x400;
	s10 =	sand.u32 $0x380, s4  }
0x7: {  	s16 =	simm.s32 $0x3;
	[smem:$0x7FF] =	sst s5;
	s9 =	sor.u32 s10, s9  }
0x8: {  	s14 =	sadd.s32 $0x800, s8;
	s8 =	simm.s32 $0x80;
	s15 =	sshrl.u32 s9, $0x3  }
0x9: {  	s0 =	rddreg [dreg:$0x5];
	_ =	strace $0x80000047;
	s11 =	sadd.s32 s14, s15  }
0xa: {  	[tilespmem:s5], [sflag:$0x3] =	stream.strided.gather [hbm4b:s11+s8], $0x800, s12, s8, $0x38;
	[tilespmem:$0x32A0] =	vst v63  }
0xb: {  	s9 =	sadd.s32 $0x4000, s9;
	_ =	swait.ge [sflag:s16], $0x800  }
0xc: {  	s9 =	sshrl.u32 s9, $0x3;
	[sflag:s16] =	ssyncset.done $0x0  }
0xd: {  	s17 =	simm.s32 $0x800;
	s9 =	sadd.s32 s14, s9;
	[sflag:s16] =	ssyncadd.s32 $0xFFFFF800  }
0xe: {  	[tilespmem:s17], [sflag:$0x1] =	stream.strided.gather [hbm4b:s9+s8], $0x1000, s12, s8, $0x38;
	[tilespmem:$0x32A0] =	vst v63  }
0xf: {  	v0 =	vld [tilespmem:$0x0];
	_ =	sdelay $0x1  }
0x10: {  	v1 =	vld [tilespmem:$0x10];
	_ =	sdelay $0x1  }
0x11: {  	v2 =	vld [tilespmem:$0x20]  }
0x12: {  	v0 =	vtrunc.f32 v0  }
0x13: {  	s9 =	sshll.u32 s3, $0x10;
	v4 =	vld [tilespmem:$0x30];
	v3 =	vcvt.f32.s32 v0  }
0x14: {  	v1 =	vtrunc.f32 v1;
	v0 =	vmov s9  }
0x15: {  	v6 =	vld [tilespmem:$0x40];
	v1 =	vcvt.f32.s32 v1;
	v0 =	vor.u32 $0x4000, v0;
	v5 =	vadd.s32 s9, v3  }
0x16: {  	v2 =	vtrunc.f32 v2;
	v3 =	vadd.s32 v3, v0;
	[tilespmem:$0x1800] =	vst v5  }
0x17: {  	v2 =	vcvt.f32.s32 v2;
	[tilespmem:$0x1C00] =	vst v3;
	v3 =	vadd.s32 s9, v1;
	v5 =	vld [tilespmem:$0x50]  }
0x18: {  	v1 =	vadd.s32 v1, v0;
	[tilespmem:$0x1810] =	vst v3;
	v3 =	vtrunc.f32 v4  }
0x19: {  	[tilespmem:$0x1C10] =	vst v1;
	v1 =	vadd.s32 s9, v2;
	v4 =	vld [tilespmem:$0x60];
	v3 =	vcvt.f32.s32 v3  }
0x1a: {  	[tilespmem:$0x1820] =	vst v1;
	v1 =	vadd.s32 v2, v0;
	v2 =	vtrunc.f32 v6  }
0x1b: {  	v6 =	vld [tilespmem:$0x70];
	[tilespmem:$0x1C20] =	vst v1;
	v2 =	vcvt.f32.s32 v2;
	v1 =	vadd.s32 s9, v3  }
0x1c: {  	[tilespmem:$0x1830] =	vst v1;
	v1 =	vadd.s32 v3, v0;
	v3 =	vtrunc.f32 v5  }
0x1d: {  	v5 =	vld [tilespmem:$0x80];
	[tilespmem:$0x1C30] =	vst v1;
	v1 =	vadd.s32 s9, v2;
	v3 =	vcvt.f32.s32 v3  }
0x1e: {  	[tilespmem:$0x1840] =	vst v1;
	v1 =	vadd.s32 v2, v0;
	v2 =	vtrunc.f32 v4  }
0x1f: {  	v4 =	vld [tilespmem:$0x90];
	[tilespmem:$0x1C40] =	vst v1;
	v1 =	vadd.s32 s9, v3;
	v2 =	vcvt.f32.s32 v2  }
0x20: {  	[tilespmem:$0x1850] =	vst v1;
	v1 =	vadd.s32 v3, v0;
	v3 =	vtrunc.f32 v6  }
0x21: {  	v6 =	vld [tilespmem:$0xA0];
	[tilespmem:$0x1C50] =	vst v1;
	v1 =	vadd.s32 s9, v2;
	v3 =	vcvt.f32.s32 v3  }
0x22: {  	[tilespmem:$0x1860] =	vst v1;
	v1 =	vadd.s32 v2, v0;
	v2 =	vtrunc.f32 v5  }
0x23: {  	v5 =	vld [tilespmem:$0xB0];
	[tilespmem:$0x1C60] =	vst v1;
	v1 =	vadd.s32 s9, v3;
	v2 =	vcvt.f32.s32 v2  }
0x24: {  	[tilespmem:$0x1870] =	vst v1;
	v1 =	vadd.s32 v3, v0;
	v3 =	vtrunc.f32 v4  }
0x25: {  	v4 =	vld [tilespmem:$0xC0];
	[tilespmem:$0x1C70] =	vst v1;
	v1 =	vadd.s32 s9, v2;
	v3 =	vcvt.f32.s32 v3  }
0x26: {  	[tilespmem:$0x1880] =	vst v1;
	v1 =	vadd.s32 v2, v0;
	v2 =	vtrunc.f32 v6  }
0x27: {  	v6 =	vld [tilespmem:$0xD0];
	[tilespmem:$0x1C80] =	vst v1;
	v1 =	vadd.s32 s9, v3;
	v2 =	vcvt.f32.s32 v2  }
0x28: {  	[tilespmem:$0x1890] =	vst v1;
	v1 =	vadd.s32 v3, v0;
	v3 =	vtrunc.f32 v5  }
0x29: {  	v5 =	vld [tilespmem:$0xE0];
	[tilespmem:$0x1C90] =	vst v1;
	v1 =	vadd.s32 s9, v2;
	v3 =	vcvt.f32.s32 v3  }
0x2a: {  	[tilespmem:$0x18A0] =	vst v1;
	v1 =	vadd.s32 v2, v0;
	v2 =	vtrunc.f32 v4  }
0x2b: {  	v4 =	vld [tilespmem:$0xF0];
	[tilespmem:$0x1CA0] =	vst v1;
	v1 =	vadd.s32 s9, v3;
	v2 =	vcvt.f32.s32 v2  }
0x2c: {  	[tilespmem:$0x18B0] =	vst v1;
	v1 =	vadd.s32 v3, v0;
	v3 =	vtrunc.f32 v6  }
0x2d: {  	v6 =	vld [tilespmem:$0x100];
	[tilespmem:$0x1CB0] =	vst v1;
	v1 =	vadd.s32 s9, v2;
	v3 =	vcvt.f32.s32 v3  }
0x2e: {  	[tilespmem:$0x18C0] =	vst v1;
	v1 =	vadd.s32 v2, v0;
	v2 =	vtrunc.f32 v5  }
0x2f: {  	v5 =	vld [tilespmem:$0x110];
	[tilespmem:$0x1CC0] =	vst v1;
	v1 =	vadd.s32 s9, v3;
	v2 =	vcvt.f32.s32 v2  }
0x30: {  	[tilespmem:$0x18D0] =	vst v1;
	v1 =	vadd.s32 v3, v0;
	v3 =	vtrunc.f32 v4  }
0x31: {  	v4 =	vld [tilespmem:$0x120];
	[tilespmem:$0x1CD0] =	vst v1;
	v1 =	vadd.s32 s9, v2;
	v3 =	vcvt.f32.s32 v3  }
0x32: {  	[tilespmem:$0x18E0] =	vst v1;
	v1 =	vadd.s32 v2, v0;
	v2 =	vtrunc.f32 v6  }
0x33: {  	v6 =	vld [tilespmem:$0x130];
	[tilespmem:$0x1CE0] =	vst v1;
	v1 =	vadd.s32 s9, v3;
	v2 =	vcvt.f32.s32 v2  }
0x34: {  	[tilespmem:$0x18F0] =	vst v1;
	v1 =	vadd.s32 v3, v0;
	v3 =	vtrunc.f32 v5  }
0x35: {  	v5 =	vld [tilespmem:$0x140];
	[tilespmem:$0x1CF0] =	vst v1;
	v1 =	vadd.s32 s9, v2;
	v3 =	vcvt.f32.s32 v3  }
0x36: {  	[tilespmem:$0x1900] =	vst v1;
	v1 =	vadd.s32 v2, v0;
	v2 =	vtrunc.f32 v4  }
0x37: {  	v4 =	vld [tilespmem:$0x150];
	[tilespmem:$0x1D00] =	vst v1;
	v1 =	vadd.s32 s9, v3;
	v2 =	vcvt.f32.s32 v2  }
0x38: {  	[tilespmem:$0x1910] =	vst v1;
	v1 =	vadd.s32 v3, v0;
	v3 =	vtrunc.f32 v6  }
0x39: {  	v6 =	vld [tilespmem:$0x160];
	[tilespmem:$0x1D10] =	vst v1;
	v1 =	vadd.s32 s9, v2;
	v3 =	vcvt.f32.s32 v3  }
0x3a: {  	[tilespmem:$0x1920] =	vst v1;
	v1 =	vadd.s32 v2, v0;
	v2 =	vtrunc.f32 v5  }
0x3b: {  	v5 =	vld [tilespmem:$0x170];
	[tilespmem:$0x1D20] =	vst v1;
	v1 =	vadd.s32 s9, v3;
	v2 =	vcvt.f32.s32 v2  }
0x3c: {  	[tilespmem:$0x1930] =	vst v1;
	v1 =	vadd.s32 v3, v0;
	v3 =	vtrunc.f32 v4  }
0x3d: {  	v4 =	vld [tilespmem:$0x180];
	[tilespmem:$0x1D30] =	vst v1;
	v1 =	vadd.s32 s9, v2;
	v3 =	vcvt.f32.s32 v3  }
0x3e: {  	[tilespmem:$0x1940] =	vst v1;
	v1 =	vadd.s32 v2, v0;
	v2 =	vtrunc.f32 v6  }
0x3f: {  	v6 =	vld [tilespmem:$0x190];
	[tilespmem:$0x1D40] =	vst v1;
	v1 =	vadd.s32 s9, v3;
	v2 =	vcvt.f32.s32 v2  }
0x40: {  	[tilespmem:$0x1950] =	vst v1;
	v1 =	vadd.s32 v3, v0;
	v3 =	vtrunc.f32 v5  }
0x41: {  	v5 =	vld [tilespmem:$0x1A0];
	[tilespmem:$0x1D50] =	vst v1;
	v1 =	vadd.s32 s9, v2;
	v3 =	vcvt.f32.s32 v3  }
0x42: {  	[tilespmem:$0x1960] =	vst v1;
	v1 =	vadd.s32 v2, v0;
	v2 =	vtrunc.f32 v4  }
0x43: {  	v4 =	vld [tilespmem:$0x1B0];
	[tilespmem:$0x1D60] =	vst v1;
	v1 =	vadd.s32 s9, v3;
	v2 =	vcvt.f32.s32 v2  }
0x44: {  	[tilespmem:$0x1970] =	vst v1;
	v1 =	vadd.s32 v3, v0;
	v3 =	vtrunc.f32 v6  }
0x45: {  	v6 =	vld [tilespmem:$0x1C0];
	[tilespmem:$0x1D70] =	vst v1;
	v1 =	vadd.s32 s9, v2;
	v3 =	vcvt.f32.s32 v3  }
0x46: {  	[tilespmem:$0x1980] =	vst v1;
	v1 =	vadd.s32 v2, v0;
	v2 =	vtrunc.f32 v5  }
0x47: {  	v5 =	vld [tilespmem:$0x1D0];
	[tilespmem:$0x1D80] =	vst v1;
	v1 =	vadd.s32 s9, v3;
	v2 =	vcvt.f32.s32 v2  }
0x48: {  	[tilespmem:$0x1990] =	vst v1;
	v1 =	vadd.s32 v3, v0;
	v3 =	vtrunc.f32 v4  }
0x49: {  	v4 =	vld [tilespmem:$0x1E0];
	[tilespmem:$0x1D90] =	vst v1;
	v1 =	vadd.s32 s9, v2;
	v3 =	vcvt.f32.s32 v3  }
0x4a: {  	[tilespmem:$0x19A0] =	vst v1;
	v1 =	vadd.s32 v2, v0;
	v2 =	vtrunc.f32 v6  }
0x4b: {  	v6 =	vld [tilespmem:$0x1F0];
	[tilespmem:$0x1DA0] =	vst v1;
	v1 =	vadd.s32 s9, v3;
	v2 =	vcvt.f32.s32 v2  }
0x4c: {  	[tilespmem:$0x19B0] =	vst v1;
	v1 =	vadd.s32 v3, v0;
	v3 =	vtrunc.f32 v5  }
0x4d: {  	[tilespmem:$0x1DB0] =	vst v1;
	v1 =	vadd.s32 s9, v2;
	v3 =	vcvt.f32.s32 v3  }
0x4e: {  	[tilespmem:$0x19C0] =	vst v1;
	v1 =	vadd.s32 v2, v0;
	v2 =	vtrunc.f32 v4  }
0x4f: {  	[tilespmem:$0x1DC0] =	vst v1;
	v1 =	vadd.s32 s9, v3;
	v2 =	vcvt.f32.s32 v2  }
0x50: {  	[tilespmem:$0x19D0] =	vst v1;
	v1 =	vadd.s32 v3, v0;
	v3 =	vtrunc.f32 v6  }
0x51: {  	[tilespmem:$0x1DD0] =	vst v1;
	v1 =	vadd.s32 s9, v2;
	v3 =	vcvt.f32.s32 v3  }
0x52: {  	[tilespmem:$0x19E0] =	vst v1;
	v1 =	vadd.s32 v2, v0  }
0x53: {  	[tilespmem:$0x1DE0] =	vst v1;
	v1 =	vadd.s32 s9, v3  }
0x54: {  	v0 =	vadd.s32 v3, v0;
	[tilespmem:$0x19F0] =	vst v1  }
0x55: {  	s18 =	simm.s32 $0x1800;
	s19 =	simm.s32 $0x2000;
	[tilespmem:$0x1DF0] =	vst v0  }
0x56: {  	[tilespmem:s19], [sflag:$0x1] =	stream.indirect.gather [hbm4b:s7+s8], $0x1, s18, s8, $0xb8;
	[tilespmem:$0x32A0] =	vst v63  }
0x57: {  	s20 =	simm.s32 $0x1C00;
	s21 =	simm.s32 $0x2400  }
0x58: {  	[tilespmem:s21], [sflag:$0x1] =	stream.indirect.gather [hbm4b:s7+s8], $0x1, s20, s8, $0xb8;
	[tilespmem:$0x32A0] =	vst v63  }
0x59: {  	s22 =	simm.s32 $0x2800  }
0x5a: {  	[tilespmem:s22], [sflag:$0x1] =	stream.indirect.gather [hbm4b:s6+s8], $0x1, s18, s8, $0xb8;
	[tilespmem:$0x32A0] =	vst v63  }
0x5b: {  	s23 =	simm.s32 $0x2C00  }
0x5c: {  	[tilespmem:s23], [sflag:$0x1] =	stream.indirect.gather [hbm4b:s6+s8], $0x1, s20, s8, $0xb8;
	[tilespmem:$0x32A0] =	vst v63  }
0x5d: {  	s24 =	simm.s32 $0x1880;
	s25 =	simm.s32 $0x2080  }
0x5e: {  	[tilespmem:s25], [sflag:$0x1] =	stream.indirect.gather [hbm4b:s7+s8], $0x1, s24, s8, $0xb8;
	[tilespmem:$0x32A0] =	vst v63  }
0x5f: {  	s26 =	simm.s32 $0x1C80;
	s28 =	simm.s32 $0x2480  }
0x60: {  	[tilespmem:s28], [sflag:$0x1] =	stream.indirect.gather [hbm4b:s7+s8], $0x1, s26, s8, $0xb8;
	[tilespmem:$0x32A0] =	vst v63  }
0x61: {  	s29 =	simm.s32 $0x2880  }
0x62: {  	[tilespmem:s29], [sflag:$0x1] =	stream.indirect.gather [hbm4b:s6+s8], $0x1, s24, s8, $0xb8;
	[tilespmem:$0x32A0] =	vst v63  }
0x63: {  	s30 =	simm.s32 $0x2C80  }
0x64: {  	[tilespmem:s30], [sflag:$0x1] =	stream.indirect.gather [hbm4b:s6+s8], $0x1, s26, s8, $0xb8;
	[tilespmem:$0x32A0] =	vst v63  }
0x65: {  	s31 =	simm.s32 $0x1900;
	s13 =	simm.s32 $0x2100  }
0x66: {  	[tilespmem:s13], [sflag:$0x1] =	stream.indirect.gather [hbm4b:s7+s8], $0x1, s31, s8, $0xb8;
	[tilespmem:$0x32A0] =	vst v63  }
0x67: {  	s15 =	simm.s32 $0x2500;
	s14 =	simm.s32 $0x1D00  }
0x68: {  	[tilespmem:s15], [sflag:$0x1] =	stream.indirect.gather [hbm4b:s7+s8], $0x1, s14, s8, $0xb8;
	[tilespmem:$0x32A0] =	vst v63  }
0x69: {  	s16 =	simm.s32 $0x2900  }
0x6a: {  	[tilespmem:s16], [sflag:$0x1] =	stream.indirect.gather [hbm4b:s6+s8], $0x1, s31, s8, $0xb8;
	[tilespmem:$0x32A0] =	vst v63  }
0x6b: {  	s17 =	simm.s32 $0x2D00  }
0x6c: {  	[tilespmem:s17], [sflag:$0x1] =	stream.indirect.gather [hbm4b:s6+s8], $0x1, s14, s8, $0xb8;
	[tilespmem:$0x32A0] =	vst v63  }
0x6d: {  	s19 =	simm.s32 $0x2180;
	s18 =	simm.s32 $0x1980  }
0x6e: {  	[tilespmem:s19], [sflag:$0x1] =	stream.indirect.gather [hbm4b:s7+s8], $0x1, s18, s8, $0xb8;
	[tilespmem:$0x32A0] =	vst v63  }
0x6f: {  	s21 =	simm.s32 $0x2580;
	s20 =	simm.s32 $0x1D80  }
0x70: {  	[tilespmem:s21], [sflag:$0x1] =	stream.indirect.gather [hbm4b:s7+s8], $0x1, s20, s8, $0xb8;
	[tilespmem:$0x32A0] =	vst v63  }
0x71: {  	s22 =	simm.s32 $0x2980  }
0x72: {  	[tilespmem:s22], [sflag:$0x1] =	stream.indirect.gather [hbm4b:s6+s8], $0x1, s18, s8, $0xb8;
	[tilespmem:$0x32A0] =	vst v63  }
0x73: {  	s23 =	simm.s32 $0x2D80  }
0x74: {  	[tilespmem:s23], [sflag:$0x1] =	stream.indirect.gather [hbm4b:s6+s8], $0x1, s20, s8, $0xb8;
	[tilespmem:$0x32A0] =	vst v63  }
0x75: {  	v0 =	vld [tilespmem:$0x400];
	_ =	sdelay $0x1  }
0x76: {  	v1 =	vld [tilespmem:$0x410];
	_ =	sdelay $0x1  }
0x77: {  	v2 =	vld [tilespmem:$0x420]  }
0x78: {  	v0 =	vtrunc.f32 v0  }
0x79: {  	s9 =	sor.u32 $0x8000, s9;
	v4 =	vld [tilespmem:$0x430];
	v3 =	vcvt.f32.s32 v0  }
0x7a: {  	v1 =	vtrunc.f32 v1;
	v0 =	vmov s9  }
0x7b: {  	v6 =	vld [tilespmem:$0x440];
	v1 =	vcvt.f32.s32 v1;
	v0 =	vor.u32 $0x4000, v0;
	v5 =	vadd.s32 s9, v3  }
0x7c: {  	v2 =	vtrunc.f32 v2;
	v3 =	vadd.s32 v3, v0;
	[tilespmem:$0x1A00] =	vst v5  }
0x7d: {  	v2 =	vcvt.f32.s32 v2;
	[tilespmem:$0x1E00] =	vst v3;
	v3 =	vadd.s32 s9, v1;
	v5 =	vld [tilespmem:$0x450]  }
0x7e: {  	v1 =	vadd.s32 v1, v0;
	[tilespmem:$0x1A10] =	vst v3;
	v3 =	vtrunc.f32 v4  }
0x7f: {  	[tilespmem:$0x1E10] =	vst v1;
	v1 =	vadd.s32 s9, v2;
	v4 =	vld [tilespmem:$0x460];
	v3 =	vcvt.f32.s32 v3  }
0x80: {  	[tilespmem:$0x1A20] =	vst v1;
	v1 =	vadd.s32 v2, v0;
	v2 =	vtrunc.f32 v6  }
0x81: {  	v6 =	vld [tilespmem:$0x470];
	[tilespmem:$0x1E20] =	vst v1;
	v2 =	vcvt.f32.s32 v2;
	v1 =	vadd.s32 s9, v3  }
0x82: {  	[tilespmem:$0x1A30] =	vst v1;
	v1 =	vadd.s32 v3, v0;
	v3 =	vtrunc.f32 v5  }
0x83: {  	v5 =	vld [tilespmem:$0x480];
	[tilespmem:$0x1E30] =	vst v1;
	v1 =	vadd.s32 s9, v2;
	v3 =	vcvt.f32.s32 v3  }
0x84: {  	[tilespmem:$0x1A40] =	vst v1;
	v1 =	vadd.s32 v2, v0;
	v2 =	vtrunc.f32 v4  }
0x85: {  	v4 =	vld [tilespmem:$0x490];
	[tilespmem:$0x1E40] =	vst v1;
	v1 =	vadd.s32 s9, v3;
	v2 =	vcvt.f32.s32 v2  }
0x86: {  	[tilespmem:$0x1A50] =	vst v1;
	v1 =	vadd.s32 v3, v0;
	v3 =	vtrunc.f32 v6  }
0x87: {  	v6 =	vld [tilespmem:$0x4A0];
	[tilespmem:$0x1E50] =	vst v1;
	v1 =	vadd.s32 s9, v2;
	v3 =	vcvt.f32.s32 v3  }
0x88: {  	[tilespmem:$0x1A60] =	vst v1;
	v1 =	vadd.s32 v2, v0;
	v2 =	vtrunc.f32 v5  }
0x89: {  	v5 =	vld [tilespmem:$0x4B0];
	[tilespmem:$0x1E60] =	vst v1;
	v1 =	vadd.s32 s9, v3;
	v2 =	vcvt.f32.s32 v2  }
0x8a: {  	[tilespmem:$0x1A70] =	vst v1;
	v1 =	vadd.s32 v3, v0;
	v3 =	vtrunc.f32 v4  }
0x8b: {  	v4 =	vld [tilespmem:$0x4C0];
	[tilespmem:$0x1E70] =	vst v1;
	v1 =	vadd.s32 s9, v2;
	v3 =	vcvt.f32.s32 v3  }
0x8c: {  	[tilespmem:$0x1A80] =	vst v1;
	v1 =	vadd.s32 v2, v0;
	v2 =	vtrunc.f32 v6  }
0x8d: {  	v6 =	vld [tilespmem:$0x4D0];
	[tilespmem:$0x1E80] =	vst v1;
	v1 =	vadd.s32 s9, v3;
	v2 =	vcvt.f32.s32 v2  }
0x8e: {  	[tilespmem:$0x1A90] =	vst v1;
	v1 =	vadd.s32 v3, v0;
	v3 =	vtrunc.f32 v5  }
0x8f: {  	v5 =	vld [tilespmem:$0x4E0];
	[tilespmem:$0x1E90] =	vst v1;
	v1 =	vadd.s32 s9, v2;
	v3 =	vcvt.f32.s32 v3  }
0x90: {  	[tilespmem:$0x1AA0] =	vst v1;
	v1 =	vadd.s32 v2, v0;
	v2 =	vtrunc.f32 v4  }
0x91: {  	v4 =	vld [tilespmem:$0x4F0];
	[tilespmem:$0x1EA0] =	vst v1;
	v1 =	vadd.s32 s9, v3;
	v2 =	vcvt.f32.s32 v2  }
0x92: {  	[tilespmem:$0x1AB0] =	vst v1;
	v1 =	vadd.s32 v3, v0;
	v3 =	vtrunc.f32 v6  }
0x93: {  	v6 =	vld [tilespmem:$0x500];
	[tilespmem:$0x1EB0] =	vst v1;
	v1 =	vadd.s32 s9, v2;
	v3 =	vcvt.f32.s32 v3  }
0x94: {  	[tilespmem:$0x1AC0] =	vst v1;
	v1 =	vadd.s32 v2, v0;
	v2 =	vtrunc.f32 v5  }
0x95: {  	v5 =	vld [tilespmem:$0x510];
	[tilespmem:$0x1EC0] =	vst v1;
	v1 =	vadd.s32 s9, v3;
	v2 =	vcvt.f32.s32 v2  }
0x96: {  	[tilespmem:$0x1AD0] =	vst v1;
	v1 =	vadd.s32 v3, v0;
	v3 =	vtrunc.f32 v4  }
0x97: {  	v4 =	vld [tilespmem:$0x520];
	[tilespmem:$0x1ED0] =	vst v1;
	v1 =	vadd.s32 s9, v2;
	v3 =	vcvt.f32.s32 v3  }
0x98: {  	[tilespmem:$0x1AE0] =	vst v1;
	v1 =	vadd.s32 v2, v0;
	v2 =	vtrunc.f32 v6  }
0x99: {  	v6 =	vld [tilespmem:$0x530];
	[tilespmem:$0x1EE0] =	vst v1;
	v1 =	vadd.s32 s9, v3;
	v2 =	vcvt.f32.s32 v2  }
0x9a: {  	[tilespmem:$0x1AF0] =	vst v1;
	v1 =	vadd.s32 v3, v0;
	v3 =	vtrunc.f32 v5  }
0x9b: {  	v5 =	vld [tilespmem:$0x540];
	[tilespmem:$0x1EF0] =	vst v1;
	v1 =	vadd.s32 s9, v2;
	v3 =	vcvt.f32.s32 v3  }
0x9c: {  	[tilespmem:$0x1B00] =	vst v1;
	v1 =	vadd.s32 v2, v0;
	v2 =	vtrunc.f32 v4  }
0x9d: {  	v4 =	vld [tilespmem:$0x550];
	[tilespmem:$0x1F00] =	vst v1;
	v1 =	vadd.s32 s9, v3;
	v2 =	vcvt.f32.s32 v2  }
0x9e: {  	[tilespmem:$0x1B10] =	vst v1;
	v1 =	vadd.s32 v3, v0;
	v3 =	vtrunc.f32 v6  }
0x9f: {  	v6 =	vld [tilespmem:$0x560];
	[tilespmem:$0x1F10] =	vst v1;
	v1 =	vadd.s32 s9, v2;
	v3 =	vcvt.f32.s32 v3  }
0xa0: {  	[tilespmem:$0x1B20] =	vst v1;
	v1 =	vadd.s32 v2, v0;
	v2 =	vtrunc.f32 v5  }
0xa1: {  	v5 =	vld [tilespmem:$0x570];
	[tilespmem:$0x1F20] =	vst v1;
	v1 =	vadd.s32 s9, v3;
	v2 =	vcvt.f32.s32 v2  }
0xa2: {  	[tilespmem:$0x1B30] =	vst v1;
	v1 =	vadd.s32 v3, v0;
	v3 =	vtrunc.f32 v4  }
0xa3: {  	v4 =	vld [tilespmem:$0x580];
	[tilespmem:$0x1F30] =	vst v1;
	v1 =	vadd.s32 s9, v2;
	v3 =	vcvt.f32.s32 v3  }
0xa4: {  	[tilespmem:$0x1B40] =	vst v1;
	v1 =	vadd.s32 v2, v0;
	v2 =	vtrunc.f32 v6  }
0xa5: {  	v6 =	vld [tilespmem:$0x590];
	[tilespmem:$0x1F40] =	vst v1;
	v1 =	vadd.s32 s9, v3;
	v2 =	vcvt.f32.s32 v2  }
0xa6: {  	[tilespmem:$0x1B50] =	vst v1;
	v1 =	vadd.s32 v3, v0;
	v3 =	vtrunc.f32 v5  }
0xa7: {  	v5 =	vld [tilespmem:$0x5A0];
	[tilespmem:$0x1F50] =	vst v1;
	v1 =	vadd.s32 s9, v2;
	v3 =	vcvt.f32.s32 v3  }
0xa8: {  	[tilespmem:$0x1B60] =	vst v1;
	v1 =	vadd.s32 v2, v0;
	v2 =	vtrunc.f32 v4  }
0xa9: {  	v4 =	vld [tilespmem:$0x5B0];
	[tilespmem:$0x1F60] =	vst v1;
	v1 =	vadd.s32 s9, v3;
	v2 =	vcvt.f32.s32 v2  }
0xaa: {  	[tilespmem:$0x1B70] =	vst v1;
	v1 =	vadd.s32 v3, v0;
	v3 =	vtrunc.f32 v6  }
0xab: {  	v6 =	vld [tilespmem:$0x5C0];
	[tilespmem:$0x1F70] =	vst v1;
	v1 =	vadd.s32 s9, v2;
	v3 =	vcvt.f32.s32 v3  }
0xac: {  	[tilespmem:$0x1B80] =	vst v1;
	v1 =	vadd.s32 v2, v0;
	v2 =	vtrunc.f32 v5  }
0xad: {  	v5 =	vld [tilespmem:$0x5D0];
	[tilespmem:$0x1F80] =	vst v1;
	v1 =	vadd.s32 s9, v3;
	v2 =	vcvt.f32.s32 v2  }
0xae: {  	[tilespmem:$0x1B90] =	vst v1;
	v1 =	vadd.s32 v3, v0;
	v3 =	vtrunc.f32 v4  }
0xaf: {  	v4 =	vld [tilespmem:$0x5E0];
	[tilespmem:$0x1F90] =	vst v1;
	v1 =	vadd.s32 s9, v2;
	v3 =	vcvt.f32.s32 v3  }
0xb0: {  	[tilespmem:$0x1BA0] =	vst v1;
	v1 =	vadd.s32 v2, v0;
	v2 =	vtrunc.f32 v6  }
0xb1: {  	v6 =	vld [tilespmem:$0x5F0];
	[tilespmem:$0x1FA0] =	vst v1;
	v1 =	vadd.s32 s9, v3;
	v2 =	vcvt.f32.s32 v2  }
0xb2: {  	[tilespmem:$0x1BB0] =	vst v1;
	v1 =	vadd.s32 v3, v0;
	v3 =	vtrunc.f32 v5  }
0xb3: {  	[tilespmem:$0x1FB0] =	vst v1;
	v1 =	vadd.s32 s9, v2;
	v3 =	vcvt.f32.s32 v3  }
0xb4: {  	[tilespmem:$0x1BC0] =	vst v1;
	v1 =	vadd.s32 v2, v0;
	v2 =	vtrunc.f32 v4  }
0xb5: {  	[tilespmem:$0x1FC0] =	vst v1;
	v1 =	vadd.s32 s9, v3;
	v2 =	vcvt.f32.s32 v2  }
0xb6: {  	[tilespmem:$0x1BD0] =	vst v1;
	v1 =	vadd.s32 v3, v0;
	v3 =	vtrunc.f32 v6  }
0xb7: {  	[tilespmem:$0x1FD0] =	vst v1;
	v1 =	vadd.s32 s9, v2;
	v3 =	vcvt.f32.s32 v3  }
0xb8: {  	[tilespmem:$0x1BE0] =	vst v1;
	v1 =	vadd.s32 v2, v0  }
0xb9: {  	[tilespmem:$0x1FE0] =	vst v1;
	v1 =	vadd.s32 s9, v3  }
0xba: {  	v0 =	vadd.s32 v3, v0;
	[tilespmem:$0x1BF0] =	vst v1  }
0xbb: {  	s25 =	simm.s32 $0x2200;
	s24 =	simm.s32 $0x1A00;
	[tilespmem:$0x1FF0] =	vst v0  }
0xbc: {  	[tilespmem:s25], [sflag:$0x2] =	stream.indirect.gather [hbm4b:s7+s8], $0x1, s24, s8, $0xb8;
	[tilespmem:$0x32A0] =	vst v63  }
0xbd: {  	s28 =	simm.s32 $0x2600;
	s26 =	simm.s32 $0x1E00  }
0xbe: {  	[tilespmem:s28], [sflag:$0x2] =	stream.indirect.gather [hbm4b:s7+s8], $0x1, s26, s8, $0xb8;
	[tilespmem:$0x32A0] =	vst v63  }
0xbf: {  	s29 =	simm.s32 $0x2A00  }
0xc0: {  	[tilespmem:s29], [sflag:$0x2] =	stream.indirect.gather [hbm4b:s6+s8], $0x1, s24, s8, $0xb8;
	[tilespmem:$0x32A0] =	vst v63  }
0xc1: {  	s30 =	simm.s32 $0x2E00  }
0xc2: {  	[tilespmem:s30], [sflag:$0x2] =	stream.indirect.gather [hbm4b:s6+s8], $0x1, s26, s8, $0xb8;
	[tilespmem:$0x32A0] =	vst v63  }
0xc3: {  	s12 =	simm.s32 $0x2280;
	s31 =	simm.s32 $0x1A80  }
0xc4: {  	[tilespmem:s12], [sflag:$0x2] =	stream.indirect.gather [hbm4b:s7+s8], $0x1, s31, s8, $0xb8;
	[tilespmem:$0x32A0] =	vst v63  }
0xc5: {  	s13 =	simm.s32 $0x1E80;
	s14 =	simm.s32 $0x2680  }
0xc6: {  	[tilespmem:s14], [sflag:$0x2] =	stream.indirect.gather [hbm4b:s7+s8], $0x1, s13, s8, $0xb8;
	[tilespmem:$0x32A0] =	vst v63  }
0xc7: {  	s15 =	simm.s32 $0x2A80  }
0xc8: {  	[tilespmem:s15], [sflag:$0x2] =	stream.indirect.gather [hbm4b:s6+s8], $0x1, s31, s8, $0xb8;
	[tilespmem:$0x32A0] =	vst v63  }
0xc9: {  	s16 =	simm.s32 $0x2E80  }
0xca: {  	[tilespmem:s16], [sflag:$0x2] =	stream.indirect.gather [hbm4b:s6+s8], $0x1, s13, s8, $0xb8;
	[tilespmem:$0x32A0] =	vst v63  }
0xcb: {  	s17 =	simm.s32 $0x1B00;
	s18 =	simm.s32 $0x2300  }
0xcc: {  	[tilespmem:s18], [sflag:$0x2] =	stream.indirect.gather [hbm4b:s7+s8], $0x1, s17, s8, $0xb8;
	[tilespmem:$0x32A0] =	vst v63  }
0xcd: {  	s19 =	simm.s32 $0x1F00;
	s20 =	simm.s32 $0x2700  }
0xce: {  	[tilespmem:s20], [sflag:$0x2] =	stream.indirect.gather [hbm4b:s7+s8], $0x1, s19, s8, $0xb8;
	[tilespmem:$0x32A0] =	vst v63  }
0xcf: {  	s21 =	simm.s32 $0x2B00  }
0xd0: {  	[tilespmem:s21], [sflag:$0x2] =	stream.indirect.gather [hbm4b:s6+s8], $0x1, s17, s8, $0xb8;
	[tilespmem:$0x32A0] =	vst v63  }
0xd1: {  	s22 =	simm.s32 $0x2F00  }
0xd2: {  	[tilespmem:s22], [sflag:$0x2] =	stream.indirect.gather [hbm4b:s6+s8], $0x1, s19, s8, $0xb8;
	[tilespmem:$0x32A0] =	vst v63  }
0xd3: {  	s23 =	simm.s32 $0x1B80;
	s24 =	simm.s32 $0x2380  }
0xd4: {  	[tilespmem:s24], [sflag:$0x2] =	stream.indirect.gather [hbm4b:s7+s8], $0x1, s23, s8, $0xb8;
	[tilespmem:$0x32A0] =	vst v63  }
0xd5: {  	s25 =	simm.s32 $0x1F80;
	s26 =	simm.s32 $0x2780  }
0xd6: {  	[tilespmem:s26], [sflag:$0x2] =	stream.indirect.gather [hbm4b:s7+s8], $0x1, s25, s8, $0xb8;
	[tilespmem:$0x32A0] =	vst v63  }
0xd7: {  	s28 =	simm.s32 $0x2B80  }
0xd8: {  	[tilespmem:s28], [sflag:$0x2] =	stream.indirect.gather [hbm4b:s6+s8], $0x1, s23, s8, $0xb8;
	[tilespmem:$0x32A0] =	vst v63  }
0xd9: {  	s29 =	simm.s32 $0x2F80;
	s30 =	simm.s32 $0x1  }
0xda: {  	[tilespmem:s29], [sflag:$0x2] =	stream.indirect.gather [hbm4b:s6+s8], $0x1, s25, s8, $0xb8;
	[tilespmem:$0x32A0] =	vst v63  }
0xdb: {  	_ =	swait.ge [sflag:s30], $0x1000  }
0xdc: {  	[sflag:s30] =	ssyncset.done $0x0  }
0xdd: {  	[sflag:s30] =	ssyncadd.s32 $0xFFFFF000  }
0xde: {  	_ =	swait.ge [sflag:s30], $0x80  }
0xdf: {  	[sflag:s30] =	ssyncset.done $0x0  }
0xe0: {  	[sflag:s30] =	ssyncadd.s32 $0xFFFFFF80  }
0xe1: {  	_ =	swait.ge [sflag:s30], $0x80  }
0xe2: {  	[sflag:s30] =	ssyncset.done $0x0  }
0xe3: {  	[sflag:s30] =	ssyncadd.s32 $0xFFFFFF80  }
0xe4: {  	_ =	swait.ge [sflag:s30], $0x80  }
0xe5: {  	[sflag:s30] =	ssyncset.done $0x0  }
0xe6: {  	[sflag:s30] =	ssyncadd.s32 $0xFFFFFF80  }
0xe7: {  	_ =	swait.ge [sflag:s30], $0x80  }
0xe8: {  	[sflag:s30] =	ssyncset.done $0x0  }
0xe9: {  	[sflag:s30] =	ssyncadd.s32 $0xFFFFFF80  }
0xea: {  	_ =	swait.ge [sflag:s30], $0x80  }
0xeb: {  	[sflag:s30] =	ssyncset.done $0x0  }
0xec: {  	[sflag:s30] =	ssyncadd.s32 $0xFFFFFF80  }
0xed: {  	_ =	swait.ge [sflag:s30], $0x80  }
0xee: {  	[sflag:s30] =	ssyncset.done $0x0  }
0xef: {  	[sflag:s30] =	ssyncadd.s32 $0xFFFFFF80  }
0xf0: {  	_ =	swait.ge [sflag:s30], $0x80  }
0xf1: {  	[sflag:s30] =	ssyncset.done $0x0  }
0xf2: {  	[sflag:s30] =	ssyncadd.s32 $0xFFFFFF80  }
0xf3: {  	_ =	swait.ge [sflag:s30], $0x80  }
0xf4: {  	[sflag:s30] =	ssyncset.done $0x0  }
0xf5: {  	[sflag:s30] =	ssyncadd.s32 $0xFFFFFF80  }
0xf6: {  	_ =	swait.ge [sflag:s30], $0x80  }
0xf7: {  	[sflag:s30] =	ssyncset.done $0x0  }
0xf8: {  	[sflag:s30] =	ssyncadd.s32 $0xFFFFFF80  }
0xf9: {  	_ =	swait.ge [sflag:s30], $0x80  }
0xfa: {  	[sflag:s30] =	ssyncset.done $0x0  }
0xfb: {  	[sflag:s30] =	ssyncadd.s32 $0xFFFFFF80  }
0xfc: {  	_ =	swait.ge [sflag:s30], $0x80  }
0xfd: {  	[sflag:s30] =	ssyncset.done $0x0  }
0xfe: {  	[sflag:s30] =	ssyncadd.s32 $0xFFFFFF80  }
0xff: {  	_ =	swait.ge [sflag:s30], $0x80  }
0x100: {  	[sflag:s30] =	ssyncset.done $0x0  }
0x101: {  	[sflag:s30] =	ssyncadd.s32 $0xFFFFFF80  }
0x102: {  	_ =	swait.ge [sflag:s30], $0x80  }
0x103: {  	[sflag:s30] =	ssyncset.done $0x0  }
0x104: {  	[sflag:s30] =	ssyncadd.s32 $0xFFFFFF80  }
0x105: {  	_ =	swait.ge [sflag:s30], $0x80  }
0x106: {  	[sflag:s30] =	ssyncset.done $0x0  }
0x107: {  	[sflag:s30] =	ssyncadd.s32 $0xFFFFFF80  }
0x108: {  	_ =	swait.ge [sflag:s30], $0x80  }
0x109: {  	[sflag:s30] =	ssyncset.done $0x0  }
0x10a: {  	[sflag:s30] =	ssyncadd.s32 $0xFFFFFF80  }
0x10b: {  	_ =	swait.ge [sflag:s30], $0x80  }
0x10c: {  	[sflag:s30] =	ssyncset.done $0x0  }
0x10d: {  	s31 =	simm.s32 $0x2010;
	[sflag:s30] =	ssyncadd.s32 $0xFFFFFF80  }
0x10e: {  	s7 =	simm.s32 $0x2410;
	v1 =	vld [tilespmem:s31+$0x0]  }
0x10f: {  	v2 =	vld [tilespmem:s7+$0x0]  }
0x110: {  	v3 =	vld [tilespmem:s5+$0x810]  }
0x111: {  	v4 =	vld [tilespmem:s31+$0xFFFFFFF0]  }
0x112: {  	v5 =	vld [tilespmem:s5+$0xA10]  }
0x113: {  	v6 =	vld [tilespmem:s7+$0xFFFFFFF0];
	_ =	sdelay $0x2  }
0x114: {  	v7 =	vld [tilespmem:s5+$0x10]  }
0x115: {  	s6 =	sand.u32 $0x1E0, s5;
	v9 =	vld [tilespmem:s5+$0x0];
	v8 =	vmul.f32 v2, v1  }
0x116: {  	v0 =	vimm.f32 $0.0e+00;
	v12 =	vld [tilespmem:s6+$0x800];
	v10 =	vmul.f32 v6, v4;
	v11 =	vmul.f32 v5, v3  }
0x117: {  	v15 =	vld [tilespmem:s6+$0xA00];
	vm2 =	vlt.f32 v3, $0.0e+00;
	v13 =	vmul.f32 $5.000000000e-01, v1;
	v14 =	vmul.f32 $5.000000000e-01, v2  }
0x118: {  	vm0 =	vlt.f32 v1, $0.0e+00;
	v16 =	vmul.f32 $5.000000000e-01, v3;
	v17 =	vmul.f32 $5.000000000e-01, v4  }
0x119: {  	vm3 =	vlt.f32 v4, $0.0e+00;
	v18 =	vmul.f32 $5.000000000e-01, v5;
	v19 =	vmul.f32 $5.000000000e-01, v6  }
0x11a: {  	v9 =	vtrunc.f32 v9;
	v7 =	vtrunc.f32 v7;
	v20 =	vand.u32 $0x7FFFFFFF, v3  }
0x11b: {  	v1 =	vand.u32 $0x7FFFFFFF, v1;
	v5 =	vadd.f32 $1.000000010e-07, v5;
	v2 =	vadd.f32 $1.000000010e-07, v2  }
0x11c: {  	v21 =	vand.u32 $0x7FFFFFFF, v4;
	v22 =	vmul.f32 $5.000000000e-01, v12;
	v4 =	vmul.f32 v15, v12  }
0x11d: {  	v6 =	vadd.f32 $1.000000010e-07, v6;
	v23 =	vmul.f32 $5.000000000e-01, v15;
	vm4 =	vlt.f32 v12, $0.0e+00  }
0x11e: {  	v15 =	vadd.f32 $1.000000010e-07, v15;
	v12 =	vand.u32 $0x7FFFFFFF, v12;
	v7 =	vcvt.f32.s32 v7  }
0x11f: {  	v9 =	vcvt.f32.s32 v9;
	v3 =	vadd.f32 v11, v8;
	vm5 =	vlt.f32 v5, $0.0e+00  }
0x120: {  	vm1 =	vlt.f32 v2, $0.0e+00;
	vm6 =	vlt.f32 v6, $0.0e+00;
	v5 =	vand.u32 $0x7FFFFFFF, v5  }
0x121: {  	v2 =	vand.u32 $0x7FFFFFFF, v2;
	v4 =	vadd.f32 v4, v10;
	v6 =	vand.u32 $0x7FFFFFFF, v6  }
0x122: {  	vm11 =	vlt.f32 v15, $0.0e+00;
	v15 =	vand.u32 $0x7FFFFFFF, v15;
	vm2 =	vmxor vm2, vm5  }
0x123: {  	vm3 =	vmxor vm3, vm6;
	v8 =	vand.u32 $0x7F, v7;
	v7 =	vshrl.u32 v7, $0x7  }
0x124: {  	v10 =	vsub.f32 $0.0e+00, v5;
	v11 =	vand.u32 $0x7F, v9;
	v24 =	vsub.f32 v20, v5  }
0x125: {  	s8 =	simm.s32 $0x2810;
	v25 =	vsub.f32 $0.0e+00, v2;
	v9 =	vshrl.u32 v9, $0x7;
	v26 =	vsub.f32 $0.0e+00, v6  }
0x126: {  	s9 =	simm.s32 $0x2C10;
	v27 =	vld [tilespmem:s8+$0x0];
	v28 =	vsub.f32 v1, v2;
	v29 =	vsub.f32 v21, v6;
	v31 =	vmul.f32 $2.414213660e+00, v5  }
0x127: {  	v30 =	vld [tilespmem:s9+$0x0];
	v32 =	vadd.f32 v5, v20;
	v34 =	vmul.f32 $4.142135680e-01, v5;
	v35 =	vmul.f32 $2.414213660e+00, v2  }
0x128: {  	v33 =	vld [tilespmem:s5+$0xC10];
	v36 =	vadd.f32 v2, v1;
	v37 =	vmul.f32 $2.414213660e+00, v6;
	v38 =	vadd.f32 v6, v21  }
0x129: {  	v39 =	vld [tilespmem:s5+$0xE10];
	v40 =	vmul.f32 $4.142135680e-01, v2;
	v42 =	vmul.f32 $4.142135680e-01, v6;
	vm4 =	vmxor vm4, vm11  }
0x12a: {  	v41 =	vld [tilespmem:s8+$0xFFFFFFF0];
	v45 =	vsub.f32 $0.0e+00, v15;
	v48 =	vmul.f32 $2.414213660e+00, v15;
	v49 =	vmul.f32 $4.142135680e-01, v15  }
0x12b: {  	v43 =	vld [tilespmem:s9+$0xFFFFFFF0];
	v46 =	vsub.f32 v12, v15;
	v8 =	vcvt.s32.f32 v8;
	v11 =	vcvt.s32.f32 v11  }
0x12c: {  	v44 =	vld [tilespmem:s6+$0xC00];
	v7 =	vcvt.s32.f32 v7;
	v9 =	vcvt.s32.f32 v9;
	vm9 =	vgt.f32 v20, v31  }
0x12d: {  	v47 =	vld [tilespmem:s6+$0xE00];
	vm12 =	vgt.f32 v20, v34;
	vm7 =	vgt.f32 v1, v35;
	vm13 =	vgt.f32 v1, v40  }
0x12e: {  	vm8 =	vgt.f32 v21, v37;
	v27 =	vadd.f32 v8, v27;
	v33 =	vadd.f32 v8, v33  }
0x12f: {  	vm10 =	vgt.f32 v21, v42;
	v8 =	vadd.f32 v15, v12;
	v30 =	vadd.f32 v7, v30  }
0x130: {  	vm14 =	vgt.f32 v12, v48;
	v53 =	vadd.f32 v7, v39;
	v54 =	vadd.f32 v11, v41  }
0x131: {  	vm15 =	vgt.f32 v12, v49;
	v55 =	vadd.f32 v9, v43;
	v11 =	vadd.f32 v11, v44  }
0x132: {  	v9 =	vadd.f32 v9, v47;
	v56 =	vsel vm12, $0x3F490FDB, v0;
	v24 =	vsel vm12, v24, v20  }
0x133: {  	v57 =	vsel vm13, $0x3F490FDB, v0;
	v5 =	vsel vm12, v32, v5;
	v28 =	vsel vm13, v28, v1  }
0x134: {  	v2 =	vsel vm13, v36, v2;
	v6 =	vsel vm10, v38, v6;
	v5 =	vsel vm9, v20, v5  }
0x135: {  	v6 =	vsel vm8, v21, v6;
	v7 =	vsel vm15, v8, v15;
	(erf) = vrcp.f32 v5  }
0x136: {  	v20 =	vsel vm10, v29, v21;
	v5 =	vsel vm14, v12, v7;
	(erf) = vrcp.f32 v6  }
0x137: {  	v1 =	vsel vm7, v1, v2;
	v8 =	vsub.f32 v30, v53;
	(erf) = vrcp.f32 v5  }
0x138: {  	v2 =	vsub.f32 v27, v13;
	v13 =	vadd.f32 v27, v13;
	(erf) = vrcp.f32 v1  }
0x139: {  	v21 =	vsel vm7, $0x3FC90FDB, v57;
	v58 =	vsub.f32 v33, v16;
	v16 =	vadd.f32 v33, v16  }
0x13a: {  	v10 =	vsel vm9, v10, v24;
	v59 =	vsub.f32 v53, v18;
	v18 =	vadd.f32 v53, v18  }
0x13b: {  	v25 =	vsel vm7, v25, v28;
	v28 =	vsub.f32 v54, v17;
	v17 =	vadd.f32 v54, v17  }
0x13c: {  	v15 =	vsel vm10, $0x3F490FDB, v0;
	v32 =	vsub.f32 v11, v22;
	v22 =	vadd.f32 v11, v22  }
0x13d: {  	v7 =	vsub.f32 v27, v33;
	v6 =	vsub.f32 v55, v9;
	v12 =	vsel vm15, v46, v12  }
0x13e: {  	v27 =	vsub.f32 v30, v14;
	v5 =	vsub.f32 v54, v11;
	v11 =	vsel vm14, v45, v12;
	v60 =	vpop (erf)  }
0x13f: {  	v20 =	vsel vm8, v26, v20;
	v14 =	vadd.f32 v30, v14;
	v30 =	vsub.f32 v55, v19;
	v61 =	vpop (erf)  }
0x140: {  	v15 =	vsel vm8, $0x3FC90FDB, v15;
	v19 =	vadd.f32 v55, v19;
	v33 =	vsub.f32 v9, v23;
	v12 =	vpop (erf)  }
0x141: {  	v23 =	vadd.f32 v9, v23;
	v20 =	vmul.f32 v61, v20;
	v34 =	vmul.f32 v12, v11;
	v11 =	vpop (erf)  }
0x142: {  	v9 =	vmax.f32 v13, v16;
	v26 =	vmul.f32 v60, v10;
	v25 =	vmul.f32 v11, v25  }
0x143: {  	v54 =	vmax.f32 v17, v22;
	v12 =	vmul.f32 v20, v20;
	v11 =	vmul.f32 v34, v34  }
0x144: {  	v55 =	vmin.f32 v28, v32;
	v62 =	vmul.f32 v26, v26;
	v63 =	vmul.f32 v25, v25  }
0x145: {  	v13 =	vmin.f32 v13, v16;
	v49 =	vmul.f32 $8.053744580e-02, v12;
	v48 =	vmul.f32 $8.053744580e-02, v11  }
0x146: {  	v1 =	vsel vm9, $0x3FC90FDB, v56;
	v52 =	vmul.f32 $8.053744580e-02, v62;
	v53 =	vmul.f32 $8.053744580e-02, v63  }
0x147: {  	v50 =	vmax.f32 v14, v18;
	v37 =	vadd.f32 $-1.387768540e-01, v49;
	v36 =	vadd.f32 $-1.387768540e-01, v48  }
0x148: {  	v51 =	vmin.f32 v27, v59;
	v40 =	vadd.f32 $-1.387768540e-01, v52;
	v41 =	vadd.f32 $-1.387768540e-01, v53  }
0x149: {  	v56 =	vmax.f32 v19, v23;
	v37 =	vmul.f32 v37, v12;
	v36 =	vmul.f32 v36, v11  }
0x14a: {  	v57 =	vmin.f32 v30, v33;
	v40 =	vmul.f32 v40, v62;
	v41 =	vmul.f32 v41, v63  }
0x14b: {  	v10 =	vmin.f32 v2, v58;
	v37 =	vadd.f32 $1.997771110e-01, v37;
	v36 =	vadd.f32 $1.997771110e-01, v36  }
0x14c: {  	v2 =	vmax.f32 v2, v58;
	v16 =	vadd.f32 $1.997771110e-01, v40;
	v58 =	vadd.f32 $1.997771110e-01, v41  }
0x14d: {  	v60 =	vsub.f32 v54, v55;
	v37 =	vmul.f32 v37, v12;
	v36 =	vmul.f32 v36, v11  }
0x14e: {  	v10 =	vsub.f32 v9, v10;
	v16 =	vmul.f32 v16, v62;
	v29 =	vmul.f32 v58, v63  }
0x14f: {  	v14 =	vmin.f32 v14, v18;
	v37 =	vadd.f32 $-3.333294990e-01, v37;
	v36 =	vadd.f32 $-3.333294990e-01, v36  }
0x150: {  	v18 =	vmax.f32 v27, v59;
	v16 =	vadd.f32 $-3.333294990e-01, v16;
	v59 =	vadd.f32 $-3.333294990e-01, v29  }
0x151: {  	v9 =	vsub.f32 v50, v51;
	v12 =	vmul.f32 v37, v12;
	v61 =	vmul.f32 v36, v11  }
0x152: {  	v13 =	vsub.f32 v13, v2;
	v16 =	vmul.f32 v16, v62;
	v24 =	vmul.f32 v59, v63  }
0x153: {  	v11 =	vsub.f32 v56, v57;
	v62 =	vmul.f32 v12, v20;
	v29 =	vmul.f32 v61, v34  }
0x154: {  	v2 =	vmul.f32 v16, v26;
	v12 =	vsub.f32 v14, v18;
	v14 =	vmul.f32 v24, v25  }
0x155: {  	v16 =	vsel vm15, $0x3F490FDB, v0;
	v20 =	vadd.f32 v62, v20;
	v18 =	vadd.f32 v29, v34  }
0x156: {  	v16 =	vsel vm14, $0x3FC90FDB, v16;
	v2 =	vadd.f32 v2, v26;
	v14 =	vadd.f32 v14, v25  }
0x157: {  	v17 =	vmin.f32 v17, v22;
	v15 =	vadd.f32 v20, v15;
	v16 =	vadd.f32 v18, v16  }
0x158: {  	v1 =	vadd.f32 v2, v1;
	v18 =	vmax.f32 v28, v32;
	v2 =	vadd.f32 v14, v21  }
0x159: {  	v14 =	vmin.f32 v19, v23;
	v20 =	vsub.f32 $0.0e+00, v15;
	v19 =	vsub.f32 $0.0e+00, v16  }
0x15a: {  	v63 =	vsub.f32 $0.0e+00, v1;
	v17 =	vsub.f32 v17, v18;
	v18 =	vmax.f32 v30, v33  }
0x15b: {  	v18 =	vsub.f32 v14, v18;
	v15 =	vsel vm3, v20, v15;
	v16 =	vsel vm4, v19, v16  }
0x15c: {  	vm0 =	vmxor vm0, vm1;
	v19 =	vsub.f32 $0.0e+00, v2;
	v15 =	vsub.f32 v16, v15  }
0x15d: {  	v14 =	vmul.f32 v60, v60;
	v1 =	vsel vm2, v63, v1;
	v18 =	vmax.f32 v18, $0.0e+00  }
0x15e: {  	v16 =	vmax.f32 v17, $0.0e+00;
	v2 =	vsel vm0, v19, v2;
	v15 =	vmul.f32 v15, v15  }
0x15f: {  	s10 =	simm.s32 $0x0;
	s11 =	simm.s32 $0x2030;
	s12 =	simm.s32 $0x0;
	v17 =	vsub.f32 v1, v2;
	v1 =	vimm.f32 $0.0e+00;
	v2 =	vimm.f32 $0.0e+00  }
.LBB2_1:
0x160: {  	v19 =	vld [tilespmem:s11+$0x0];
	v16 =	vmul.f32 v18, v16;
	v11 =	vmul.f32 v11, v11;
	v13 =	vmax.f32 v13, $0.0e+00;
	s7 =	sadd.s32 $0x20, s7  }
0x161: {  	v12 =	vmax.f32 v12, $0.0e+00;
	v18 =	vld [tilespmem:s7+$0x0];
	v15 =	vmul.f32 $4.052847330e-01, v15;
	v17 =	vmul.f32 v17, v17  }
0x162: {  	v10 =	vmul.f32 v10, v10;
	v12 =	vmul.f32 v12, v13;
	v4 =	vsub.f32 v4, v16  }
0x163: {  	v11 =	vadd.f32 v11, v14;
	v13 =	vadd.f32 $1.000000000e+00, v15;
	v14 =	vmul.f32 $4.052847330e-01, v17  }
0x164: {  	v9 =	vmul.f32 v9, v9;
	v3 =	vsub.f32 v3, v12;
	v4 =	vadd.f32 $1.000000010e-07, v4  }
0x165: {  	v13 =	vadd.f32 $1.000000010e-07, v13;
	v17 =	vadd.f32 $1.000000000e+00, v14  }
0x166: {  	v9 =	vadd.f32 v9, v10;
	v11 =	vadd.f32 $1.000000010e-07, v11;
	v20 =	vmul.f32 v18, v19  }
0x167: {  	v3 =	vadd.f32 $1.000000010e-07, v3;
	v10 =	vmul.f32 v13, v4;
	v13 =	vadd.f32 $1.000000010e-07, v17  }
0x168: {  	v7 =	vmul.f32 v7, v7;
	v8 =	vmul.f32 v8, v8;
	v9 =	vadd.f32 $1.000000010e-07, v9  }
0x169: {  	v17 =	vmul.f32 v4, v11;
	v10 =	vsub.f32 v10, v16;
	v13 =	vmul.f32 v13, v3  }
0x16a: {  	v5 =	vmul.f32 v5, v5;
	v6 =	vmul.f32 v6, v6  }
0x16b: {  	v23 =	vmul.f32 v3, v9;
	v21 =	vmul.f32 v10, v17;
	v22 =	vld [tilespmem:s5+$0x210];
	v13 =	vsub.f32 v13, v12;
	s5 =	sadd.s32 $0x20, s5  }
0x16c: {  	v7 =	vadd.f32 v8, v7;
	v8 =	vmul.f32 v9, v12;
	v11 =	vmul.f32 v11, v16;
	v24 =	vld [tilespmem:s5+$0x810]  }
0x16d: {  	v5 =	vadd.f32 v6, v5;
	v16 =	vld [tilespmem:s11+$0xFFFFFFF0];
	v6 =	vmul.f32 v13, v23;
	(erf) = vrcp.f32 v21  }
0x16e: {  	v9 =	vmul.f32 v15, v15;
	v7 =	vmul.f32 v3, v7;
	v21 =	vld [tilespmem:s5+$0xA10]  }
0x16f: {  	v5 =	vmul.f32 v4, v5;
	v15 =	vld [tilespmem:s7+$0xFFFFFFF0];
	(erf) = vrcp.f32 v6  }
0x170: {  	v4 =	vmul.f32 v9, v4;
	v6 =	vmul.f32 v14, v14  }
0x171: {  	v9 =	vmul.f32 v10, v11;
	v5 =	vmul.f32 v10, v5  }
0x172: {  	v4 =	vmul.f32 v4, v17;
	vm3 =	vgt.f32 v22, $0.0e+00;
	v3 =	vmul.f32 v6, v3  }
0x173: {  	v5 =	vsub.f32 v9, v5;
	v8 =	vmul.f32 v13, v8;
	v9 =	vmul.f32 v13, v7;
	v6 =	vld [tilespmem:s5+$0x10]  }
0x174: {  	vm0 =	vlt.f32 v24, $0.0e+00;
	v26 =	vmul.f32 v21, v24;
	v17 =	vld [tilespmem:s5+$0x0];
	v25 =	vmul.f32 v15, v16  }
0x175: {  	v4 =	vsub.f32 v5, v4;
	v8 =	vsub.f32 v8, v9;
	v3 =	vmul.f32 v3, v23;
	v27 =	vld [tilespmem:s6+$0x200]  }
0x176: {  	vm1 =	vlt.f32 v19, $0.0e+00;
	v11 =	vmul.f32 $5.000000000e-01, v18;
	v13 =	vmul.f32 $5.000000000e-01, v19;
	v7 =	vpop (erf)  }
0x177: {  	s12 =	sadd.s32 $0x20, s12;
	v12 =	vmul.f32 $5.000000000e-01, v24;
	v3 =	vsub.f32 v8, v3;
	v4 =	vmul.f32 v4, v7  }
0x178: {  	v9 =	vmul.f32 $5.000000000e-01, v16;
	vm2 =	vlt.f32 v16, $0.0e+00;
	v14 =	vmul.f32 $5.000000000e-01, v21;
	s6 =	sand.u32 $0x1E0, s12;
	v5 =	vpop (erf)  }
0x179: {  	v10 =	vmul.f32 $5.000000000e-01, v15;
	v7 =	vld [tilespmem:s6+$0x800];
	v4 =	vsub.f32 $1.000000000e+00, v4;
	v3 =	vmul.f32 v3, v5  }
0x17a: {  	v6 =	vtrunc.f32 v6;
	v8 =	vtrunc.f32 v17;
	v17 =	vld [tilespmem:s6+$0xA00];
	vm4 =	vgt.f32 v27, $0.0e+00  }
0x17b: {  	v23 =	vand.u32 $0x7FFFFFFF, v24;
	v4 =	vnsel vm4, $0x0, v4;
	v3 =	vsub.f32 $1.000000000e+00, v3  }
0x17c: {  	v5 =	vand.u32 $0x7FFFFFFF, v19;
	v2 =	vadd.f32 v27, v2;
	v1 =	vadd.f32 v4, v1  }
0x17d: {  	v18 =	vadd.f32 $1.000000010e-07, v18;
	v4 =	vadd.f32 $1.000000010e-07, v21;
	v3 =	vnsel vm3, $0x0, v3  }
0x17e: {  	v19 =	vand.u32 $0x7FFFFFFF, v16;
	v2 =	vadd.f32 v22, v2;
	v1 =	vadd.f32 v3, v1  }
0x17f: {  	v22 =	vadd.f32 $1.000000010e-07, v15;
	v16 =	vmul.f32 $5.000000000e-01, v7;
	v21 =	vmul.f32 v17, v7  }
0x180: {  	v6 =	vcvt.f32.s32 v6;
	vm3 =	vlt.f32 v7, $0.0e+00;
	v15 =	vmul.f32 $5.000000000e-01, v17  }
0x181: {  	v8 =	vcvt.f32.s32 v8;
	v24 =	vadd.f32 $1.000000010e-07, v17;
	v17 =	vand.u32 $0x7FFFFFFF, v7  }
0x182: {  	vm5 =	vlt.f32 v18, $0.0e+00;
	v3 =	vadd.f32 v26, v20;
	vm4 =	vlt.f32 v4, $0.0e+00  }
0x183: {  	v18 =	vand.u32 $0x7FFFFFFF, v18;
	vm6 =	vlt.f32 v22, $0.0e+00;
	v7 =	vand.u32 $0x7FFFFFFF, v4  }
0x184: {  	v20 =	vand.u32 $0x7FFFFFFF, v22;
	vm0 =	vmxor vm0, vm4;
	v4 =	vadd.f32 v21, v25  }
0x185: {  	vm1 =	vmxor vm1, vm5;
	vm2 =	vmxor vm2, vm6;
	vm4 =	vlt.f32 v24, $0.0e+00  }
0x186: {  	v22 =	vsub.f32 $0.0e+00, v7;
	v21 =	vand.u32 $0x7F, v6;
	v6 =	vshrl.u32 v6, $0x7  }
0x187: {  	s8 =	sadd.s32 $0x20, s8;
	v27 =	vsub.f32 $0.0e+00, v18;
	v26 =	vsub.f32 v23, v7;
	v25 =	vand.u32 $0x7F, v8  }
0x188: {  	s9 =	sadd.s32 $0x20, s9;
	v30 =	vsub.f32 v5, v18;
	v28 =	vsub.f32 $0.0e+00, v20;
	v8 =	vshrl.u32 v8, $0x7;
	v29 =	vld [tilespmem:s8+$0x0]  }
0x189: {  	v31 =	vsub.f32 v19, v20;
	v33 =	vmul.f32 $2.414213660e+00, v7;
	v34 =	vadd.f32 v7, v23;
	v32 =	vld [tilespmem:s9+$0x0]  }
0x18a: {  	v37 =	vmul.f32 $2.414213660e+00, v18;
	v38 =	vadd.f32 v18, v5;
	v36 =	vmul.f32 $4.142135680e-01, v7;
	v35 =	vld [tilespmem:s5+$0xC10]  }
0x18b: {  	v42 =	vmul.f32 $4.142135680e-01, v18;
	v39 =	vmul.f32 $2.414213660e+00, v20;
	v40 =	vadd.f32 v20, v19;
	v41 =	vld [tilespmem:s5+$0xE10]  }
0x18c: {  	s10 =	sadd.s32 $0x2, s10;
	v44 =	vmul.f32 $4.142135680e-01, v20;
	v24 =	vand.u32 $0x7FFFFFFF, v24;
	v21 =	vcvt.s32.f32 v21;
	v43 =	vld [tilespmem:s8+$0xFFFFFFF0]  }
0x18d: {  	p0 =	slt.u32 s10, $0x1E;
	v25 =	vcvt.s32.f32 v25;
	vm3 =	vmxor vm3, vm4;
	v6 =	vcvt.s32.f32 v6;
	v45 =	vld [tilespmem:s9+$0xFFFFFFF0]  }
0x18e: {  	v8 =	vcvt.s32.f32 v8;
	v47 =	vsub.f32 $0.0e+00, v24;
	v48 =	vsub.f32 v17, v24;
	v46 =	vld [tilespmem:s6+$0xC00]  }
0x18f: {  	v50 =	vmul.f32 $2.414213660e+00, v24;
	v51 =	vmul.f32 $4.142135680e-01, v24;
	v52 =	vadd.f32 v24, v17;
	v49 =	vld [tilespmem:s6+$0xE00]  }
0x190: {  	vm6 =	vgt.f32 v5, v37;
	vm8 =	vgt.f32 v23, v33;
	vm5 =	vgt.f32 v23, v36  }
0x191: {  	vm9 =	vgt.f32 v5, v42;
	v29 =	vadd.f32 v21, v29;
	v32 =	vadd.f32 v6, v32  }
0x192: {  	vm7 =	vgt.f32 v19, v39;
	v21 =	vadd.f32 v21, v35;
	v33 =	vadd.f32 v6, v41  }
0x193: {  	vm10 =	vgt.f32 v19, v44;
	v35 =	vadd.f32 v25, v43;
	v36 =	vadd.f32 v8, v45  }
0x194: {  	v39 =	vsel vm5, $0x3F490FDB, v0;
	v25 =	vadd.f32 v25, v46;
	v37 =	vadd.f32 v8, v49  }
0x195: {  	v42 =	vsel vm9, $0x3F490FDB, v0;
	v26 =	vsel vm5, v26, v23;
	v41 =	vsel vm10, $0x3F490FDB, v0  }
0x196: {  	v30 =	vsel vm9, v30, v5;
	vm4 =	vgt.f32 v17, v50;
	v6 =	vsel vm5, v34, v7  }
0x197: {  	vm5 =	vgt.f32 v17, v51;
	v7 =	vsel vm10, v40, v20;
	v6 =	vsel vm8, v23, v6  }
0x198: {  	v7 =	vsel vm7, v19, v7;
	v8 =	vsel vm5, v52, v24;
	(erf) = vrcp.f32 v6  }
0x199: {  	v6 =	vsel vm4, v17, v8;
	v8 =	vsel vm9, v38, v18;
	(erf) = vrcp.f32 v7  }
0x19a: {  	v18 =	vsel vm10, v31, v19;
	v5 =	vsel vm6, v5, v8;
	(erf) = vrcp.f32 v6  }
0x19b: {  	v7 =	vsub.f32 v29, v21;
	v8 =	vsub.f32 v32, v33;
	(erf) = vrcp.f32 v5  }
0x19c: {  	v19 =	vsel vm8, $0x3FC90FDB, v39;
	v6 =	vsub.f32 v36, v37;
	v5 =	vsub.f32 v35, v25  }
0x19d: {  	v20 =	vsub.f32 v29, v13;
	v13 =	vadd.f32 v29, v13;
	v23 =	vsel vm6, $0x3FC90FDB, v42  }
0x19e: {  	v24 =	vsel vm7, $0x3FC90FDB, v41;
	v29 =	vsub.f32 v32, v11;
	v11 =	vadd.f32 v32, v11  }
0x19f: {  	v31 =	vsub.f32 v21, v12;
	v12 =	vadd.f32 v21, v12;
	v21 =	vsel vm8, v22, v26  }
0x1a0: {  	v22 =	vsub.f32 v33, v14;
	v14 =	vadd.f32 v33, v14;
	v26 =	vsel vm6, v27, v30  }
0x1a1: {  	v27 =	vsub.f32 v35, v9;
	v30 =	vadd.f32 v35, v9;
	v9 =	vsel vm7, v28, v18;
	v18 =	vpop (erf)  }
0x1a2: {  	v28 =	vsub.f32 v36, v10;
	v32 =	vadd.f32 v36, v10;
	v10 =	vsel vm5, v48, v17;
	v17 =	vpop (erf)  }
0x1a3: {  	v33 =	vsub.f32 v25, v16;
	v16 =	vadd.f32 v25, v16;
	v10 =	vsel vm4, v47, v10;
	v25 =	vpop (erf)  }
0x1a4: {  	v34 =	vsub.f32 v37, v15;
	v17 =	vmul.f32 v17, v9;
	v25 =	vmul.f32 v25, v10;
	v9 =	vpop (erf)  }
0x1a5: {  	v15 =	vadd.f32 v37, v15;
	v18 =	vmul.f32 v18, v21;
	v21 =	vmul.f32 v9, v26  }
0x1a6: {  	v35 =	vmul.f32 v17, v17;
	v9 =	vmax.f32 v13, v12;
	v26 =	vmul.f32 v25, v25  }
0x1a7: {  	v10 =	vmin.f32 v20, v31;
	v36 =	vmul.f32 v18, v18;
	v37 =	vmul.f32 v21, v21  }
0x1a8: {  	v40 =	vmax.f32 v11, v14;
	v39 =	vmul.f32 $8.053744580e-02, v35;
	v38 =	vmul.f32 $8.053744580e-02, v26  }
0x1a9: {  	v41 =	vmin.f32 v29, v22;
	v42 =	vmul.f32 $8.053744580e-02, v36;
	v43 =	vmul.f32 $8.053744580e-02, v37  }
0x1aa: {  	v44 =	vmax.f32 v30, v16;
	v39 =	vadd.f32 $-1.387768540e-01, v39;
	v38 =	vadd.f32 $-1.387768540e-01, v38  }
0x1ab: {  	v45 =	vmin.f32 v27, v33;
	v42 =	vadd.f32 $-1.387768540e-01, v42;
	v43 =	vadd.f32 $-1.387768540e-01, v43  }
0x1ac: {  	v46 =	vmax.f32 v32, v15;
	v39 =	vmul.f32 v39, v35;
	v38 =	vmul.f32 v38, v26  }
0x1ad: {  	v47 =	vmin.f32 v28, v34;
	v42 =	vmul.f32 v42, v36;
	v43 =	vmul.f32 v43, v37  }
0x1ae: {  	v12 =	vmin.f32 v13, v12;
	v39 =	vadd.f32 $1.997771110e-01, v39;
	v38 =	vadd.f32 $1.997771110e-01, v38  }
0x1af: {  	v13 =	vmax.f32 v20, v31;
	v20 =	vadd.f32 $1.997771110e-01, v42;
	v31 =	vadd.f32 $1.997771110e-01, v43  }
0x1b0: {  	v10 =	vsub.f32 v9, v10;
	v39 =	vmul.f32 v39, v35;
	v38 =	vmul.f32 v38, v26  }
0x1b1: {  	v9 =	vsub.f32 v40, v41;
	v20 =	vmul.f32 v20, v36;
	v31 =	vmul.f32 v31, v37  }
0x1b2: {  	v14 =	vmin.f32 v11, v14;
	v39 =	vadd.f32 $-3.333294990e-01, v39;
	v38 =	vadd.f32 $-3.333294990e-01, v38  }
0x1b3: {  	v22 =	vmax.f32 v29, v22;
	v20 =	vadd.f32 $-3.333294990e-01, v20;
	v29 =	vadd.f32 $-3.333294990e-01, v31  }
0x1b4: {  	v31 =	vsub.f32 v44, v45;
	v35 =	vmul.f32 v39, v35;
	v26 =	vmul.f32 v38, v26  }
0x1b5: {  	v11 =	vsub.f32 v46, v47;
	v20 =	vmul.f32 v20, v36;
	v29 =	vmul.f32 v29, v37  }
0x1b6: {  	v13 =	vsub.f32 v12, v13;
	v35 =	vmul.f32 v35, v17;
	v26 =	vmul.f32 v26, v25  }
0x1b7: {  	v12 =	vsub.f32 v14, v22;
	v14 =	vmul.f32 v20, v18;
	v20 =	vmul.f32 v29, v21  }
0x1b8: {  	v22 =	vsel vm5, $0x3F490FDB, v0;
	v17 =	vadd.f32 v35, v17;
	v25 =	vadd.f32 v26, v25  }
0x1b9: {  	v22 =	vsel vm4, $0x3FC90FDB, v22;
	v14 =	vadd.f32 v14, v18;
	v18 =	vadd.f32 v20, v21  }
0x1ba: {  	v16 =	vmin.f32 v30, v16;
	v17 =	vadd.f32 v17, v24;
	v20 =	vadd.f32 v25, v22  }
0x1bb: {  	v19 =	vadd.f32 v14, v19;
	v21 =	vmax.f32 v27, v33;
	v18 =	vadd.f32 v18, v23  }
0x1bc: {  	v14 =	vmin.f32 v32, v15;
	v22 =	vsub.f32 $0.0e+00, v17;
	v15 =	vsub.f32 $0.0e+00, v20  }
.Ltmp0:
0x1bd: {  	v16 =	vsub.f32 v16, v21;
	v21 =	vmax.f32 v28, v34;
	v23 =	vsub.f32 $0.0e+00, v19;
	(pc) =	sbr.rel @p0 .LBB2_1-.Ltmp0, $4  }
0x1be: {  	v17 =	vsel vm2, v22, v17;
	v15 =	vsel vm3, v15, v20;
	v20 =	vsub.f32 $0.0e+00, v18  }
0x1bf: {  	v21 =	vsub.f32 v14, v21;
	v14 =	vmul.f32 v31, v31;
	v15 =	vsub.f32 v15, v17  }
0x1c0: {  	v16 =	vmax.f32 v16, $0.0e+00;
	v17 =	vsel vm0, v23, v19;
	v19 =	vsel vm1, v20, v18  }
0x1c1: {  	s11 =	sadd.s32 $0x20, s11;
	v18 =	vmax.f32 v21, $0.0e+00;
	v15 =	vmul.f32 v15, v15;
	v17 =	vsub.f32 v17, v19  }
0x1c2: {  	v0 =	vmul.f32 v18, v16  }
0x1c3: {  	v11 =	vmul.f32 v11, v11;
	v13 =	vmax.f32 v13, $0.0e+00;
	v10 =	vmul.f32 v10, v10  }
0x1c4: {  	v12 =	vmax.f32 v12, $0.0e+00;
	v9 =	vmul.f32 v9, v9;
	v16 =	vmul.f32 v17, v17  }
0x1c5: {  	v15 =	vmul.f32 $4.052847330e-01, v15;
	v12 =	vmul.f32 v12, v13  }
0x1c6: {  	v4 =	vsub.f32 v4, v0;
	v11 =	vadd.f32 v11, v14;
	v13 =	vmul.f32 $4.052847330e-01, v16  }
0x1c7: {  	v9 =	vadd.f32 v9, v10;
	v14 =	vadd.f32 $1.000000000e+00, v15  }
0x1c8: {  	v3 =	vsub.f32 v3, v12;
	v16 =	vadd.f32 $1.000000000e+00, v13  }
0x1c9: {  	v4 =	vadd.f32 $1.000000010e-07, v4;
	v14 =	vadd.f32 $1.000000010e-07, v14  }
0x1ca: {  	v3 =	vadd.f32 $1.000000010e-07, v3;
	v10 =	vadd.f32 $1.000000010e-07, v16  }
0x1cb: {  	v11 =	vadd.f32 $1.000000010e-07, v11;
	v14 =	vmul.f32 v14, v4  }
0x1cc: {  	v9 =	vadd.f32 $1.000000010e-07, v9;
	v10 =	vmul.f32 v10, v3  }
0x1cd: {  	v16 =	vmul.f32 v4, v11;
	v14 =	vsub.f32 v14, v0  }
0x1ce: {  	v17 =	vmul.f32 v3, v9;
	v10 =	vsub.f32 v10, v12  }
0x1cf: {  	v18 =	vmul.f32 v14, v16  }
0x1d0: {  	v19 =	vmul.f32 v10, v17  }
0x1d1: {  	(erf) = vrcp.f32 v18  }
0x1d2: {  	(erf) = vrcp.f32 v19;
	_ =	sdelay $0x7  }
0x1d3: {  	v19 =	vpop (erf)  }
0x1d4: {  	v20 =	vld [tilespmem:s6+$0x200];
	s30 =	simm.s32 $0x2;
	v21 =	vpop (erf)  }
0x1d5: {  	v18 =	vld [tilespmem:s5+$0x210];
	_ =	swait.ge [sflag:s30], $0x80  }
0x1d6: {  	[sflag:s30] =	ssyncset.done $0x0  }
0x1d7: {  	[sflag:s30] =	ssyncadd.s32 $0xFFFFFF80  }
0x1d8: {  	_ =	swait.ge [sflag:s30], $0x80  }
0x1d9: {  	[sflag:s30] =	ssyncset.done $0x0  }
0x1da: {  	[sflag:s30] =	ssyncadd.s32 $0xFFFFFF80  }
0x1db: {  	_ =	swait.ge [sflag:s30], $0x80  }
0x1dc: {  	[sflag:s30] =	ssyncset.done $0x0  }
0x1dd: {  	[sflag:s30] =	ssyncadd.s32 $0xFFFFFF80  }
0x1de: {  	_ =	swait.ge [sflag:s30], $0x80  }
0x1df: {  	[sflag:s30] =	ssyncset.done $0x0  }
0x1e0: {  	[sflag:s30] =	ssyncadd.s32 $0xFFFFFF80  }
0x1e1: {  	_ =	swait.ge [sflag:s30], $0x80  }
0x1e2: {  	[sflag:s30] =	ssyncset.done $0x0  }
0x1e3: {  	[sflag:s30] =	ssyncadd.s32 $0xFFFFFF80  }
0x1e4: {  	_ =	swait.ge [sflag:s30], $0x80  }
0x1e5: {  	[sflag:s30] =	ssyncset.done $0x0  }
0x1e6: {  	[sflag:s30] =	ssyncadd.s32 $0xFFFFFF80  }
0x1e7: {  	_ =	swait.ge [sflag:s30], $0x80  }
0x1e8: {  	[sflag:s30] =	ssyncset.done $0x0  }
0x1e9: {  	[sflag:s30] =	ssyncadd.s32 $0xFFFFFF80  }
0x1ea: {  	_ =	swait.ge [sflag:s30], $0x80  }
0x1eb: {  	[sflag:s30] =	ssyncset.done $0x0  }
0x1ec: {  	[sflag:s30] =	ssyncadd.s32 $0xFFFFFF80  }
0x1ed: {  	_ =	swait.ge [sflag:s30], $0x80  }
0x1ee: {  	[sflag:s30] =	ssyncset.done $0x0  }
0x1ef: {  	[sflag:s30] =	ssyncadd.s32 $0xFFFFFF80  }
0x1f0: {  	_ =	swait.ge [sflag:s30], $0x80  }
0x1f1: {  	[sflag:s30] =	ssyncset.done $0x0  }
0x1f2: {  	[sflag:s30] =	ssyncadd.s32 $0xFFFFFF80  }
0x1f3: {  	_ =	swait.ge [sflag:s30], $0x80  }
0x1f4: {  	[sflag:s30] =	ssyncset.done $0x0  }
0x1f5: {  	[sflag:s30] =	ssyncadd.s32 $0xFFFFFF80  }
0x1f6: {  	_ =	swait.ge [sflag:s30], $0x80  }
0x1f7: {  	[sflag:s30] =	ssyncset.done $0x0  }
0x1f8: {  	[sflag:s30] =	ssyncadd.s32 $0xFFFFFF80  }
0x1f9: {  	v5 =	vmul.f32 v5, v5;
	v6 =	vmul.f32 v6, v6;
	_ =	swait.ge [sflag:s30], $0x80  }
0x1fa: {  	v7 =	vmul.f32 v7, v7;
	v8 =	vmul.f32 v8, v8;
	[sflag:s30] =	ssyncset.done $0x0  }
0x1fb: {  	v5 =	vadd.f32 v6, v5;
	[sflag:s30] =	ssyncadd.s32 $0xFFFFFF80  }
0x1fc: {  	v7 =	vadd.f32 v8, v7;
	v8 =	vmul.f32 v15, v15;
	_ =	swait.ge [sflag:s30], $0x80  }
0x1fd: {  	v6 =	vmul.f32 v9, v12;
	v5 =	vmul.f32 v4, v5;
	[sflag:s30] =	ssyncset.done $0x0  }
0x1fe: {  	v7 =	vmul.f32 v3, v7;
	v0 =	vmul.f32 v11, v0;
	[sflag:s30] =	ssyncadd.s32 $0xFFFFFF80  }
0x1ff: {  	v4 =	vmul.f32 v8, v4;
	v8 =	vmul.f32 v13, v13;
	_ =	swait.ge [sflag:s30], $0x80  }
0x200: {  	v0 =	vmul.f32 v14, v0;
	v5 =	vmul.f32 v14, v5;
	[sflag:s30] =	ssyncset.done $0x0  }
0x201: {  	v4 =	vmul.f32 v4, v16;
	v3 =	vmul.f32 v8, v3;
	[sflag:s30] =	ssyncadd.s32 $0xFFFFFF80  }
0x202: {  	v0 =	vsub.f32 v0, v5;
	v5 =	vmul.f32 v10, v6;
	v6 =	vmul.f32 v10, v7;
	_ =	swait.ge [sflag:s30], $0x80  }
0x203: {  	[sflag:s30] =	ssyncset.done $0x0  }
0x204: {  	s31 =	simm.s32 $0x2210;
	v3 =	vmul.f32 v3, v17;
	v0 =	vsub.f32 v0, v4;
	v4 =	vsub.f32 v5, v6;
	[sflag:s30] =	ssyncadd.s32 $0xFFFFFF80  }
0x205: {  	s7 =	simm.s32 $0x2610;
	v5 =	vld [tilespmem:s31+$0x0]  }
0x206: {  	s5 =	simm.s32 $0x1610;
	v3 =	vsub.f32 v4, v3;
	v0 =	vmul.f32 v0, v19;
	v4 =	vld [tilespmem:s7+$0x0]  }
0x207: {  	v6 =	vld [tilespmem:s5+$0xFFFFFA00]  }
0x208: {  	v0 =	vsub.f32 $1.000000000e+00, v0;
	v3 =	vmul.f32 v3, v21;
	v7 =	vld [tilespmem:s31+$0xFFFFFFF0]  }
0x209: {  	vm0 =	vgt.f32 v20, $0.0e+00;
	v8 =	vld [tilespmem:s7+$0xFFFFFFF0]  }
0x20a: {  	v0 =	vnsel vm0, $0x0, v0;
	v3 =	vsub.f32 $1.000000000e+00, v3;
	v9 =	vld [tilespmem:s5+$0xFFFFFC00]  }
0x20b: {  	vm12 =	vgt.f32 v18, $0.0e+00;
	v0 =	vadd.f32 v0, v1  }
0x20c: {  	s8 =	simm.s32 $0x0;
	v1 =	vadd.f32 v20, v2;
	v2 =	vnsel vm12, $0x0, v3  }
0x20d: {  	s6 =	sand.u32 $0x1E0, s8;
	v0 =	vadd.f32 v2, v0;
	v3 =	vld [tilespmem:s5+$0xFFFFEE00]  }
0x20e: {  	v1 =	vadd.f32 v18, v1;
	v12 =	vld [tilespmem:s6+$0x1000];
	v10 =	vmul.f32 v4, v5;
	v11 =	vmul.f32 v8, v7  }
0x20f: {  	v2 =	vimm.f32 $0.0e+00;
	v15 =	vld [tilespmem:s6+$0x1200];
	v13 =	vmul.f32 v9, v6;
	v14 =	vmul.f32 $5.000000000e-01, v5  }
0x210: {  	vm13 =	vlt.f32 v6, $0.0e+00;
	v16 =	vmul.f32 $5.000000000e-01, v4;
	v17 =	vmul.f32 $5.000000000e-01, v6  }
0x211: {  	v20 =	vld [tilespmem:s6+$0x400];
	vm1 =	vlt.f32 v5, $0.0e+00;
	v18 =	vmul.f32 $5.000000000e-01, v7;
	v19 =	vmul.f32 $5.000000000e-01, v9  }
0x212: {  	vm2 =	vlt.f32 v7, $0.0e+00;
	v53 =	vmul.f32 $5.000000000e-01, v8;
	v3 =	vtrunc.f32 v3  }
0x213: {  	v6 =	vand.u32 $0x7FFFFFFF, v6;
	v5 =	vand.u32 $0x7FFFFFFF, v5;
	v7 =	vand.u32 $0x7FFFFFFF, v7  }
0x214: {  	v9 =	vadd.f32 $1.000000010e-07, v9;
	v4 =	vadd.f32 $1.000000010e-07, v4;
	v22 =	vmul.f32 v15, v12  }
0x215: {  	v23 =	vmul.f32 $5.000000000e-01, v12;
	v24 =	vmul.f32 $5.000000000e-01, v15;
	v8 =	vadd.f32 $1.000000010e-07, v8  }
0x216: {  	v20 =	vtrunc.f32 v20;
	vm3 =	vlt.f32 v12, $0.0e+00;
	v15 =	vadd.f32 $1.000000010e-07, v15  }
0x217: {  	v12 =	vand.u32 $0x7FFFFFFF, v12;
	v25 =	vcvt.f32.s32 v3;
	v3 =	vadd.f32 v13, v10  }
0x218: {  	vm4 =	vlt.f32 v8, $0.0e+00;
	vm5 =	vlt.f32 v9, $0.0e+00;
	vm6 =	vlt.f32 v4, $0.0e+00  }
0x219: {  	v10 =	vcvt.f32.s32 v20;
	v9 =	vand.u32 $0x7FFFFFFF, v9;
	v13 =	vand.u32 $0x7FFFFFFF, v4  }
0x21a: {  	v4 =	vadd.f32 v22, v11;
	v8 =	vand.u32 $0x7FFFFFFF, v8;
	vm14 =	vlt.f32 v15, $0.0e+00  }
0x21b: {  	v15 =	vand.u32 $0x7FFFFFFF, v15;
	vm0 =	vmxor vm13, vm5;
	vm2 =	vmxor vm2, vm4  }
0x21c: {  	vm1 =	vmxor vm1, vm6;
	v11 =	vand.u32 $0x7F, v25;
	v20 =	vsub.f32 $0.0e+00, v9  }
0x21d: {  	v54 =	vsub.f32 $0.0e+00, v13;
	v25 =	vshrl.u32 v25, $0x7;
	v26 =	vsub.f32 v6, v9  }
0x21e: {  	v27 =	vsub.f32 v5, v13;
	v28 =	vsub.f32 $0.0e+00, v8;
	v30 =	vmul.f32 $2.414213660e+00, v9  }
0x21f: {  	v29 =	vsub.f32 v7, v8;
	v31 =	vmul.f32 $4.142135680e-01, v9;
	v33 =	vmul.f32 $2.414213660e+00, v13  }
0x220: {  	s9 =	simm.s32 $0x2A10;
	v32 =	vadd.f32 v9, v6;
	v34 =	vmul.f32 $2.414213660e+00, v8;
	v35 =	vmul.f32 $4.142135680e-01, v13  }
0x221: {  	s10 =	simm.s32 $0x2E10;
	v39 =	vld [tilespmem:s9+$0x0];
	v36 =	vadd.f32 v13, v5;
	v37 =	vmul.f32 $4.142135680e-01, v8;
	v38 =	vadd.f32 v8, v7  }
0x222: {  	v40 =	vld [tilespmem:s10+$0x0];
	vm3 =	vmxor vm3, vm14;
	v42 =	vsub.f32 $0.0e+00, v15;
	v44 =	vmul.f32 $2.414213660e+00, v15  }
0x223: {  	v43 =	vld [tilespmem:s5+$0xFFFFFE00];
	v45 =	vmul.f32 $4.142135680e-01, v15;
	v46 =	vsub.f32 v12, v15;
	v11 =	vcvt.s32.f32 v11  }
0x224: {  	v47 =	vld [tilespmem:s5+$0x0];
	v25 =	vcvt.s32.f32 v25;
	v41 =	vand.u32 $0x7F, v10;
	v10 =	vshrl.u32 v10, $0x7  }
0x225: {  	v48 =	vadd.f32 v15, v12;
	v41 =	vcvt.s32.f32 v41;
	v10 =	vcvt.s32.f32 v10  }
0x226: {  	vm8 =	vgt.f32 v6, v30;
	vm15 =	vgt.f32 v6, v31;
	vm7 =	vgt.f32 v5, v33  }
0x227: {  	v55 =	vld [tilespmem:s9+$0xFFFFFFF0];
	vm12 =	vgt.f32 v7, v34;
	vm13 =	vgt.f32 v5, v35;
	vm9 =	vgt.f32 v7, v37  }
0x228: {  	v57 =	vld [tilespmem:s10+$0xFFFFFFF0];
	vm14 =	vgt.f32 v12, v44;
	v56 =	vadd.f32 v11, v39;
	v58 =	vadd.f32 v25, v40  }
0x229: {  	v11 =	vadd.f32 v11, v43;
	v25 =	vadd.f32 v25, v47;
	v59 =	vsel vm15, $0x3F490FDB, v2  }
0x22a: {  	v61 =	vld [tilespmem:s6+$0x1400];
	v60 =	vsel vm13, $0x3F490FDB, v2;
	v62 =	vsel vm9, $0x3F490FDB, v2;
	v26 =	vsel vm15, v26, v6  }
0x22b: {  	v63 =	vld [tilespmem:s6+$0x1600];
	v27 =	vsel vm13, v27, v5;
	v29 =	vsel vm9, v29, v7;
	v9 =	vsel vm15, v32, v9  }
0x22c: {  	v13 =	vsel vm13, v36, v13;
	vm15 =	vgt.f32 v12, v45;
	v8 =	vsel vm9, v38, v8  }
0x22d: {  	v30 =	vadd.f32 v41, v55;
	v47 =	vadd.f32 v10, v57;
	v6 =	vsel vm8, v6, v9  }
0x22e: {  	v9 =	vsel vm15, v48, v15;
	v7 =	vsel vm12, v7, v8;
	(erf) = vrcp.f32 v6  }
0x22f: {  	v15 =	vadd.f32 v41, v61;
	v6 =	vsel vm14, v12, v9;
	(erf) = vrcp.f32 v7  }
0x230: {  	v9 =	vadd.f32 v10, v63;
	v7 =	vsel vm7, v5, v13;
	(erf) = vrcp.f32 v6  }
0x231: {  	v10 =	vsub.f32 v56, v14;
	v48 =	vsub.f32 v58, v16;
	(erf) = vrcp.f32 v7  }
0x232: {  	v33 =	vsel vm7, $0x3FC90FDB, v60;
	v16 =	vadd.f32 v58, v16;
	v49 =	vsub.f32 v11, v17  }
0x233: {  	v34 =	vsel vm12, $0x3FC90FDB, v62;
	v5 =	vsub.f32 v56, v11;
	v13 =	vadd.f32 v56, v14  }
0x234: {  	v20 =	vsel vm8, v20, v26;
	v11 =	vadd.f32 v11, v17;
	v17 =	vsub.f32 v25, v19  }
0x235: {  	v50 =	vsel vm12, v28, v29;
	v19 =	vadd.f32 v25, v19;
	v28 =	vsub.f32 v47, v53  }
0x236: {  	v12 =	vsel vm15, v46, v12;
	v21 =	vadd.f32 v47, v53;
	v6 =	vsub.f32 v58, v25  }
0x237: {  	v12 =	vsel vm14, v42, v12;
	v8 =	vsub.f32 v47, v9;
	v25 =	vsub.f32 v30, v18;
	v51 =	vpop (erf)  }
0x238: {  	v22 =	vsel vm7, v54, v27;
	v18 =	vadd.f32 v30, v18;
	v32 =	vsub.f32 v9, v24;
	v52 =	vpop (erf)  }
0x239: {  	v14 =	vsel vm8, $0x3FC90FDB, v59;
	v7 =	vsub.f32 v30, v15;
	v30 =	vsub.f32 v15, v23;
	v53 =	vpop (erf)  }
0x23a: {  	v15 =	vadd.f32 v15, v23;
	v26 =	vmul.f32 v52, v50;
	v23 =	vmul.f32 v53, v12;
	v12 =	vpop (erf)  }
0x23b: {  	v24 =	vadd.f32 v9, v24;
	v20 =	vmul.f32 v51, v20;
	v22 =	vmul.f32 v12, v22  }
0x23c: {  	v54 =	vmin.f32 v10, v49;
	v27 =	vmul.f32 v26, v26;
	v12 =	vmul.f32 v23, v23  }
0x23d: {  	v9 =	vmax.f32 v13, v11;
	v55 =	vmul.f32 v20, v20;
	v56 =	vmul.f32 v22, v22  }
0x23e: {  	v59 =	vmax.f32 v16, v19;
	v58 =	vmul.f32 $8.053744580e-02, v27;
	v57 =	vmul.f32 $8.053744580e-02, v12  }
0x23f: {  	v60 =	vmin.f32 v48, v17;
	v61 =	vmul.f32 $8.053744580e-02, v55;
	v62 =	vmul.f32 $8.053744580e-02, v56  }
0x240: {  	v11 =	vmin.f32 v13, v11;
	v39 =	vadd.f32 $-1.387768540e-01, v58;
	v38 =	vadd.f32 $-1.387768540e-01, v57  }
0x241: {  	v13 =	vmax.f32 v10, v49;
	v63 =	vadd.f32 $-1.387768540e-01, v61;
	v45 =	vadd.f32 $-1.387768540e-01, v62  }
0x242: {  	v10 =	vsub.f32 v9, v54;
	v39 =	vmul.f32 v39, v27;
	v38 =	vmul.f32 v38, v12  }
0x243: {  	v9 =	vsub.f32 v59, v60;
	v46 =	vmul.f32 v63, v55;
	v47 =	vmul.f32 v45, v56  }
0x244: {  	v16 =	vmin.f32 v16, v19;
	v39 =	vadd.f32 $1.997771110e-01, v39;
	v38 =	vadd.f32 $1.997771110e-01, v38  }
0x245: {  	v17 =	vmax.f32 v48, v17;
	v19 =	vadd.f32 $1.997771110e-01, v46;
	v48 =	vadd.f32 $1.997771110e-01, v47  }
0x246: {  	v49 =	vmax.f32 v18, v15;
	v51 =	vmul.f32 v39, v27;
	v50 =	vmul.f32 v38, v12  }
0x247: {  	v15 =	vmin.f32 v18, v15;
	v19 =	vmul.f32 v19, v55;
	v29 =	vmul.f32 v48, v56  }
0x248: {  	v52 =	vmin.f32 v25, v30;
	v38 =	vadd.f32 $-3.333294990e-01, v51;
	v35 =	vadd.f32 $-3.333294990e-01, v50  }
0x249: {  	v58 =	vmax.f32 v25, v30;
	v19 =	vadd.f32 $-3.333294990e-01, v19;
	v29 =	vadd.f32 $-3.333294990e-01, v29  }
0x24a: {  	v27 =	vmul.f32 v38, v27;
	v35 =	vmul.f32 v35, v12;
	v12 =	vsub.f32 v11, v13  }
0x24b: {  	v11 =	vsub.f32 v16, v17;
	v16 =	vmul.f32 v19, v55;
	v17 =	vmul.f32 v29, v56  }
0x24c: {  	v15 =	vsub.f32 v15, v58;
	v27 =	vmul.f32 v27, v26;
	v55 =	vmul.f32 v35, v23  }
0x24d: {  	v19 =	vsub.f32 v49, v52;
	v16 =	vmul.f32 v16, v20;
	v17 =	vmul.f32 v17, v22  }
0x24e: {  	v56 =	vsel vm15, $0x3F490FDB, v2;
	v26 =	vadd.f32 v27, v26;
	v23 =	vadd.f32 v55, v23  }
0x24f: {  	v57 =	vsel vm14, $0x3FC90FDB, v56;
	v16 =	vadd.f32 v16, v20;
	v17 =	vadd.f32 v17, v22  }
0x250: {  	v54 =	vmin.f32 v28, v32;
	v20 =	vadd.f32 v26, v34;
	v18 =	vadd.f32 v23, v57  }
0x251: {  	v53 =	vmax.f32 v21, v24;
	v59 =	vadd.f32 v16, v14;
	v17 =	vadd.f32 v17, v33  }
0x252: {  	v61 =	vmax.f32 v28, v32;
	v60 =	vsub.f32 $0.0e+00, v20;
	v16 =	vsub.f32 $0.0e+00, v18  }
0x253: {  	v13 =	vsub.f32 v53, v54;
	v14 =	vmin.f32 v21, v24;
	v62 =	vsub.f32 $0.0e+00, v59  }
0x254: {  	v16 =	vsel vm3, v16, v18;
	v18 =	vsel vm2, v60, v20;
	v20 =	vsub.f32 $0.0e+00, v17  }
0x255: {  	v63 =	vsub.f32 v14, v61;
	v14 =	vmul.f32 v19, v19;
	v19 =	vsub.f32 v16, v18  }
0x256: {  	v16 =	vmax.f32 v15, $0.0e+00;
	v15 =	vsel vm0, v62, v59;
	v20 =	vsel vm1, v20, v17  }
0x257: {  	s11 =	simm.s32 $0x0;
	s12 =	simm.s32 $0x2230;
	v18 =	vmax.f32 v63, $0.0e+00;
	v17 =	vmul.f32 v19, v19;
	v15 =	vsub.f32 v15, v20  }
.LBB2_3:
0x258: {  	v19 =	vld [tilespmem:s12+$0x0];
	v16 =	vmul.f32 v18, v16;
	v13 =	vmul.f32 v13, v13;
	v12 =	vmax.f32 v12, $0.0e+00;
	s7 =	sadd.s32 $0x20, s7  }
0x259: {  	v11 =	vmax.f32 v11, $0.0e+00;
	v18 =	vld [tilespmem:s7+$0x0];
	v17 =	vmul.f32 $4.052847330e-01, v17;
	v15 =	vmul.f32 v15, v15  }
0x25a: {  	v10 =	vmul.f32 v10, v10;
	v11 =	vmul.f32 v11, v12;
	v4 =	vsub.f32 v4, v16  }
0x25b: {  	v12 =	vadd.f32 v13, v14;
	v13 =	vadd.f32 $1.000000000e+00, v17;
	v14 =	vmul.f32 $4.052847330e-01, v15  }
0x25c: {  	v9 =	vmul.f32 v9, v9;
	v3 =	vsub.f32 v3, v11;
	v4 =	vadd.f32 $1.000000010e-07, v4  }
0x25d: {  	v13 =	vadd.f32 $1.000000010e-07, v13;
	v15 =	vadd.f32 $1.000000000e+00, v14  }
0x25e: {  	v9 =	vadd.f32 v9, v10;
	v12 =	vadd.f32 $1.000000010e-07, v12;
	v20 =	vmul.f32 v18, v19  }
0x25f: {  	v3 =	vadd.f32 $1.000000010e-07, v3;
	v10 =	vmul.f32 v13, v4;
	v13 =	vadd.f32 $1.000000010e-07, v15  }
0x260: {  	v5 =	vmul.f32 v5, v5;
	v6 =	vmul.f32 v6, v6;
	v9 =	vadd.f32 $1.000000010e-07, v9  }
0x261: {  	v15 =	vmul.f32 v4, v12;
	v10 =	vsub.f32 v10, v16;
	v13 =	vmul.f32 v13, v3  }
0x262: {  	v7 =	vmul.f32 v7, v7;
	v8 =	vmul.f32 v8, v8;
	v5 =	vadd.f32 v6, v5  }
0x263: {  	v22 =	vmul.f32 v3, v9;
	v6 =	vmul.f32 v10, v15;
	v21 =	vld [tilespmem:s5+$0xFFFFF000];
	v13 =	vsub.f32 v13, v11;
	s5 =	sadd.s32 $0x20, s5  }
0x264: {  	v9 =	vmul.f32 v9, v11;
	v5 =	vmul.f32 v3, v5;
	v23 =	vld [tilespmem:s5+$0xFFFFFA00]  }
0x265: {  	v7 =	vadd.f32 v8, v7;
	v24 =	vld [tilespmem:s12+$0xFFFFFFF0];
	v8 =	vmul.f32 v13, v22;
	(erf) = vrcp.f32 v6  }
0x266: {  	v11 =	vmul.f32 v17, v17;
	v6 =	vmul.f32 v12, v16;
	v25 =	vld [tilespmem:s5+$0xFFFFFC00]  }
0x267: {  	v7 =	vmul.f32 v4, v7;
	v16 =	vld [tilespmem:s7+$0xFFFFFFF0];
	(erf) = vrcp.f32 v8  }
0x268: {  	v4 =	vmul.f32 v11, v4;
	v8 =	vmul.f32 v14, v14  }
0x269: {  	v7 =	vmul.f32 v10, v7;
	v6 =	vmul.f32 v10, v6  }
0x26a: {  	v4 =	vmul.f32 v4, v15;
	vm3 =	vgt.f32 v21, $0.0e+00;
	v3 =	vmul.f32 v8, v3  }
0x26b: {  	v5 =	vmul.f32 v13, v5;
	v8 =	vsub.f32 v6, v7;
	v7 =	vmul.f32 v13, v9  }
0x26c: {  	vm0 =	vlt.f32 v23, $0.0e+00;
	v26 =	vmul.f32 v25, v23;
	v17 =	vmul.f32 v16, v24;
	v13 =	vld [tilespmem:s5+$0xFFFFEE00]  }
0x26d: {  	v4 =	vsub.f32 v8, v4;
	v10 =	vsub.f32 v7, v5;
	v3 =	vmul.f32 v3, v22;
	v14 =	vld [tilespmem:s6+$0x600]  }
0x26e: {  	s8 =	sadd.s32 $0x20, s8;
	vm1 =	vlt.f32 v19, $0.0e+00;
	v11 =	vmul.f32 $5.000000000e-01, v19;
	v7 =	vmul.f32 $5.000000000e-01, v18;
	v6 =	vpop (erf)  }
0x26f: {  	v8 =	vmul.f32 $5.000000000e-01, v23;
	s6 =	sand.u32 $0x1E0, s8;
	v3 =	vsub.f32 v10, v3;
	v4 =	vmul.f32 v4, v6  }
0x270: {  	v9 =	vmul.f32 $5.000000000e-01, v24;
	vm2 =	vlt.f32 v24, $0.0e+00;
	v12 =	vmul.f32 $5.000000000e-01, v25;
	v15 =	vld [tilespmem:s6+$0x1000];
	v5 =	vpop (erf)  }
0x271: {  	v10 =	vmul.f32 $5.000000000e-01, v16;
	v22 =	vld [tilespmem:s6+$0x1200];
	v4 =	vsub.f32 $1.000000000e+00, v4;
	v3 =	vmul.f32 v3, v5  }
0x272: {  	v6 =	vand.u32 $0x7FFFFFFF, v23;
	v27 =	vtrunc.f32 v13;
	vm4 =	vgt.f32 v14, $0.0e+00  }
0x273: {  	v5 =	vand.u32 $0x7FFFFFFF, v19;
	v23 =	vld [tilespmem:s6+$0x400];
	v4 =	vnsel vm4, $0x0, v4;
	v3 =	vsub.f32 $1.000000000e+00, v3  }
0x274: {  	v19 =	vand.u32 $0x7FFFFFFF, v24;
	v1 =	vadd.f32 v14, v1;
	v0 =	vadd.f32 v4, v0  }
0x275: {  	v18 =	vadd.f32 $1.000000010e-07, v18;
	v4 =	vadd.f32 $1.000000010e-07, v25;
	v3 =	vnsel vm3, $0x0, v3  }
0x276: {  	v1 =	vadd.f32 v21, v1;
	v24 =	vmul.f32 v22, v15;
	v0 =	vadd.f32 v3, v0  }
0x277: {  	v16 =	vadd.f32 $1.000000010e-07, v16;
	v14 =	vmul.f32 $5.000000000e-01, v15;
	v13 =	vmul.f32 $5.000000000e-01, v22  }
0x278: {  	vm3 =	vlt.f32 v15, $0.0e+00;
	v21 =	vtrunc.f32 v23;
	v23 =	vcvt.f32.s32 v27  }
0x279: {  	v22 =	vadd.f32 $1.000000010e-07, v22;
	v15 =	vand.u32 $0x7FFFFFFF, v15;
	v3 =	vadd.f32 v26, v20  }
0x27a: {  	vm6 =	vlt.f32 v18, $0.0e+00;
	vm4 =	vlt.f32 v16, $0.0e+00;
	vm5 =	vlt.f32 v4, $0.0e+00  }
0x27b: {  	v18 =	vand.u32 $0x7FFFFFFF, v18;
	v20 =	vcvt.f32.s32 v21;
	v21 =	vand.u32 $0x7FFFFFFF, v4  }
0x27c: {  	v16 =	vand.u32 $0x7FFFFFFF, v16;
	vm0 =	vmxor vm0, vm5;
	v4 =	vadd.f32 v24, v17  }
0x27d: {  	vm1 =	vmxor vm1, vm6;
	vm2 =	vmxor vm2, vm4;
	vm5 =	vlt.f32 v22, $0.0e+00  }
0x27e: {  	v25 =	vsub.f32 $0.0e+00, v18;
	v17 =	vand.u32 $0x7F, v23;
	v24 =	vsub.f32 $0.0e+00, v21  }
0x27f: {  	v27 =	vsub.f32 v5, v18;
	v23 =	vshrl.u32 v23, $0x7;
	v26 =	vsub.f32 v6, v21  }
0x280: {  	v28 =	vsub.f32 $0.0e+00, v16;
	v29 =	vsub.f32 v19, v16;
	v30 =	vmul.f32 $2.414213660e+00, v21  }
0x281: {  	v33 =	vmul.f32 $2.414213660e+00, v18;
	v31 =	vmul.f32 $4.142135680e-01, v21;
	v32 =	vadd.f32 v21, v6  }
0x282: {  	s9 =	sadd.s32 $0x20, s9;
	v35 =	vmul.f32 $4.142135680e-01, v18;
	v36 =	vadd.f32 v18, v5;
	v34 =	vmul.f32 $2.414213660e+00, v16  }
0x283: {  	s10 =	sadd.s32 $0x20, s10;
	v37 =	vmul.f32 $4.142135680e-01, v16;
	v38 =	vadd.f32 v16, v19;
	v22 =	vand.u32 $0x7FFFFFFF, v22;
	v39 =	vld [tilespmem:s9+$0x0]  }
0x284: {  	s11 =	sadd.s32 $0x2, s11;
	vm3 =	vmxor vm3, vm5;
	v17 =	vcvt.s32.f32 v17;
	v23 =	vcvt.s32.f32 v23;
	v40 =	vld [tilespmem:s10+$0x0]  }
0x285: {  	p0 =	slt.u32 s11, $0x1E;
	v42 =	vsub.f32 $0.0e+00, v22;
	v41 =	vand.u32 $0x7F, v20;
	v20 =	vshrl.u32 v20, $0x7;
	v43 =	vld [tilespmem:s5+$0xFFFFFE00]  }
0x286: {  	v44 =	vmul.f32 $2.414213660e+00, v22;
	v45 =	vmul.f32 $4.142135680e-01, v22;
	v46 =	vsub.f32 v15, v22;
	v47 =	vld [tilespmem:s5+$0x0]  }
0x287: {  	v48 =	vadd.f32 v22, v15;
	v41 =	vcvt.s32.f32 v41;
	v20 =	vcvt.s32.f32 v20  }
0x288: {  	vm7 =	vgt.f32 v5, v33;
	vm8 =	vgt.f32 v6, v30;
	vm4 =	vgt.f32 v6, v31  }
0x289: {  	vm6 =	vgt.f32 v19, v34;
	vm5 =	vgt.f32 v5, v35;
	v31 =	vadd.f32 v17, v39;
	v30 =	vld [tilespmem:s9+$0xFFFFFFF0]  }
0x28a: {  	vm9 =	vgt.f32 v19, v37;
	v34 =	vadd.f32 v23, v40;
	v33 =	vld [tilespmem:s10+$0xFFFFFFF0];
	v17 =	vadd.f32 v17, v43  }
0x28b: {  	v37 =	vsel vm5, $0x3F490FDB, v2;
	v35 =	vsel vm4, $0x3F490FDB, v2;
	v23 =	vadd.f32 v23, v47  }
0x28c: {  	v27 =	vsel vm5, v27, v5;
	v26 =	vsel vm4, v26, v6;
	v40 =	vsel vm9, $0x3F490FDB, v2;
	v39 =	vld [tilespmem:s6+$0x1400]  }
0x28d: {  	v29 =	vsel vm9, v29, v19;
	v18 =	vsel vm5, v36, v18;
	v21 =	vsel vm4, v32, v21;
	v43 =	vld [tilespmem:s6+$0x1600]  }
0x28e: {  	v16 =	vsel vm9, v38, v16;
	vm5 =	vgt.f32 v15, v45;
	vm4 =	vgt.f32 v15, v44  }
0x28f: {  	v6 =	vsel vm8, v6, v21;
	v30 =	vadd.f32 v41, v30;
	v32 =	vadd.f32 v20, v33  }
0x290: {  	v16 =	vsel vm6, v19, v16;
	v21 =	vsel vm5, v48, v22;
	(erf) = vrcp.f32 v6  }
0x291: {  	v6 =	vsel vm4, v15, v21;
	v19 =	vadd.f32 v41, v39;
	(erf) = vrcp.f32 v16  }
0x292: {  	v18 =	vsel vm7, v5, v18;
	v16 =	vadd.f32 v20, v43;
	(erf) = vrcp.f32 v6  }
0x293: {  	v5 =	vsub.f32 v31, v17;
	v6 =	vsub.f32 v34, v23;
	(erf) = vrcp.f32 v18  }
0x294: {  	v20 =	vsel vm8, $0x3FC90FDB, v35;
	v18 =	vsub.f32 v31, v11;
	v11 =	vadd.f32 v31, v11  }
0x295: {  	v22 =	vadd.f32 v34, v7;
	v21 =	vsub.f32 v34, v7;
	v31 =	vsel vm7, $0x3FC90FDB, v37  }
0x296: {  	v33 =	vsel vm6, $0x3FC90FDB, v40;
	v34 =	vsub.f32 v17, v8;
	v17 =	vadd.f32 v17, v8  }
0x297: {  	v35 =	vsub.f32 v23, v12;
	v12 =	vadd.f32 v23, v12;
	v23 =	vsel vm8, v24, v26  }
0x298: {  	v24 =	vsel vm7, v25, v27;
	v7 =	vsub.f32 v30, v19;
	v8 =	vsub.f32 v32, v16  }
0x299: {  	v25 =	vsub.f32 v30, v9;
	v26 =	vadd.f32 v30, v9;
	v9 =	vsel vm6, v28, v29;
	v27 =	vpop (erf)  }
0x29a: {  	v28 =	vsub.f32 v32, v10;
	v29 =	vadd.f32 v32, v10;
	v10 =	vsel vm5, v46, v15;
	v15 =	vpop (erf)  }
0x29b: {  	v30 =	vsub.f32 v19, v14;
	v14 =	vadd.f32 v19, v14;
	v10 =	vsel vm4, v42, v10;
	v19 =	vpop (erf)  }
0x29c: {  	v32 =	vsub.f32 v16, v13;
	v15 =	vmul.f32 v15, v9;
	v19 =	vmul.f32 v19, v10;
	v9 =	vpop (erf)  }
0x29d: {  	v16 =	vadd.f32 v16, v13;
	v23 =	vmul.f32 v27, v23;
	v24 =	vmul.f32 v9, v24  }
0x29e: {  	v27 =	vmul.f32 v15, v15;
	v9 =	vmax.f32 v11, v17;
	v13 =	vmul.f32 v19, v19  }
0x29f: {  	v10 =	vmin.f32 v18, v34;
	v36 =	vmul.f32 v23, v23;
	v37 =	vmul.f32 v24, v24  }
0x2a0: {  	v40 =	vmax.f32 v22, v12;
	v39 =	vmul.f32 $8.053744580e-02, v27;
	v38 =	vmul.f32 $8.053744580e-02, v13  }
0x2a1: {  	v41 =	vmin.f32 v21, v35;
	v42 =	vmul.f32 $8.053744580e-02, v36;
	v43 =	vmul.f32 $8.053744580e-02, v37  }
0x2a2: {  	v11 =	vmin.f32 v11, v17;
	v39 =	vadd.f32 $-1.387768540e-01, v39;
	v38 =	vadd.f32 $-1.387768540e-01, v38  }
0x2a3: {  	v17 =	vmax.f32 v18, v34;
	v18 =	vadd.f32 $-1.387768540e-01, v42;
	v34 =	vadd.f32 $-1.387768540e-01, v43  }
0x2a4: {  	v10 =	vsub.f32 v9, v10;
	v39 =	vmul.f32 v39, v27;
	v38 =	vmul.f32 v38, v13  }
0x2a5: {  	v9 =	vsub.f32 v40, v41;
	v18 =	vmul.f32 v18, v36;
	v34 =	vmul.f32 v34, v37  }
0x2a6: {  	v22 =	vmin.f32 v22, v12;
	v39 =	vadd.f32 $1.997771110e-01, v39;
	v38 =	vadd.f32 $1.997771110e-01, v38  }
0x2a7: {  	v21 =	vmax.f32 v21, v35;
	v12 =	vadd.f32 $1.997771110e-01, v18;
	v18 =	vadd.f32 $1.997771110e-01, v34  }
0x2a8: {  	v34 =	vmax.f32 v26, v14;
	v35 =	vmul.f32 v38, v13;
	v38 =	vmul.f32 v39, v27  }
0x2a9: {  	v12 =	vmul.f32 v12, v36;
	v39 =	vmin.f32 v25, v30;
	v18 =	vmul.f32 v18, v37  }
0x2aa: {  	v40 =	vmax.f32 v29, v16;
	v35 =	vadd.f32 $-3.333294990e-01, v35;
	v38 =	vadd.f32 $-3.333294990e-01, v38  }
0x2ab: {  	v41 =	vmin.f32 v28, v32;
	v42 =	vadd.f32 $-3.333294990e-01, v12;
	v18 =	vadd.f32 $-3.333294990e-01, v18  }
0x2ac: {  	v12 =	vsub.f32 v11, v17;
	v13 =	vmul.f32 v35, v13;
	v27 =	vmul.f32 v38, v27  }
0x2ad: {  	v11 =	vsub.f32 v22, v21;
	v17 =	vmul.f32 v42, v36;
	v18 =	vmul.f32 v18, v37  }
0x2ae: {  	v21 =	vsub.f32 v34, v39;
	v22 =	vmul.f32 v13, v19;
	v27 =	vmul.f32 v27, v15  }
0x2af: {  	v17 =	vmul.f32 v17, v23;
	v13 =	vsub.f32 v40, v41;
	v18 =	vmul.f32 v18, v24  }
0x2b0: {  	v34 =	vsel vm5, $0x3F490FDB, v2;
	v19 =	vadd.f32 v22, v19;
	v15 =	vadd.f32 v27, v15  }
0x2b1: {  	v17 =	vadd.f32 v17, v23;
	v22 =	vsel vm4, $0x3FC90FDB, v34;
	v18 =	vadd.f32 v18, v24  }
0x2b2: {  	v14 =	vmin.f32 v26, v14;
	v19 =	vadd.f32 v19, v22;
	v15 =	vadd.f32 v15, v33  }
0x2b3: {  	v17 =	vadd.f32 v17, v20;
	v22 =	vmax.f32 v25, v30;
	v18 =	vadd.f32 v18, v31  }
0x2b4: {  	v16 =	vmin.f32 v29, v16;
	v20 =	vsub.f32 $0.0e+00, v19;
	v23 =	vsub.f32 $0.0e+00, v15  }
.Ltmp1:
0x2b5: {  	v24 =	vsub.f32 $0.0e+00, v17;
	v22 =	vsub.f32 v14, v22;
	v14 =	vmax.f32 v28, v32;
	(pc) =	sbr.rel @p0 .LBB2_3-.Ltmp1, $4  }
0x2b6: {  	v19 =	vsel vm3, v20, v19;
	v15 =	vsel vm2, v23, v15;
	v20 =	vsub.f32 $0.0e+00, v18  }
0x2b7: {  	v23 =	vsub.f32 v16, v14;
	v14 =	vmul.f32 v21, v21;
	v15 =	vsub.f32 v19, v15  }
0x2b8: {  	v16 =	vmax.f32 v22, $0.0e+00;
	v19 =	vsel vm0, v24, v17;
	v20 =	vsel vm1, v20, v18  }
0x2b9: {  	s12 =	sadd.s32 $0x20, s12;
	v18 =	vmax.f32 v23, $0.0e+00;
	v17 =	vmul.f32 v15, v15;
	v15 =	vsub.f32 v19, v20  }
0x2ba: {  	v2 =	vmul.f32 v18, v16;
	v13 =	vmul.f32 v13, v13;
	v12 =	vmax.f32 v12, $0.0e+00  }
0x2bb: {  	v11 =	vmax.f32 v11, $0.0e+00;
	v45 =	vmul.f32 $4.052847330e-01, v17;
	v15 =	vmul.f32 v15, v15  }
0x2bc: {  	v10 =	vmul.f32 v10, v10;
	v11 =	vmul.f32 v11, v12;
	v4 =	vsub.f32 v4, v2  }
0x2bd: {  	v46 =	vadd.f32 v13, v14;
	v47 =	vadd.f32 $1.000000000e+00, v45;
	v48 =	vmul.f32 $4.052847330e-01, v15  }
0x2be: {  	v9 =	vmul.f32 v9, v9;
	v3 =	vsub.f32 v3, v11;
	v4 =	vadd.f32 $1.000000010e-07, v4  }
0x2bf: {  	v13 =	vadd.f32 $1.000000010e-07, v47;
	v15 =	vadd.f32 $1.000000000e+00, v48  }
0x2c0: {  	v9 =	vadd.f32 v9, v10;
	v12 =	vadd.f32 $1.000000010e-07, v46  }
0x2c1: {  	v3 =	vadd.f32 $1.000000010e-07, v3;
	v49 =	vmul.f32 v13, v4;
	v50 =	vadd.f32 $1.000000010e-07, v15  }
0x2c2: {  	v5 =	vmul.f32 v5, v5;
	v6 =	vmul.f32 v6, v6;
	v9 =	vadd.f32 $1.000000010e-07, v9  }
0x2c3: {  	v51 =	vmul.f32 v4, v12;
	v10 =	vsub.f32 v49, v2;
	v13 =	vmul.f32 v50, v3  }
0x2c4: {  	v7 =	vmul.f32 v7, v7;
	v8 =	vmul.f32 v8, v8  }
0x2c5: {  	v53 =	vmul.f32 v3, v9;
	v52 =	vmul.f32 v10, v51;
	v13 =	vsub.f32 v13, v11  }
0x2c6: {  	v7 =	vadd.f32 v8, v7;
	v55 =	vmul.f32 v45, v45;
	v56 =	vmul.f32 v48, v48  }
0x2c7: {  	v54 =	vmul.f32 v13, v53;
	(erf) = vrcp.f32 v52  }
0x2c8: {  	v5 =	vadd.f32 v6, v5;
	v7 =	vmul.f32 v4, v7;
	v9 =	vmul.f32 v9, v11  }
0x2c9: {  	v2 =	vmul.f32 v12, v2;
	(erf) = vrcp.f32 v54  }
0x2ca: {  	v5 =	vmul.f32 v3, v5;
	v4 =	vmul.f32 v55, v4  }
0x2cb: {  	v2 =	vmul.f32 v10, v2;
	v7 =	vmul.f32 v10, v7  }
0x2cc: {  	v4 =	vmul.f32 v4, v51;
	v3 =	vmul.f32 v56, v3  }
0x2cd: {  	v2 =	vsub.f32 v2, v7;
	v57 =	vmul.f32 v13, v9;
	v5 =	vmul.f32 v13, v5;
	_ =	sdelay $0x1  }
0x2ce: {  	v58 =	vld [tilespmem:s6+$0x600];
	v3 =	vmul.f32 v3, v53;
	v2 =	vsub.f32 v2, v4;
	v59 =	vsub.f32 v57, v5  }
0x2cf: {  	v60 =	vpop (erf)  }
0x2d0: {  	v61 =	vld [tilespmem:s5+$0xFFFFF000];
	v3 =	vsub.f32 v59, v3;
	v2 =	vmul.f32 v2, v60  }
0x2d1: {  	v62 =	vpop (erf)  }
0x2d2: {  	v2 =	vsub.f32 $1.000000000e+00, v2;
	v3 =	vmul.f32 v3, v62  }
0x2d3: {  	vm0 =	vgt.f32 v58, $0.0e+00  }
0x2d4: {  	v1 =	vadd.f32 v58, v1;
	v2 =	vnsel vm0, $0x0, v2;
	v3 =	vsub.f32 $1.000000000e+00, v3  }
0x2d5: {  	vm15 =	vgt.f32 v61, $0.0e+00;
	v0 =	vadd.f32 v2, v0  }
0x2d6: {  	v1 =	vadd.f32 v61, v1;
	v63 =	vnsel vm15, $0x0, v3  }
0x2d7: {  	v0 =	vadd.f32 v63, v0  }
0x2d8: {  	s4 =	sshrl.u32 s4, $0x2;
	[tilespmem:$0x3010] =	vst v1  }
0x2d9: {  	s5 =	simm.s32 $0x3000;
	s4 =	sadd.s32 s4, s2;
	[tilespmem:$0x3000] =	vst v0  }
0x2da: {  	[spmem:s4] =	stream.linear.scatter [tilespmem:s5], [sflag:$0x3], $0x20, $0x38;
	[tilespmem:$0x32A0] =	vst v63  }
0x2db: {  	s4 =	simm.s32 $0x3  }
0x2dc: {  	_ =	swait.ge [sflag:s4], $0x20  }
0x2dd: {  	[sflag:s4] =	ssyncset.done $0x0  }
0x2de: {  	[sflag:s4] =	ssyncadd.s32 $0xFFFFFFE0  }
0x2df: {  	p0 =	sne.s32 s3, $0x0;
	[bflag:$0x0] =	sbarrier.arrive $0xFFFF  }
0x2e0: {  	_ =	sfence.sel @p0 $0x180000  }
0x2e1: {  	[bflag:$0x0] =	sbarrier.arrive @p0 $0xFFFF  }
0x2e2: {  	_ =	strace @p0 $0x90000047  }
0x2e3: {  	[bflag:$0x2] =	sbarrier.arrive @p0 $0xFFFF  }
0x2e4: {  	_ =	shalt @p0  }
.LBB2_5:
0x2e5: {  	s3 =	simm.s32 $0x3080  }
0x2e6: {  	[tilespmem:s3], [sflag:$0x3] =	stream.linear.gather [spmem:s2], $0x200, $0x38;
	[tilespmem:$0x32A0] =	vst v63  }
0x2e7: {  	_ =	swait.ge [sflag:s4], $0x200  }
0x2e8: {  	[sflag:s4] =	ssyncset.done $0x0  }
0x2e9: {  	[sflag:s4] =	ssyncadd.s32 $0xFFFFFE00  }
0x2ea: {  	v0 =	vld [tilespmem:$0x3090];
	_ =	sdelay $0x1  }
0x2eb: {  	v1 =	vld [tilespmem:$0x30B0];
	_ =	sdelay $0x1  }
0x2ec: {  	v2 =	vld [tilespmem:$0x30D0]  }
0x2ed: {  	v0 =	vadd.f32 $0.0e+00, v0  }
0x2ee: {  	v3 =	vld [tilespmem:$0x30F0]  }
0x2ef: {  	v0 =	vadd.f32 v1, v0  }
0x2f0: {  	v21 =	vld [tilespmem:$0x3110]  }
0x2f1: {  	v0 =	vadd.f32 v2, v0  }
0x2f2: {  	v22 =	vld [tilespmem:$0x3130]  }
0x2f3: {  	v4 =	vld [tilespmem:$0x3080];
	v0 =	vadd.f32 v3, v0  }
0x2f4: {  	v24 =	vld [tilespmem:$0x3150]  }
0x2f5: {  	v5 =	vld [tilespmem:$0x30A0];
	v0 =	vadd.f32 v21, v0  }
0x2f6: {  	v26 =	vld [tilespmem:$0x3170]  }
0x2f7: {  	v6 =	vld [tilespmem:$0x30C0];
	v0 =	vadd.f32 v22, v0  }
0x2f8: {  	v28 =	vld [tilespmem:$0x3190]  }
0x2f9: {  	v7 =	vld [tilespmem:$0x30E0];
	v23 =	vadd.f32 $0.0e+00, v4;
	v0 =	vadd.f32 v24, v0  }
0x2fa: {  	v30 =	vld [tilespmem:$0x31B0]  }
0x2fb: {  	v27 =	vld [tilespmem:$0x3100];
	v25 =	vadd.f32 v5, v23;
	v0 =	vadd.f32 v26, v0  }
0x2fc: {  	v32 =	vld [tilespmem:$0x31D0]  }
0x2fd: {  	v29 =	vld [tilespmem:$0x3120];
	v1 =	vadd.f32 v6, v25;
	v0 =	vadd.f32 v28, v0  }
0x2fe: {  	v34 =	vld [tilespmem:$0x31F0]  }
0x2ff: {  	v31 =	vld [tilespmem:$0x3140];
	v1 =	vadd.f32 v7, v1;
	v0 =	vadd.f32 v30, v0  }
0x300: {  	v36 =	vld [tilespmem:$0x3210]  }
0x301: {  	v33 =	vld [tilespmem:$0x3160];
	v1 =	vadd.f32 v27, v1;
	v0 =	vadd.f32 v32, v0  }
0x302: {  	v38 =	vld [tilespmem:$0x3230]  }
0x303: {  	v35 =	vld [tilespmem:$0x3180];
	v1 =	vadd.f32 v29, v1;
	v0 =	vadd.f32 v34, v0  }
0x304: {  	v40 =	vld [tilespmem:$0x3250]  }
0x305: {  	v41 =	vimm.s32 $0xFEDCBA98;
	v37 =	vld [tilespmem:$0x31A0];
	v1 =	vadd.f32 v31, v1;
	v0 =	vadd.f32 v36, v0  }
0x306: {  	v43 =	vimm.s32 $0x76543210;
	v42 =	vld [tilespmem:$0x3270];
	v4 =	vunpack.c.l.s4.s8 v41  }
0x307: {  	v6 =	vunpack.c.l.s4.s8 v43;
	v1 =	vadd.f32 v33, v1;
	v0 =	vadd.f32 v38, v0  }
0x308: {  	v47 =	vimm.s32 $0x3210FEDC;
	v48 =	vimm.s32 $0xBA987654;
	v39 =	vld [tilespmem:$0x31C0];
	v45 =	vunpack.c.0.s8.s32 v4  }
0x309: {  	v46 =	vunpack.c.0.s8.s32 v6;
	v1 =	vadd.f32 v35, v1;
	v0 =	vadd.f32 v40, v0  }
0x30a: {  	v44 =	vld [tilespmem:$0x31E0];
	v5 =	vunpack.c.l.s4.s8 v47;
	v2 =	vand.u32 $0xF, v45;
	v6 =	vunpack.c.l.s4.s8 v48  }
0x30b: {  	v2 =	vcombine.low v2, v46;
	v1 =	vadd.f32 v37, v1;
	v0 =	vadd.f32 v42, v0  }
0x30c: {  	v51 =	vimm.s32 $0x10FEDCBA;
	v8 =	vld [tilespmem:$0x3200];
	v49 =	vunpack.c.0.s8.s32 v5;
	v50 =	vunpack.c.0.s8.s32 v6  }
0x30d: {  	v52 =	vimm.s32 $0x98765432;
	v1 =	vadd.f32 v39, v1;
	v53 =	vperm.xlane v0, v2  }
0x30e: {  	v54 =	vunpack.c.l.s4.s8 v51;
	v55 =	vunpack.c.l.s4.s8 v52;
	v9 =	vld [tilespmem:$0x3220];
	v3 =	vcombine.low v50, v49  }
0x30f: {  	v57 =	vimm.s32 $0xFEDCBA9;
	v1 =	vadd.f32 v44, v1;
	v0 =	vadd.f32 v53, v0  }
0x310: {  	v56 =	vld [tilespmem:$0x3240];
	v4 =	vunpack.c.0.s8.s32 v54;
	v5 =	vunpack.c.0.s8.s32 v55;
	v3 =	vand.u32 $0xF, v3  }
0x311: {  	v58 =	vimm.s32 $0x87654321;
	v1 =	vadd.f32 v8, v1;
	v10 =	vperm.xlane v0, v3  }
0x312: {  	v59 =	vld [tilespmem:$0x3260];
	v4 =	vcombine.low v5, v4;
	v7 =	vunpack.c.l.s4.s8 v57;
	v8 =	vunpack.c.l.s4.s8 v58  }
0x313: {  	v1 =	vadd.f32 v9, v1;
	v0 =	vadd.f32 v10, v0  }
0x314: {  	v4 =	vand.u32 $0xF, v4;
	v7 =	vunpack.c.0.s8.s32 v7;
	v8 =	vunpack.c.0.s8.s32 v8  }
0x315: {  	v1 =	vadd.f32 v56, v1;
	v60 =	vperm.xlane v0, v4  }
0x316: {  	v7 =	vcombine.low v8, v7  }
0x317: {  	v1 =	vadd.f32 v59, v1;
	v0 =	vadd.f32 v60, v0  }
0x318: {  	v61 =	vand.u32 $0xF, v7  }
0x319: {  	v2 =	vperm.xlane v1, v2;
	v6 =	vperm.xlane v0, v61;
	_ =	sdelay $0x1  }
0x31a: {  	v1 =	vadd.f32 v2, v1;
	v0 =	vadd.f32 v6, v0;
	_ =	sdelay $0x1  }
0x31b: {  	v2 =	vperm.xlane v1, v3;
	v0 =	vadd.f32 $9.999999740e-05, v0;
	_ =	sdelay $0x1  }
0x31c: {  	v1 =	vadd.f32 v2, v1;
	(erf) = vrcp.f32 v0;
	_ =	sdelay $0x1  }
0x31d: {  	v62 =	vperm.xlane v1, v4;
	_ =	sdelay $0x1  }
0x31e: {  	v0 =	vadd.f32 v62, v1;
	_ =	sdelay $0x1  }
0x31f: {  	v1 =	vperm.xlane v0, v61;
	_ =	sdelay $0x1  }
0x320: {  	v0 =	vadd.f32 v1, v0  }
0x321: {  	v63 =	vpop (erf)  }
0x322: {  	v0 =	vmul.f32 v63, v0;
	_ =	sdelay $0x1  }
0x323: {  	s31 =	simm.s32 $0x0;
	[tilespmem:$0x3000] =	vst v0  }
0x324: {  	[hbm4b:s1+s31] =	stream.linear.scatter [tilespmem:s5], [sflag:$0x3], $0x1, $0x38;
	[tilespmem:$0x32A0] =	vst v63  }
0x325: {  	_ =	swait.ge [sflag:s4], $0x1  }
0x326: {  	[sflag:s4] =	ssyncset.done $0x0  }
0x327: {  	[sflag:s4] =	ssyncadd.s32 $0xFFFFFFFF  }
0x328: {  	_ =	sfence.sel $0x180000  }
0x329: {  	[bflag:$0x0] =	sbarrier.arrive $0xFFFF  }
0x32a: {  	_ =	strace $0x90000047  }
0x32b: {  	s0 =	sadd.s32 $0x100000, s0;
	[bflag:$0x2] =	sbarrier.arrive $0xFFFF  }
0x32c: {  	[sflag:s0] =	ssyncadd.tile.s32 $0x1;
	_ =	shalt  }
.Lfunc_end2:
_tile_overlayer_lowered:
.L_overlay_start_2:
0x32d: {  	(tag) =	ssettag $0x2  }
0x32e: {  	s0 =	rddreg [dreg:$0x0];
	s2 =	stileid.u32  }
0x32f: {  	s1 =	rddreg [dreg:$0x1];
	p0 =	sne.s32 s2, $0x0  }
0x330: {  	s3 =	rddreg [dreg:$0x2];
	[bflag:$0x3] =	sbarrier.arrive $0xFFFF;
	s2 =	simm.s32 @!p0 $0x1C03  }
0x331: {  	[timem:s3], [sflag:s2] =	dma.local @!p0 [hbm:s0], s1  }
0x332: {  	s0 =	simm.s32 @!p0 $0x3  }
0x333: {  	_ =	swait.ge @!p0 [sflag:s0], s1  }
0x334: {  	s1 =	ssub.s32 @!p0 $0x0, s1;
	[sflag:s0] =	ssyncset.done @!p0 $0x0  }
0x335: {  	[sflag:s0] =	ssyncadd.s32 @!p0 s1  }
0x336: {  	[bflag:$0x3] =	sbarrier.arrive $0xFFFF  }
0x337: {  	_ =	shalt  }

</sc_bundles>
